<compile_context>
chip_gen: v7x
topology: tpu7x:2x2x1
jax: 0.10.2.dev20260603
libtpu: 0.0.44.dev20260713+nightly
codegen_flags: <defaults>
</compile_context>

<pallas_src>
import functools

import jax
import jax.numpy as jnp
from jax import lax
from jax.experimental import pallas as pl
from jax.experimental.pallas import tpu as pltpu
from jax.experimental.pallas import tpu_sc as plsc

NC = 2
NS = 16
NW = NC * NS

N_NODES = 10000
NPAD = 10240
D = 128
LANES = 16
CHUNK = 128
SLAB = 16
ROWS_PER_SUB = NPAD // NS


def _sc_aggregate(h, src_ck, dst_ck, chunks_per_w):
    mesh = plsc.VectorSubcoreMesh(
        core_axis_name="c", subcore_axis_name="s", num_cores=NC,
        num_subcores=NS)
    n_slabs = chunks_per_w // SLAB

    @functools.partial(
        pl.kernel,
        out_type=[
            jax.ShapeDtypeStruct((NC, NPAD, D), jnp.float32),
            jax.ShapeDtypeStruct((NC, NPAD, D), jnp.float32),
        ],
        mesh=mesh,
        scratch_types=[
            pltpu.VMEM((SLAB, CHUNK), jnp.int32),
            pltpu.VMEM((SLAB, CHUNK), jnp.int32),
            pltpu.VMEM((CHUNK, D), jnp.float32),
            pltpu.VMEM((CHUNK, D), jnp.float32),
            pltpu.VMEM_SHARED((NPAD, D), jnp.float32),
            pltpu.SemaphoreType.DMA,
            pltpu.SemaphoreType.DMA,
            pltpu.SemaphoreType.DMA,
        ],
    )
    def sc_kernel(h_hbm, src_hbm, dst_hbm, agg_out, deg_out,
                  src_v, dst_v, rows_v, rows_b, acc_sh, sem, sem_s, sem_s2):
        c = lax.axis_index("c")
        s = lax.axis_index("s")
        w = c * NS + s
        row0 = pl.multiple_of(s * ROWS_PER_SUB, CHUNK)
        zero16 = jnp.zeros((LANES,), jnp.float32)
        one16 = jnp.ones((LANES,), jnp.float32)

        @pl.loop(0, CHUNK)
        def _(i):
            for k in range(D // LANES):
                rows_v[i, pl.ds(k * LANES, LANES)] = zero16

        @pl.loop(0, ROWS_PER_SUB // CHUNK)
        def _(t):
            r = pl.multiple_of(row0 + t * CHUNK, CHUNK)
            pltpu.async_copy(rows_v, acc_sh.at[pl.ds(r, CHUNK)], sem).wait()

        plsc.subcore_barrier()

        @pl.loop(0, n_slabs)
        def _(ss):
            base = pl.multiple_of(w * chunks_per_w + ss * SLAB, SLAB)
            pltpu.sync_copy(src_hbm.at[pl.ds(base, SLAB)], src_v)
            pltpu.sync_copy(dst_hbm.at[pl.ds(base, SLAB)], dst_v)

            bufs = (rows_v, rows_b)
            ssems = (sem_s, sem_s2)
            g = pltpu.async_copy(h_hbm.at[src_v.at[0]], bufs[0], sem)
            prev_s = None
            for j in range(SLAB):
                g.wait()
                s = pltpu.async_copy(bufs[j % 2], acc_sh.at[dst_v.at[j]],
                                     ssems[j % 2], add=True)
                if prev_s is not None:
                    prev_s.wait()
                if j + 1 < SLAB:
                    g = pltpu.async_copy(h_hbm.at[src_v.at[j + 1]],
                                         bufs[(j + 1) % 2], sem)
                prev_s = s
            prev_s.wait()

        plsc.subcore_barrier()
        pltpu.async_copy(acc_sh.at[pl.ds(row0, ROWS_PER_SUB)],
                         agg_out.at[c, pl.ds(row0, ROWS_PER_SUB)],
                         sem).wait()

        @pl.loop(0, CHUNK)
        def _(i):
            for k in range(D // LANES):
                rows_v[i, pl.ds(k * LANES, LANES)] = zero16

        @pl.loop(0, ROWS_PER_SUB // CHUNK)
        def _(t):
            r = pl.multiple_of(row0 + t * CHUNK, CHUNK)
            pltpu.async_copy(rows_v, acc_sh.at[pl.ds(r, CHUNK)], sem).wait()

        @pl.loop(0, CHUNK)
        def _(i):
            for k in range(D // LANES):
                rows_v[i, pl.ds(k * LANES, LANES)] = one16

        plsc.subcore_barrier()

        @pl.loop(0, n_slabs)
        def _(ss):
            base = pl.multiple_of(w * chunks_per_w + ss * SLAB, SLAB)
            pltpu.sync_copy(dst_hbm.at[pl.ds(base, SLAB)], dst_v)

            descs = [
                pltpu.async_copy(rows_v, acc_sh.at[dst_v.at[j]], sem_s,
                                 add=True)
                for j in range(SLAB)
            ]
            for d in descs:
                d.wait()

        plsc.subcore_barrier()
        pltpu.async_copy(acc_sh.at[pl.ds(row0, ROWS_PER_SUB)],
                         deg_out.at[c, pl.ds(row0, ROWS_PER_SUB)],
                         sem).wait()

    return sc_kernel(h, src_ck, dst_ck)


def _tc_finish_body(agg_ref, deg_ref, wt_ref, b_ref, o_ref):
    agg = agg_ref[0] + agg_ref[1]
    deg = deg_ref[0, :, 0:1] + deg_ref[1, :, 0:1]
    h_neigh = agg / jnp.maximum(deg, 1.0)
    o_ref[...] = (
        jnp.dot(h_neigh, wt_ref[...], preferred_element_type=jnp.float32)
        + b_ref[...])


def _tc_finish(agg, deg, w_t, b2):
    br = 2000
    grid = (N_NODES // br,)
    return pl.pallas_call(
        _tc_finish_body,
        grid=grid,
        in_specs=[
            pl.BlockSpec((NC, br, D), lambda i: (0, i, 0)),
            pl.BlockSpec((NC, br, D), lambda i: (0, i, 0)),
            pl.BlockSpec((D, D), lambda i: (0, 0)),
            pl.BlockSpec((1, D), lambda i: (0, 0)),
        ],
        out_specs=pl.BlockSpec((br, D), lambda i: (i, 0)),
        out_shape=jax.ShapeDtypeStruct((N_NODES, D), jnp.float32),
    )(agg, deg, w_t, b2)


@jax.jit
def kernel(h, edge_index, W, b):
    n_edges = edge_index.shape[1]
    e_pad = -(-n_edges // (NW * CHUNK * SLAB)) * (NW * CHUNK * SLAB)
    n_fake = e_pad - n_edges
    chunks_per_w = e_pad // (NW * CHUNK)

    src = edge_index[0].astype(jnp.int32)
    dst = edge_index[1].astype(jnp.int32)
    if n_fake:
        src = jnp.concatenate([src, jnp.zeros((n_fake,), jnp.int32)])
        fake_dst = N_NODES + (jnp.arange(n_fake, dtype=jnp.int32)
                              % (NPAD - N_NODES))
        dst = jnp.concatenate([dst, fake_dst])
    src_ck = src.reshape(NW * chunks_per_w, CHUNK)
    dst_ck = dst.reshape(NW * chunks_per_w, CHUNK)

    agg, deg = _sc_aggregate(h, src_ck, dst_ck, chunks_per_w)
    return _tc_finish(agg, deg, W.T, b.reshape(1, D))

# --- scband reference (transcript-rebuilt; emitter-appended) ---
"""Pipeline reference for scband-custom-gcn-31877247271292 (READ-ONLY COPY).

The authoritative reference and input builder live on the scoring server;
editing this copy changes nothing except your own understanding.
"""

import jax, jax.numpy as jnp
import numpy as np

N_NODES = 10000
N_EDGES = 320000
D_IN = 128
D_OUT = 128


def setup_inputs(seed: int = 0) -> dict:
    key = jax.random.key(seed)
    k1, k2, k3, k4 = jax.random.split(key, 4)
    h = jax.random.normal(k1, (N_NODES, D_IN), dtype=jnp.float32)
    edge_index = jax.random.randint(k2, (2, N_EDGES), 0, N_NODES, dtype=jnp.int64)
    # Linear layer params (nn.Linear(in_f, out_f)): W is [out_f, in_f], b is [out_f]
    W = jax.random.normal(k3, (D_OUT, D_IN), dtype=jnp.float32) * (1.0 / np.sqrt(D_IN))
    b = jax.random.normal(k4, (D_OUT,), dtype=jnp.float32) * 0.01
    return {"h": h, "edge_index": edge_index, "W": W, "b": b}


def reference(h, edge_index, W, b):
    # DGL block with copy_u -> mean aggregation. Here the block is the full
    # graph: all N nodes are both src and dst (num_dst_nodes == N).
    src = edge_index[0]
    dst = edge_index[1]
    # message: m = h_src[src]  (gather)
    m = jnp.take(h, src, axis=0)
    # mean reduce by destination node (scatter-add + degree normalization)
    agg = jax.ops.segment_sum(m, dst, num_segments=N_NODES)
    deg = jax.ops.segment_sum(jnp.ones((src.shape[0],), dtype=jnp.float32), dst, num_segments=N_NODES)
    h_neigh = agg / jnp.maximum(deg, 1.0)[:, None]
    # self.W(h_neigh): linear layer
    return h_neigh @ W.T + b

if __name__ == "__main__":
    import jax
    _d = setup_inputs()
    print(jax.jit(kernel)(*tuple(_d.values())))

</pallas_src>

<mosaic_0001>
#map = affine_map<(d0, d1) -> (0, 0)>
#map1 = affine_map<(d0, d1) -> (0, 0, 0)>
module attributes {stable_mosaic.version = 14 : i64} {
  func.func @sc_kernel(%arg0: i32, %arg1: i32, %arg2: memref<10000x128xf32, #tpu.memory_space<hbm>>, %arg3: memref<2560x128xi32, #tpu.memory_space<hbm>>, %arg4: memref<2560x128xi32, #tpu.memory_space<hbm>>, %arg5: memref<2x10240x128xf32, #tpu.memory_space<hbm>>, %arg6: memref<2x10240x128xf32, #tpu.memory_space<hbm>>, %arg7: memref<16x128xi32, #tpu.memory_space<vmem>>, %arg8: memref<16x128xi32, #tpu.memory_space<vmem>>, %arg9: memref<128x128xf32, #tpu.memory_space<vmem>>, %arg10: memref<128x128xf32, #tpu.memory_space<vmem>>, %arg11: memref<10240x128xf32, #tpu.memory_space<vmem_shared>>, %arg12: memref<!tpu.dma_semaphore, #tpu.memory_space<semaphore_mem>>, %arg13: memref<!tpu.dma_semaphore, #tpu.memory_space<semaphore_mem>>, %arg14: memref<!tpu.dma_semaphore, #tpu.memory_space<semaphore_mem>>) attributes {dimension_semantics = [#tpu.dimension_semantics<core_parallel>, #tpu.dimension_semantics<subcore_parallel>], iteration_bounds = array<i64: 2, 16>, scalar_prefetch = 0 : i64, scratch_operands = 8 : i64, tpu.core_type = #tpu.core_type<sc_vector_subcore>, window_params = [{transform_indices = #map}, {transform_indices = #map}, {transform_indices = #map}, {transform_indices = #map1}, {transform_indices = #map1}]} {
    %mul3A = arith.constant 16 : i32
    %mul3A_0 = arith.muli %arg0, %mul3A : i32
    %add3A = arith.addi %mul3A_0, %arg1 : i32
    %mul3A_1 = arith.constant 640 : i32
    %mul3A_2 = arith.muli %arg1, %mul3A_1 : i32
    %multiple_of3A = tpu.assume_multiple %mul3A_2, 128 : i32
    %broadcast_in_dim3A = arith.constant 0.000000e+00 : f32
    %broadcast_in_dim3A_3 = vector.broadcast %broadcast_in_dim3A : f32 to vector<16xf32>
    %broadcast_in_dim3A_4 = arith.constant 1.000000e+00 : f32
    %broadcast_in_dim3A_5 = vector.broadcast %broadcast_in_dim3A_4 : f32 to vector<16xf32>
    %scan3A = arith.constant 0 : i32
    %scan3A_6 = arith.constant 128 : i32
    %scan3A_7 = arith.addi %scan3A, %scan3A_6 : i32
    %scan3A_8 = arith.constant 1 : i32
    scf.for %scan3A_61 = %scan3A to %scan3A_7 step %scan3A_8  : i32 {
      %mul3A_62 = arith.constant 1 : i32
      %mul3A_63 = arith.muli %scan3A_61, %mul3A_62 : i32
      %add3A_64 = arith.constant 0 : i32
      %add3A_65 = arith.addi %add3A_64, %mul3A_63 : i32
      %swap3A = arith.index_cast %add3A_65 : i32 to index
      %swap3A_66 = arith.constant 0 : index
      %swap3A_67 = tpu.vector_load %arg9[%swap3A, %swap3A_66] {strides = array<i32>} : memref<128x128xf32, #tpu.memory_space<vmem>>, vector<1x16xf32>,
      %swap3A_68 = vector.shape_cast %swap3A_67 : vector<1x16xf32> to vector<16xf32>
      %swap3A_69 = vector.shape_cast %broadcast_in_dim3A_3 : vector<16xf32> to vector<1x16xf32>
      tpu.vector_store %arg9[%swap3A, %swap3A_66], %swap3A_69 {strides = array<i32>} : memref<128x128xf32, #tpu.memory_space<vmem>>, vector<1x16xf32>,
      %swap3A_70 = arith.index_cast %add3A_65 : i32 to index
      %swap3A_71 = arith.constant 16 : index
      %swap3A_72 = tpu.vector_load %arg9[%swap3A_70, %swap3A_71] {strides = array<i32>} : memref<128x128xf32, #tpu.memory_space<vmem>>, vector<1x16xf32>,
      %swap3A_73 = vector.shape_cast %swap3A_72 : vector<1x16xf32> to vector<16xf32>
      %swap3A_74 = vector.shape_cast %broadcast_in_dim3A_3 : vector<16xf32> to vector<1x16xf32>
      tpu.vector_store %arg9[%swap3A_70, %swap3A_71], %swap3A_74 {strides = array<i32>} : memref<128x128xf32, #tpu.memory_space<vmem>>, vector<1x16xf32>,
      %swap3A_75 = arith.index_cast %add3A_65 : i32 to index
      %swap3A_76 = arith.constant 32 : index
      %swap3A_77 = tpu.vector_load %arg9[%swap3A_75, %swap3A_76] {strides = array<i32>} : memref<128x128xf32, #tpu.memory_space<vmem>>, vector<1x16xf32>,
      %swap3A_78 = vector.shape_cast %swap3A_77 : vector<1x16xf32> to vector<16xf32>
      %swap3A_79 = vector.shape_cast %broadcast_in_dim3A_3 : vector<16xf32> to vector<1x16xf32>
      tpu.vector_store %arg9[%swap3A_75, %swap3A_76], %swap3A_79 {strides = array<i32>} : memref<128x128xf32, #tpu.memory_space<vmem>>, vector<1x16xf32>,
      %swap3A_80 = arith.index_cast %add3A_65 : i32 to index
      %swap3A_81 = arith.constant 48 : index
      %swap3A_82 = tpu.vector_load %arg9[%swap3A_80, %swap3A_81] {strides = array<i32>} : memref<128x128xf32, #tpu.memory_space<vmem>>, vector<1x16xf32>,
      %swap3A_83 = vector.shape_cast %swap3A_82 : vector<1x16xf32> to vector<16xf32>
      %swap3A_84 = vector.shape_cast %broadcast_in_dim3A_3 : vector<16xf32> to vector<1x16xf32>
      tpu.vector_store %arg9[%swap3A_80, %swap3A_81], %swap3A_84 {strides = array<i32>} : memref<128x128xf32, #tpu.memory_space<vmem>>, vector<1x16xf32>,
      %swap3A_85 = arith.index_cast %add3A_65 : i32 to index
      %swap3A_86 = arith.constant 64 : index
      %swap3A_87 = tpu.vector_load %arg9[%swap3A_85, %swap3A_86] {strides = array<i32>} : memref<128x128xf32, #tpu.memory_space<vmem>>, vector<1x16xf32>,
      %swap3A_88 = vector.shape_cast %swap3A_87 : vector<1x16xf32> to vector<16xf32>
      %swap3A_89 = vector.shape_cast %broadcast_in_dim3A_3 : vector<16xf32> to vector<1x16xf32>
      tpu.vector_store %arg9[%swap3A_85, %swap3A_86], %swap3A_89 {strides = array<i32>} : memref<128x128xf32, #tpu.memory_space<vmem>>, vector<1x16xf32>,
      %swap3A_90 = arith.index_cast %add3A_65 : i32 to index
      %swap3A_91 = arith.constant 80 : index
      %swap3A_92 = tpu.vector_load %arg9[%swap3A_90, %swap3A_91] {strides = array<i32>} : memref<128x128xf32, #tpu.memory_space<vmem>>, vector<1x16xf32>,
      %swap3A_93 = vector.shape_cast %swap3A_92 : vector<1x16xf32> to vector<16xf32>
      %swap3A_94 = vector.shape_cast %broadcast_in_dim3A_3 : vector<16xf32> to vector<1x16xf32>
      tpu.vector_store %arg9[%swap3A_90, %swap3A_91], %swap3A_94 {strides = array<i32>} : memref<128x128xf32, #tpu.memory_space<vmem>>, vector<1x16xf32>,
      %swap3A_95 = arith.index_cast %add3A_65 : i32 to index
      %swap3A_96 = arith.constant 96 : index
      %swap3A_97 = tpu.vector_load %arg9[%swap3A_95, %swap3A_96] {strides = array<i32>} : memref<128x128xf32, #tpu.memory_space<vmem>>, vector<1x16xf32>,
      %swap3A_98 = vector.shape_cast %swap3A_97 : vector<1x16xf32> to vector<16xf32>
      %swap3A_99 = vector.shape_cast %broadcast_in_dim3A_3 : vector<16xf32> to vector<1x16xf32>
      tpu.vector_store %arg9[%swap3A_95, %swap3A_96], %swap3A_99 {strides = array<i32>} : memref<128x128xf32, #tpu.memory_space<vmem>>, vector<1x16xf32>,
      %swap3A_100 = arith.index_cast %add3A_65 : i32 to index
      %swap3A_101 = arith.constant 112 : index
      %swap3A_102 = tpu.vector_load %arg9[%swap3A_100, %swap3A_101] {strides = array<i32>} : memref<128x128xf32, #tpu.memory_space<vmem>>, vector<1x16xf32>,
      %swap3A_103 = vector.shape_cast %swap3A_102 : vector<1x16xf32> to vector<16xf32>
      %swap3A_104 = vector.shape_cast %broadcast_in_dim3A_3 : vector<16xf32> to vector<1x16xf32>
      tpu.vector_store %arg9[%swap3A_100, %swap3A_101], %swap3A_104 {strides = array<i32>} : memref<128x128xf32, #tpu.memory_space<vmem>>, vector<1x16xf32>,
    }
    %scan3A_9 = arith.constant 128 : i32
    %scan3A_10 = arith.constant 0 : i32
    %scan3A_11 = arith.constant 5 : i32
    %scan3A_12 = arith.addi %scan3A_10, %scan3A_11 : i32
    %scan3A_13 = arith.constant 1 : i32
    scf.for %scan3A_61 = %scan3A_10 to %scan3A_12 step %scan3A_13  : i32 {
      %mul3A_62 = arith.constant 1 : i32
      %mul3A_63 = arith.muli %scan3A_61, %mul3A_62 : i32
      %add3A_64 = arith.constant 0 : i32
      %add3A_65 = arith.addi %add3A_64, %mul3A_63 : i32
      %mul3A_66 = arith.constant 128 : i32
      %mul3A_67 = arith.muli %add3A_65, %mul3A_66 : i32
      %add3A_68 = arith.addi %multiple_of3A, %mul3A_67 : i32
      %multiple_of3A_69 = tpu.assume_multiple %add3A_68, 128 : i32
      %dma_start3A_70 = arith.constant 0 : i32
      %dma_start3A_71 = tpu.memref_slice %arg11[%multiple_of3A_69, %dma_start3A_70] : memref<10240x128xf32, #tpu.memory_space<vmem_shared>> -> memref<128x128xf32, #tpu.memory_space<vmem_shared>>
      %dma_start3A_72 = arith.constant 0 : i32
      %dma_start3A_73 = tpu.memref_slice %arg11[%multiple_of3A_69, %dma_start3A_72] : memref<10240x128xf32, #tpu.memory_space<vmem_shared>> -> memref<128x128xf32, #tpu.memory_space<vmem_shared>>
      tpu.enqueue_dma source(%arg9 : memref<128x128xf32, #tpu.memory_space<vmem>>) target(%dma_start3A_73 : memref<128x128xf32, #tpu.memory_space<vmem_shared>>) target_semaphore(%arg12 : memref<!tpu.dma_semaphore, #tpu.memory_space<semaphore_mem>>)
      %dma_wait3A_74 = arith.constant 0 : i32
      %dma_wait3A_75 = tpu.memref_slice %arg11[%multiple_of3A_69, %dma_wait3A_74] : memref<10240x128xf32, #tpu.memory_space<vmem_shared>> -> memref<128x128xf32, #tpu.memory_space<vmem_shared>>
      %dma_wait3A_76 = arith.constant 0 : i32
      %dma_wait3A_77 = tpu.memref_slice %arg11[%multiple_of3A_69, %dma_wait3A_76] : memref<10240x128xf32, #tpu.memory_space<vmem_shared>> -> memref<128x128xf32, #tpu.memory_space<vmem_shared>>
      tpu.wait_dma2 semaphore(%arg12 : memref<!tpu.dma_semaphore, #tpu.memory_space<semaphore_mem>>) src(%arg9 : memref<128x128xf32, #tpu.memory_space<vmem>>) dst(%dma_wait3A_77 : memref<128x128xf32, #tpu.memory_space<vmem_shared>>)
    }
    %scan3A_14 = arith.constant 5 : i32
    %barrier3A = arith.constant 0 : index
    tpu.barrier barrier_id(%barrier3A)
    %scan3A_15 = arith.constant 0 : i32
    %scan3A_16 = arith.constant 5 : i32
    %scan3A_17 = arith.addi %scan3A_15, %scan3A_16 : i32
    %scan3A_18 = arith.constant 1 : i32
    scf.for %scan3A_61 = %scan3A_15 to %scan3A_17 step %scan3A_18  : i32 {
      %mul3A_62 = arith.constant 1 : i32
      %mul3A_63 = arith.muli %scan3A_61, %mul3A_62 : i32
      %add3A_64 = arith.constant 0 : i32
      %add3A_65 = arith.addi %add3A_64, %mul3A_63 : i32
      %mul3A_66 = arith.constant 80 : i32
      %mul3A_67 = arith.muli %add3A, %mul3A_66 : i32
      %mul3A_68 = arith.constant 16 : i32
      %mul3A_69 = arith.muli %add3A_65, %mul3A_68 : i32
      %add3A_70 = arith.addi %mul3A_67, %mul3A_69 : i32
      %multiple_of3A_71 = tpu.assume_multiple %add3A_70, 16 : i32
      "tpu.region"() ({
        %run_scoped3A = tpu.sem_alloc : memref<!tpu.dma_semaphore, #tpu.memory_space<semaphore_mem>>
        %dma_start3A_520 = arith.constant 0 : i32
        %dma_start3A_521 = tpu.memref_slice %arg3[%multiple_of3A_71, %dma_start3A_520] : memref<2560x128xi32, #tpu.memory_space<hbm>> -> memref<16x128xi32, #tpu.memory_space<hbm>>
        %dma_start3A_522 = arith.constant 0 : i32
        %dma_start3A_523 = tpu.memref_slice %arg3[%multiple_of3A_71, %dma_start3A_522] : memref<2560x128xi32, #tpu.memory_space<hbm>> -> memref<16x128xi32, #tpu.memory_space<hbm>>
        tpu.enqueue_dma source(%dma_start3A_523 : memref<16x128xi32, #tpu.memory_space<hbm>>) target(%arg7 : memref<16x128xi32, #tpu.memory_space<vmem>>) target_semaphore(%run_scoped3A : memref<!tpu.dma_semaphore, #tpu.memory_space<semaphore_mem>>)
        %dma_wait3A_524 = arith.constant 0 : i32
        %dma_wait3A_525 = tpu.memref_slice %arg3[%multiple_of3A_71, %dma_wait3A_524] : memref<2560x128xi32, #tpu.memory_space<hbm>> -> memref<16x128xi32, #tpu.memory_space<hbm>>
        %dma_wait3A_526 = arith.constant 0 : i32
        %dma_wait3A_527 = tpu.memref_slice %arg3[%multiple_of3A_71, %dma_wait3A_526] : memref<2560x128xi32, #tpu.memory_space<hbm>> -> memref<16x128xi32, #tpu.memory_space<hbm>>
        tpu.wait_dma2 semaphore(%run_scoped3A : memref<!tpu.dma_semaphore, #tpu.memory_space<semaphore_mem>>) src(%dma_wait3A_527 : memref<16x128xi32, #tpu.memory_space<hbm>>) dst(%arg7 : memref<16x128xi32, #tpu.memory_space<vmem>>)
        tpu.yield
      }) : () -> ()
      "tpu.region"() ({
        %run_scoped3A = tpu.sem_alloc : memref<!tpu.dma_semaphore, #tpu.memory_space<semaphore_mem>>
        %dma_start3A_520 = arith.constant 0 : i32
        %dma_start3A_521 = tpu.memref_slice %arg4[%multiple_of3A_71, %dma_start3A_520] : memref<2560x128xi32, #tpu.memory_space<hbm>> -> memref<16x128xi32, #tpu.memory_space<hbm>>
        %dma_start3A_522 = arith.constant 0 : i32
        %dma_start3A_523 = tpu.memref_slice %arg4[%multiple_of3A_71, %dma_start3A_522] : memref<2560x128xi32, #tpu.memory_space<hbm>> -> memref<16x128xi32, #tpu.memory_space<hbm>>
        tpu.enqueue_dma source(%dma_start3A_523 : memref<16x128xi32, #tpu.memory_space<hbm>>) target(%arg8 : memref<16x128xi32, #tpu.memory_space<vmem>>) target_semaphore(%run_scoped3A : memref<!tpu.dma_semaphore, #tpu.memory_space<semaphore_mem>>)
        %dma_wait3A_524 = arith.constant 0 : i32
        %dma_wait3A_525 = tpu.memref_slice %arg4[%multiple_of3A_71, %dma_wait3A_524] : memref<2560x128xi32, #tpu.memory_space<hbm>> -> memref<16x128xi32, #tpu.memory_space<hbm>>
        %dma_wait3A_526 = arith.constant 0 : i32
        %dma_wait3A_527 = tpu.memref_slice %arg4[%multiple_of3A_71, %dma_wait3A_526] : memref<2560x128xi32, #tpu.memory_space<hbm>> -> memref<16x128xi32, #tpu.memory_space<hbm>>
        tpu.wait_dma2 semaphore(%run_scoped3A : memref<!tpu.dma_semaphore, #tpu.memory_space<semaphore_mem>>) src(%dma_wait3A_527 : memref<16x128xi32, #tpu.memory_space<hbm>>) dst(%arg8 : memref<16x128xi32, #tpu.memory_space<vmem>>)
        tpu.yield
      }) : () -> ()
      %dma_start3A_72 = arith.constant 0 : i32
      %dma_start3A_73 = arith.constant 0 : i32
      %dma_start3A_74 = tpu.memref_slice %arg7[%dma_start3A_72, %dma_start3A_73] : memref<16x128xi32, #tpu.memory_space<vmem>> -> memref<1x128xi32, #tpu.memory_space<vmem>>
      %dma_start3A_75 = tpu.memref_squeeze %dma_start3A_74 : memref<1x128xi32, #tpu.memory_space<vmem>> -> memref<128xi32, #tpu.memory_space<vmem>>
      %dma_start3A_76 = arith.constant 0 : i32
      %dma_start3A_77 = arith.constant 0 : i32
      %dma_start3A_78 = tpu.memref_slice %arg2[%dma_start3A_76, %dma_start3A_77] : memref<10000x128xf32, #tpu.memory_space<hbm>> -> memref<10000x128xf32, #tpu.memory_space<hbm>>
      tpu.enqueue_indirect_dma source(%dma_start3A_78 : memref<10000x128xf32, #tpu.memory_space<hbm>>) target(%arg9 : memref<128x128xf32, #tpu.memory_space<vmem>>) offsets(%dma_start3A_75 : memref<128xi32, #tpu.memory_space<vmem>>) semaphore(%arg12 : memref<!tpu.dma_semaphore, #tpu.memory_space<semaphore_mem>>)
      %dma_wait3A_79 = arith.constant 0 : i32
      %dma_wait3A_80 = arith.constant 0 : i32
      %dma_wait3A_81 = tpu.memref_slice %arg7[%dma_wait3A_79, %dma_wait3A_80] : memref<16x128xi32, #tpu.memory_space<vmem>> -> memref<1x128xi32, #tpu.memory_space<vmem>>
      %dma_wait3A_82 = tpu.memref_squeeze %dma_wait3A_81 : memref<1x128xi32, #tpu.memory_space<vmem>> -> memref<128xi32, #tpu.memory_space<vmem>>
      %dma_wait3A_83 = arith.constant 0 : i32
      %dma_wait3A_84 = arith.constant 0 : i32
      %dma_wait3A_85 = tpu.memref_slice %arg2[%dma_wait3A_83, %dma_wait3A_84] : memref<10000x128xf32, #tpu.memory_space<hbm>> -> memref<10000x128xf32, #tpu.memory_space<hbm>>
      tpu.wait_indirect_dma semaphore(%arg12 : memref<!tpu.dma_semaphore, #tpu.memory_space<semaphore_mem>>) src(%dma_wait3A_85 : memref<10000x128xf32, #tpu.memory_space<hbm>>) dst(%arg9 : memref<128x128xf32, #tpu.memory_space<vmem>>)
      %dma_start3A_86 = arith.constant 0 : i32
      %dma_start3A_87 = arith.constant 0 : i32
      %dma_start3A_88 = tpu.memref_slice %arg8[%dma_start3A_86, %dma_start3A_87] : memref<16x128xi32, #tpu.memory_space<vmem>> -> memref<1x128xi32, #tpu.memory_space<vmem>>
      %dma_start3A_89 = tpu.memref_squeeze %dma_start3A_88 : memref<1x128xi32, #tpu.memory_space<vmem>> -> memref<128xi32, #tpu.memory_space<vmem>>
      %dma_start3A_90 = arith.constant 0 : i32
      %dma_start3A_91 = arith.constant 0 : i32
      %dma_start3A_92 = tpu.memref_slice %arg11[%dma_start3A_90, %dma_start3A_91] : memref<10240x128xf32, #tpu.memory_space<vmem_shared>> -> memref<10240x128xf32, #tpu.memory_space<vmem_shared>>
      tpu.enqueue_indirect_dma source(%arg9 : memref<128x128xf32, #tpu.memory_space<vmem>>) target(%dma_start3A_92 : memref<10240x128xf32, #tpu.memory_space<vmem_shared>>) offsets(%dma_start3A_89 : memref<128xi32, #tpu.memory_space<vmem>>) semaphore(%arg13 : memref<!tpu.dma_semaphore, #tpu.memory_space<semaphore_mem>>) {add = true}
      %dma_start3A_93 = arith.constant 1 : i32
      %dma_start3A_94 = arith.constant 0 : i32
      %dma_start3A_95 = tpu.memref_slice %arg7[%dma_start3A_93, %dma_start3A_94] : memref<16x128xi32, #tpu.memory_space<vmem>> -> memref<1x128xi32, #tpu.memory_space<vmem>>
      %dma_start3A_96 = tpu.memref_squeeze %dma_start3A_95 : memref<1x128xi32, #tpu.memory_space<vmem>> -> memref<128xi32, #tpu.memory_space<vmem>>
      %dma_start3A_97 = arith.constant 0 : i32
      %dma_start3A_98 = arith.constant 0 : i32
      %dma_start3A_99 = tpu.memref_slice %arg2[%dma_start3A_97, %dma_start3A_98] : memref<10000x128xf32, #tpu.memory_space<hbm>> -> memref<10000x128xf32, #tpu.memory_space<hbm>>
      tpu.enqueue_indirect_dma source(%dma_start3A_99 : memref<10000x128xf32, #tpu.memory_space<hbm>>) target(%arg10 : memref<128x128xf32, #tpu.memory_space<vmem>>) offsets(%dma_start3A_96 : memref<128xi32, #tpu.memory_space<vmem>>) semaphore(%arg12 : memref<!tpu.dma_semaphore, #tpu.memory_space<semaphore_mem>>)
      %dma_wait3A_100 = arith.constant 1 : i32
      %dma_wait3A_101 = arith.constant 0 : i32
      %dma_wait3A_102 = tpu.memref_slice %arg7[%dma_wait3A_100, %dma_wait3A_101] : memref<16x128xi32, #tpu.memory_space<vmem>> -> memref<1x128xi32, #tpu.memory_space<vmem>>
      %dma_wait3A_103 = tpu.memref_squeeze %dma_wait3A_102 : memref<1x128xi32, #tpu.memory_space<vmem>> -> memref<128xi32, #tpu.memory_space<vmem>>
      %dma_wait3A_104 = arith.constant 0 : i32
      %dma_wait3A_105 = arith.constant 0 : i32
      %dma_wait3A_106 = tpu.memref_slice %arg2[%dma_wait3A_104, %dma_wait3A_105] : memref<10000x128xf32, #tpu.memory_space<hbm>> -> memref<10000x128xf32, #tpu.memory_space<hbm>>
      tpu.wait_indirect_dma semaphore(%arg12 : memref<!tpu.dma_semaphore, #tpu.memory_space<semaphore_mem>>) src(%dma_wait3A_106 : memref<10000x128xf32, #tpu.memory_space<hbm>>) dst(%arg10 : memref<128x128xf32, #tpu.memory_space<vmem>>)
      %dma_start3A_107 = arith.constant 1 : i32
      %dma_start3A_108 = arith.constant 0 : i32
      %dma_start3A_109 = tpu.memref_slice %arg8[%dma_start3A_107, %dma_start3A_108] : memref<16x128xi32, #tpu.memory_space<vmem>> -> memref<1x128xi32, #tpu.memory_space<vmem>>
      %dma_start3A_110 = tpu.memref_squeeze %dma_start3A_109 : memref<1x128xi32, #tpu.memory_space<vmem>> -> memref<128xi32, #tpu.memory_space<vmem>>
      %dma_start3A_111 = arith.constant 0 : i32
      %dma_start3A_112 = arith.constant 0 : i32
      %dma_start3A_113 = tpu.memref_slice %arg11[%dma_start3A_111, %dma_start3A_112] : memref<10240x128xf32, #tpu.memory_space<vmem_shared>> -> memref<10240x128xf32, #tpu.memory_space<vmem_shared>>
      tpu.enqueue_indirect_dma source(%arg10 : memref<128x128xf32, #tpu.memory_space<vmem>>) target(%dma_start3A_113 : memref<10240x128xf32, #tpu.memory_space<vmem_shared>>) offsets(%dma_start3A_110 : memref<128xi32, #tpu.memory_space<vmem>>) semaphore(%arg14 : memref<!tpu.dma_semaphore, #tpu.memory_space<semaphore_mem>>) {add = true}
      %dma_wait3A_114 = arith.constant 0 : i32
      %dma_wait3A_115 = arith.constant 0 : i32
      %dma_wait3A_116 = tpu.memref_slice %arg8[%dma_wait3A_114, %dma_wait3A_115] : memref<16x128xi32, #tpu.memory_space<vmem>> -> memref<1x128xi32, #tpu.memory_space<vmem>>
      %dma_wait3A_117 = tpu.memref_squeeze %dma_wait3A_116 : memref<1x128xi32, #tpu.memory_space<vmem>> -> memref<128xi32, #tpu.memory_space<vmem>>
      %dma_wait3A_118 = arith.constant 0 : i32
      %dma_wait3A_119 = arith.constant 0 : i32
      %dma_wait3A_120 = tpu.memref_slice %arg11[%dma_wait3A_118, %dma_wait3A_119] : memref<10240x128xf32, #tpu.memory_space<vmem_shared>> -> memref<10240x128xf32, #tpu.memory_space<vmem_shared>>
      tpu.wait_indirect_dma semaphore(%arg13 : memref<!tpu.dma_semaphore, #tpu.memory_space<semaphore_mem>>) src(%arg9 : memref<128x128xf32, #tpu.memory_space<vmem>>) dst(%dma_wait3A_120 : memref<10240x128xf32, #tpu.memory_space<vmem_shared>>)
      %dma_start3A_121 = arith.constant 2 : i32
      %dma_start3A_122 = arith.constant 0 : i32
      %dma_start3A_123 = tpu.memref_slice %arg7[%dma_start3A_121, %dma_start3A_122] : memref<16x128xi32, #tpu.memory_space<vmem>> -> memref<1x128xi32, #tpu.memory_space<vmem>>
      %dma_start3A_124 = tpu.memref_squeeze %dma_start3A_123 : memref<1x128xi32, #tpu.memory_space<vmem>> -> memref<128xi32, #tpu.memory_space<vmem>>
      %dma_start3A_125 = arith.constant 0 : i32
      %dma_start3A_126 = arith.constant 0 : i32
      %dma_start3A_127 = tpu.memref_slice %arg2[%dma_start3A_125, %dma_start3A_126] : memref<10000x128xf32, #tpu.memory_space<hbm>> -> memref<10000x128xf32, #tpu.memory_space<hbm>>
      tpu.enqueue_indirect_dma source(%dma_start3A_127 : memref<10000x128xf32, #tpu.memory_space<hbm>>) target(%arg9 : memref<128x128xf32, #tpu.memory_space<vmem>>) offsets(%dma_start3A_124 : memref<128xi32, #tpu.memory_space<vmem>>) semaphore(%arg12 : memref<!tpu.dma_semaphore, #tpu.memory_space<semaphore_mem>>)
      %dma_wait3A_128 = arith.constant 2 : i32
      %dma_wait3A_129 = arith.constant 0 : i32
      %dma_wait3A_130 = tpu.memref_slice %arg7[%dma_wait3A_128, %dma_wait3A_129] : memref<16x128xi32, #tpu.memory_space<vmem>> -> memref<1x128xi32, #tpu.memory_space<vmem>>
      %dma_wait3A_131 = tpu.memref_squeeze %dma_wait3A_130 : memref<1x128xi32, #tpu.memory_space<vmem>> -> memref<128xi32, #tpu.memory_space<vmem>>
      %dma_wait3A_132 = arith.constant 0 : i32
      %dma_wait3A_133 = arith.constant 0 : i32
      %dma_wait3A_134 = tpu.memref_slice %arg2[%dma_wait3A_132, %dma_wait3A_133] : memref<10000x128xf32, #tpu.memory_space<hbm>> -> memref<10000x128xf32, #tpu.memory_space<hbm>>
      tpu.wait_indirect_dma semaphore(%arg12 : memref<!tpu.dma_semaphore, #tpu.memory_space<semaphore_mem>>) src(%dma_wait3A_134 : memref<10000x128xf32, #tpu.memory_space<hbm>>) dst(%arg9 : memref<128x128xf32, #tpu.memory_space<vmem>>)
      %dma_start3A_135 = arith.constant 2 : i32
      %dma_start3A_136 = arith.constant 0 : i32
      %dma_start3A_137 = tpu.memref_slice %arg8[%dma_start3A_135, %dma_start3A_136] : memref<16x128xi32, #tpu.memory_space<vmem>> -> memref<1x128xi32, #tpu.memory_space<vmem>>
      %dma_start3A_138 = tpu.memref_squeeze %dma_start3A_137 : memref<1x128xi32, #tpu.memory_space<vmem>> -> memref<128xi32, #tpu.memory_space<vmem>>
      %dma_start3A_139 = arith.constant 0 : i32
      %dma_start3A_140 = arith.constant 0 : i32
      %dma_start3A_141 = tpu.memref_slice %arg11[%dma_start3A_139, %dma_start3A_140] : memref<10240x128xf32, #tpu.memory_space<vmem_shared>> -> memref<10240x128xf32, #tpu.memory_space<vmem_shared>>
      tpu.enqueue_indirect_dma source(%arg9 : memref<128x128xf32, #tpu.memory_space<vmem>>) target(%dma_start3A_141 : memref<10240x128xf32, #tpu.memory_space<vmem_shared>>) offsets(%dma_start3A_138 : memref<128xi32, #tpu.memory_space<vmem>>) semaphore(%arg13 : memref<!tpu.dma_semaphore, #tpu.memory_space<semaphore_mem>>) {add = true}
      %dma_wait3A_142 = arith.constant 1 : i32
      %dma_wait3A_143 = arith.constant 0 : i32
      %dma_wait3A_144 = tpu.memref_slice %arg8[%dma_wait3A_142, %dma_wait3A_143] : memref<16x128xi32, #tpu.memory_space<vmem>> -> memref<1x128xi32, #tpu.memory_space<vmem>>
      %dma_wait3A_145 = tpu.memref_squeeze %dma_wait3A_144 : memref<1x128xi32, #tpu.memory_space<vmem>> -> memref<128xi32, #tpu.memory_space<vmem>>
      %dma_wait3A_146 = arith.constant 0 : i32
      %dma_wait3A_147 = arith.constant 0 : i32
      %dma_wait3A_148 = tpu.memref_slice %arg11[%dma_wait3A_146, %dma_wait3A_147] : memref<10240x128xf32, #tpu.memory_space<vmem_shared>> -> memref<10240x128xf32, #tpu.memory_space<vmem_shared>>
      tpu.wait_indirect_dma semaphore(%arg14 : memref<!tpu.dma_semaphore, #tpu.memory_space<semaphore_mem>>) src(%arg10 : memref<128x128xf32, #tpu.memory_space<vmem>>) dst(%dma_wait3A_148 : memref<10240x128xf32, #tpu.memory_space<vmem_shared>>)
      %dma_start3A_149 = arith.constant 3 : i32
      %dma_start3A_150 = arith.constant 0 : i32
      %dma_start3A_151 = tpu.memref_slice %arg7[%dma_start3A_149, %dma_start3A_150] : memref<16x128xi32, #tpu.memory_space<vmem>> -> memref<1x128xi32, #tpu.memory_space<vmem>>
      %dma_start3A_152 = tpu.memref_squeeze %dma_start3A_151 : memref<1x128xi32, #tpu.memory_space<vmem>> -> memref<128xi32, #tpu.memory_space<vmem>>
      %dma_start3A_153 = arith.constant 0 : i32
      %dma_start3A_154 = arith.constant 0 : i32
      %dma_start3A_155 = tpu.memref_slice %arg2[%dma_start3A_153, %dma_start3A_154] : memref<10000x128xf32, #tpu.memory_space<hbm>> -> memref<10000x128xf32, #tpu.memory_space<hbm>>
      tpu.enqueue_indirect_dma source(%dma_start3A_155 : memref<10000x128xf32, #tpu.memory_space<hbm>>) target(%arg10 : memref<128x128xf32, #tpu.memory_space<vmem>>) offsets(%dma_start3A_152 : memref<128xi32, #tpu.memory_space<vmem>>) semaphore(%arg12 : memref<!tpu.dma_semaphore, #tpu.memory_space<semaphore_mem>>)
      %dma_wait3A_156 = arith.constant 3 : i32
      %dma_wait3A_157 = arith.constant 0 : i32
      %dma_wait3A_158 = tpu.memref_slice %arg7[%dma_wait3A_156, %dma_wait3A_157] : memref<16x128xi32, #tpu.memory_space<vmem>> -> memref<1x128xi32, #tpu.memory_space<vmem>>
      %dma_wait3A_159 = tpu.memref_squeeze %dma_wait3A_158 : memref<1x128xi32, #tpu.memory_space<vmem>> -> memref<128xi32, #tpu.memory_space<vmem>>
      %dma_wait3A_160 = arith.constant 0 : i32
      %dma_wait3A_161 = arith.constant 0 : i32
      %dma_wait3A_162 = tpu.memref_slice %arg2[%dma_wait3A_160, %dma_wait3A_161] : memref<10000x128xf32, #tpu.memory_space<hbm>> -> memref<10000x128xf32, #tpu.memory_space<hbm>>
      tpu.wait_indirect_dma semaphore(%arg12 : memref<!tpu.dma_semaphore, #tpu.memory_space<semaphore_mem>>) src(%dma_wait3A_162 : memref<10000x128xf32, #tpu.memory_space<hbm>>) dst(%arg10 : memref<128x128xf32, #tpu.memory_space<vmem>>)
      %dma_start3A_163 = arith.constant 3 : i32
      %dma_start3A_164 = arith.constant 0 : i32
      %dma_start3A_165 = tpu.memref_slice %arg8[%dma_start3A_163, %dma_start3A_164] : memref<16x128xi32, #tpu.memory_space<vmem>> -> memref<1x128xi32, #tpu.memory_space<vmem>>
      %dma_start3A_166 = tpu.memref_squeeze %dma_start3A_165 : memref<1x128xi32, #tpu.memory_space<vmem>> -> memref<128xi32, #tpu.memory_space<vmem>>
      %dma_start3A_167 = arith.constant 0 : i32
      %dma_start3A_168 = arith.constant 0 : i32
      %dma_start3A_169 = tpu.memref_slice %arg11[%dma_start3A_167, %dma_start3A_168] : memref<10240x128xf32, #tpu.memory_space<vmem_shared>> -> memref<10240x128xf32, #tpu.memory_space<vmem_shared>>
      tpu.enqueue_indirect_dma source(%arg10 : memref<128x128xf32, #tpu.memory_space<vmem>>) target(%dma_start3A_169 : memref<10240x128xf32, #tpu.memory_space<vmem_shared>>) offsets(%dma_start3A_166 : memref<128xi32, #tpu.memory_space<vmem>>) semaphore(%arg14 : memref<!tpu.dma_semaphore, #tpu.memory_space<semaphore_mem>>) {add = true}
      %dma_wait3A_170 = arith.constant 2 : i32
      %dma_wait3A_171 = arith.constant 0 : i32
      %dma_wait3A_172 = tpu.memref_slice %arg8[%dma_wait3A_170, %dma_wait3A_171] : memref<16x128xi32, #tpu.memory_space<vmem>> -> memref<1x128xi32, #tpu.memory_space<vmem>>
      %dma_wait3A_173 = tpu.memref_squeeze %dma_wait3A_172 : memref<1x128xi32, #tpu.memory_space<vmem>> -> memref<128xi32, #tpu.memory_space<vmem>>
      %dma_wait3A_174 = arith.constant 0 : i32
      %dma_wait3A_175 = arith.constant 0 : i32
      %dma_wait3A_176 = tpu.memref_slice %arg11[%dma_wait3A_174, %dma_wait3A_175] : memref<10240x128xf32, #tpu.memory_space<vmem_shared>> -> memref<10240x128xf32, #tpu.memory_space<vmem_shared>>
      tpu.wait_indirect_dma semaphore(%arg13 : memref<!tpu.dma_semaphore, #tpu.memory_space<semaphore_mem>>) src(%arg9 : memref<128x128xf32, #tpu.memory_space<vmem>>) dst(%dma_wait3A_176 : memref<10240x128xf32, #tpu.memory_space<vmem_shared>>)
      %dma_start3A_177 = arith.constant 4 : i32
      %dma_start3A_178 = arith.constant 0 : i32
      %dma_start3A_179 = tpu.memref_slice %arg7[%dma_start3A_177, %dma_start3A_178] : memref<16x128xi32, #tpu.memory_space<vmem>> -> memref<1x128xi32, #tpu.memory_space<vmem>>
      %dma_start3A_180 = tpu.memref_squeeze %dma_start3A_179 : memref<1x128xi32, #tpu.memory_space<vmem>> -> memref<128xi32, #tpu.memory_space<vmem>>
      %dma_start3A_181 = arith.constant 0 : i32
      %dma_start3A_182 = arith.constant 0 : i32
      %dma_start3A_183 = tpu.memref_slice %arg2[%dma_start3A_181, %dma_start3A_182] : memref<10000x128xf32, #tpu.memory_space<hbm>> -> memref<10000x128xf32, #tpu.memory_space<hbm>>
      tpu.enqueue_indirect_dma source(%dma_start3A_183 : memref<10000x128xf32, #tpu.memory_space<hbm>>) target(%arg9 : memref<128x128xf32, #tpu.memory_space<vmem>>) offsets(%dma_start3A_180 : memref<128xi32, #tpu.memory_space<vmem>>) semaphore(%arg12 : memref<!tpu.dma_semaphore, #tpu.memory_space<semaphore_mem>>)
      %dma_wait3A_184 = arith.constant 4 : i32
      %dma_wait3A_185 = arith.constant 0 : i32
      %dma_wait3A_186 = tpu.memref_slice %arg7[%dma_wait3A_184, %dma_wait3A_185] : memref<16x128xi32, #tpu.memory_space<vmem>> -> memref<1x128xi32, #tpu.memory_space<vmem>>
      %dma_wait3A_187 = tpu.memref_squeeze %dma_wait3A_186 : memref<1x128xi32, #tpu.memory_space<vmem>> -> memref<128xi32, #tpu.memory_space<vmem>>
      %dma_wait3A_188 = arith.constant 0 : i32
      %dma_wait3A_189 = arith.constant 0 : i32
      %dma_wait3A_190 = tpu.memref_slice %arg2[%dma_wait3A_188, %dma_wait3A_189] : memref<10000x128xf32, #tpu.memory_space<hbm>> -> memref<10000x128xf32, #tpu.memory_space<hbm>>
      tpu.wait_indirect_dma semaphore(%arg12 : memref<!tpu.dma_semaphore, #tpu.memory_space<semaphore_mem>>) src(%dma_wait3A_190 : memref<10000x128xf32, #tpu.memory_space<hbm>>) dst(%arg9 : memref<128x128xf32, #tpu.memory_space<vmem>>)
      %dma_start3A_191 = arith.constant 4 : i32
      %dma_start3A_192 = arith.constant 0 : i32
      %dma_start3A_193 = tpu.memref_slice %arg8[%dma_start3A_191, %dma_start3A_192] : memref<16x128xi32, #tpu.memory_space<vmem>> -> memref<1x128xi32, #tpu.memory_space<vmem>>
      %dma_start3A_194 = tpu.memref_squeeze %dma_start3A_193 : memref<1x128xi32, #tpu.memory_space<vmem>> -> memref<128xi32, #tpu.memory_space<vmem>>
      %dma_start3A_195 = arith.constant 0 : i32
      %dma_start3A_196 = arith.constant 0 : i32
      %dma_start3A_197 = tpu.memref_slice %arg11[%dma_start3A_195, %dma_start3A_196] : memref<10240x128xf32, #tpu.memory_space<vmem_shared>> -> memref<10240x128xf32, #tpu.memory_space<vmem_shared>>
      tpu.enqueue_indirect_dma source(%arg9 : memref<128x128xf32, #tpu.memory_space<vmem>>) target(%dma_start3A_197 : memref<10240x128xf32, #tpu.memory_space<vmem_shared>>) offsets(%dma_start3A_194 : memref<128xi32, #tpu.memory_space<vmem>>) semaphore(%arg13 : memref<!tpu.dma_semaphore, #tpu.memory_space<semaphore_mem>>) {add = true}
      %dma_wait3A_198 = arith.constant 3 : i32
      %dma_wait3A_199 = arith.constant 0 : i32
      %dma_wait3A_200 = tpu.memref_slice %arg8[%dma_wait3A_198, %dma_wait3A_199] : memref<16x128xi32, #tpu.memory_space<vmem>> -> memref<1x128xi32, #tpu.memory_space<vmem>>
      %dma_wait3A_201 = tpu.memref_squeeze %dma_wait3A_200 : memref<1x128xi32, #tpu.memory_space<vmem>> -> memref<128xi32, #tpu.memory_space<vmem>>
      %dma_wait3A_202 = arith.constant 0 : i32
      %dma_wait3A_203 = arith.constant 0 : i32
      %dma_wait3A_204 = tpu.memref_slice %arg11[%dma_wait3A_202, %dma_wait3A_203] : memref<10240x128xf32, #tpu.memory_space<vmem_shared>> -> memref<10240x128xf32, #tpu.memory_space<vmem_shared>>
      tpu.wait_indirect_dma semaphore(%arg14 : memref<!tpu.dma_semaphore, #tpu.memory_space<semaphore_mem>>) src(%arg10 : memref<128x128xf32, #tpu.memory_space<vmem>>) dst(%dma_wait3A_204 : memref<10240x128xf32, #tpu.memory_space<vmem_shared>>)
      %dma_start3A_205 = arith.constant 5 : i32
      %dma_start3A_206 = arith.constant 0 : i32
      %dma_start3A_207 = tpu.memref_slice %arg7[%dma_start3A_205, %dma_start3A_206] : memref<16x128xi32, #tpu.memory_space<vmem>> -> memref<1x128xi32, #tpu.memory_space<vmem>>
      %dma_start3A_208 = tpu.memref_squeeze %dma_start3A_207 : memref<1x128xi32, #tpu.memory_space<vmem>> -> memref<128xi32, #tpu.memory_space<vmem>>
      %dma_start3A_209 = arith.constant 0 : i32
      %dma_start3A_210 = arith.constant 0 : i32
      %dma_start3A_211 = tpu.memref_slice %arg2[%dma_start3A_209, %dma_start3A_210] : memref<10000x128xf32, #tpu.memory_space<hbm>> -> memref<10000x128xf32, #tpu.memory_space<hbm>>
      tpu.enqueue_indirect_dma source(%dma_start3A_211 : memref<10000x128xf32, #tpu.memory_space<hbm>>) target(%arg10 : memref<128x128xf32, #tpu.memory_space<vmem>>) offsets(%dma_start3A_208 : memref<128xi32, #tpu.memory_space<vmem>>) semaphore(%arg12 : memref<!tpu.dma_semaphore, #tpu.memory_space<semaphore_mem>>)
      %dma_wait3A_212 = arith.constant 5 : i32
      %dma_wait3A_213 = arith.constant 0 : i32
      %dma_wait3A_214 = tpu.memref_slice %arg7[%dma_wait3A_212, %dma_wait3A_213] : memref<16x128xi32, #tpu.memory_space<vmem>> -> memref<1x128xi32, #tpu.memory_space<vmem>>
      %dma_wait3A_215 = tpu.memref_squeeze %dma_wait3A_214 : memref<1x128xi32, #tpu.memory_space<vmem>> -> memref<128xi32, #tpu.memory_space<vmem>>
      %dma_wait3A_216 = arith.constant 0 : i32
      %dma_wait3A_217 = arith.constant 0 : i32
      %dma_wait3A_218 = tpu.memref_slice %arg2[%dma_wait3A_216, %dma_wait3A_217] : memref<10000x128xf32, #tpu.memory_space<hbm>> -> memref<10000x128xf32, #tpu.memory_space<hbm>>
      tpu.wait_indirect_dma semaphore(%arg12 : memref<!tpu.dma_semaphore, #tpu.memory_space<semaphore_mem>>) src(%dma_wait3A_218 : memref<10000x128xf32, #tpu.memory_space<hbm>>) dst(%arg10 : memref<128x128xf32, #tpu.memory_space<vmem>>)
      %dma_start3A_219 = arith.constant 5 : i32
      %dma_start3A_220 = arith.constant 0 : i32
      %dma_start3A_221 = tpu.memref_slice %arg8[%dma_start3A_219, %dma_start3A_220] : memref<16x128xi32, #tpu.memory_space<vmem>> -> memref<1x128xi32, #tpu.memory_space<vmem>>
      %dma_start3A_222 = tpu.memref_squeeze %dma_start3A_221 : memref<1x128xi32, #tpu.memory_space<vmem>> -> memref<128xi32, #tpu.memory_space<vmem>>
      %dma_start3A_223 = arith.constant 0 : i32
      %dma_start3A_224 = arith.constant 0 : i32
      %dma_start3A_225 = tpu.memref_slice %arg11[%dma_start3A_223, %dma_start3A_224] : memref<10240x128xf32, #tpu.memory_space<vmem_shared>> -> memref<10240x128xf32, #tpu.memory_space<vmem_shared>>
      tpu.enqueue_indirect_dma source(%arg10 : memref<128x128xf32, #tpu.memory_space<vmem>>) target(%dma_start3A_225 : memref<10240x128xf32, #tpu.memory_space<vmem_shared>>) offsets(%dma_start3A_222 : memref<128xi32, #tpu.memory_space<vmem>>) semaphore(%arg14 : memref<!tpu.dma_semaphore, #tpu.memory_space<semaphore_mem>>) {add = true}
      %dma_wait3A_226 = arith.constant 4 : i32
      %dma_wait3A_227 = arith.constant 0 : i32
      %dma_wait3A_228 = tpu.memref_slice %arg8[%dma_wait3A_226, %dma_wait3A_227] : memref<16x128xi32, #tpu.memory_space<vmem>> -> memref<1x128xi32, #tpu.memory_space<vmem>>
      %dma_wait3A_229 = tpu.memref_squeeze %dma_wait3A_228 : memref<1x128xi32, #tpu.memory_space<vmem>> -> memref<128xi32, #tpu.memory_space<vmem>>
      %dma_wait3A_230 = arith.constant 0 : i32
      %dma_wait3A_231 = arith.constant 0 : i32
      %dma_wait3A_232 = tpu.memref_slice %arg11[%dma_wait3A_230, %dma_wait3A_231] : memref<10240x128xf32, #tpu.memory_space<vmem_shared>> -> memref<10240x128xf32, #tpu.memory_space<vmem_shared>>
      tpu.wait_indirect_dma semaphore(%arg13 : memref<!tpu.dma_semaphore, #tpu.memory_space<semaphore_mem>>) src(%arg9 : memref<128x128xf32, #tpu.memory_space<vmem>>) dst(%dma_wait3A_232 : memref<10240x128xf32, #tpu.memory_space<vmem_shared>>)
      %dma_start3A_233 = arith.constant 6 : i32
      %dma_start3A_234 = arith.constant 0 : i32
      %dma_start3A_235 = tpu.memref_slice %arg7[%dma_start3A_233, %dma_start3A_234] : memref<16x128xi32, #tpu.memory_space<vmem>> -> memref<1x128xi32, #tpu.memory_space<vmem>>
      %dma_start3A_236 = tpu.memref_squeeze %dma_start3A_235 : memref<1x128xi32, #tpu.memory_space<vmem>> -> memref<128xi32, #tpu.memory_space<vmem>>
      %dma_start3A_237 = arith.constant 0 : i32
      %dma_start3A_238 = arith.constant 0 : i32
      %dma_start3A_239 = tpu.memref_slice %arg2[%dma_start3A_237, %dma_start3A_238] : memref<10000x128xf32, #tpu.memory_space<hbm>> -> memref<10000x128xf32, #tpu.memory_space<hbm>>
      tpu.enqueue_indirect_dma source(%dma_start3A_239 : memref<10000x128xf32, #tpu.memory_space<hbm>>) target(%arg9 : memref<128x128xf32, #tpu.memory_space<vmem>>) offsets(%dma_start3A_236 : memref<128xi32, #tpu.memory_space<vmem>>) semaphore(%arg12 : memref<!tpu.dma_semaphore, #tpu.memory_space<semaphore_mem>>)
      %dma_wait3A_240 = arith.constant 6 : i32
      %dma_wait3A_241 = arith.constant 0 : i32
      %dma_wait3A_242 = tpu.memref_slice %arg7[%dma_wait3A_240, %dma_wait3A_241] : memref<16x128xi32, #tpu.memory_space<vmem>> -> memref<1x128xi32, #tpu.memory_space<vmem>>
      %dma_wait3A_243 = tpu.memref_squeeze %dma_wait3A_242 : memref<1x128xi32, #tpu.memory_space<vmem>> -> memref<128xi32, #tpu.memory_space<vmem>>
      %dma_wait3A_244 = arith.constant 0 : i32
      %dma_wait3A_245 = arith.constant 0 : i32
      %dma_wait3A_246 = tpu.memref_slice %arg2[%dma_wait3A_244, %dma_wait3A_245] : memref<10000x128xf32, #tpu.memory_space<hbm>> -> memref<10000x128xf32, #tpu.memory_space<hbm>>
      tpu.wait_indirect_dma semaphore(%arg12 : memref<!tpu.dma_semaphore, #tpu.memory_space<semaphore_mem>>) src(%dma_wait3A_246 : memref<10000x128xf32, #tpu.memory_space<hbm>>) dst(%arg9 : memref<128x128xf32, #tpu.memory_space<vmem>>)
      %dma_start3A_247 = arith.constant 6 : i32
      %dma_start3A_248 = arith.constant 0 : i32
      %dma_start3A_249 = tpu.memref_slice %arg8[%dma_start3A_247, %dma_start3A_248] : memref<16x128xi32, #tpu.memory_space<vmem>> -> memref<1x128xi32, #tpu.memory_space<vmem>>
      %dma_start3A_250 = tpu.memref_squeeze %dma_start3A_249 : memref<1x128xi32, #tpu.memory_space<vmem>> -> memref<128xi32, #tpu.memory_space<vmem>>
      %dma_start3A_251 = arith.constant 0 : i32
      %dma_start3A_252 = arith.constant 0 : i32
      %dma_start3A_253 = tpu.memref_slice %arg11[%dma_start3A_251, %dma_start3A_252] : memref<10240x128xf32, #tpu.memory_space<vmem_shared>> -> memref<10240x128xf32, #tpu.memory_space<vmem_shared>>
      tpu.enqueue_indirect_dma source(%arg9 : memref<128x128xf32, #tpu.memory_space<vmem>>) target(%dma_start3A_253 : memref<10240x128xf32, #tpu.memory_space<vmem_shared>>) offsets(%dma_start3A_250 : memref<128xi32, #tpu.memory_space<vmem>>) semaphore(%arg13 : memref<!tpu.dma_semaphore, #tpu.memory_space<semaphore_mem>>) {add = true}
      %dma_wait3A_254 = arith.constant 5 : i32
      %dma_wait3A_255 = arith.constant 0 : i32
      %dma_wait3A_256 = tpu.memref_slice %arg8[%dma_wait3A_254, %dma_wait3A_255] : memref<16x128xi32, #tpu.memory_space<vmem>> -> memref<1x128xi32, #tpu.memory_space<vmem>>
      %dma_wait3A_257 = tpu.memref_squeeze %dma_wait3A_256 : memref<1x128xi32, #tpu.memory_space<vmem>> -> memref<128xi32, #tpu.memory_space<vmem>>
      %dma_wait3A_258 = arith.constant 0 : i32
      %dma_wait3A_259 = arith.constant 0 : i32
      %dma_wait3A_260 = tpu.memref_slice %arg11[%dma_wait3A_258, %dma_wait3A_259] : memref<10240x128xf32, #tpu.memory_space<vmem_shared>> -> memref<10240x128xf32, #tpu.memory_space<vmem_shared>>
      tpu.wait_indirect_dma semaphore(%arg14 : memref<!tpu.dma_semaphore, #tpu.memory_space<semaphore_mem>>) src(%arg10 : memref<128x128xf32, #tpu.memory_space<vmem>>) dst(%dma_wait3A_260 : memref<10240x128xf32, #tpu.memory_space<vmem_shared>>)
      %dma_start3A_261 = arith.constant 7 : i32
      %dma_start3A_262 = arith.constant 0 : i32
      %dma_start3A_263 = tpu.memref_slice %arg7[%dma_start3A_261, %dma_start3A_262] : memref<16x128xi32, #tpu.memory_space<vmem>> -> memref<1x128xi32, #tpu.memory_space<vmem>>
      %dma_start3A_264 = tpu.memref_squeeze %dma_start3A_263 : memref<1x128xi32, #tpu.memory_space<vmem>> -> memref<128xi32, #tpu.memory_space<vmem>>
      %dma_start3A_265 = arith.constant 0 : i32
      %dma_start3A_266 = arith.constant 0 : i32
      %dma_start3A_267 = tpu.memref_slice %arg2[%dma_start3A_265, %dma_start3A_266] : memref<10000x128xf32, #tpu.memory_space<hbm>> -> memref<10000x128xf32, #tpu.memory_space<hbm>>
      tpu.enqueue_indirect_dma source(%dma_start3A_267 : memref<10000x128xf32, #tpu.memory_space<hbm>>) target(%arg10 : memref<128x128xf32, #tpu.memory_space<vmem>>) offsets(%dma_start3A_264 : memref<128xi32, #tpu.memory_space<vmem>>) semaphore(%arg12 : memref<!tpu.dma_semaphore, #tpu.memory_space<semaphore_mem>>)
      %dma_wait3A_268 = arith.constant 7 : i32
      %dma_wait3A_269 = arith.constant 0 : i32
      %dma_wait3A_270 = tpu.memref_slice %arg7[%dma_wait3A_268, %dma_wait3A_269] : memref<16x128xi32, #tpu.memory_space<vmem>> -> memref<1x128xi32, #tpu.memory_space<vmem>>
      %dma_wait3A_271 = tpu.memref_squeeze %dma_wait3A_270 : memref<1x128xi32, #tpu.memory_space<vmem>> -> memref<128xi32, #tpu.memory_space<vmem>>
      %dma_wait3A_272 = arith.constant 0 : i32
      %dma_wait3A_273 = arith.constant 0 : i32
      %dma_wait3A_274 = tpu.memref_slice %arg2[%dma_wait3A_272, %dma_wait3A_273] : memref<10000x128xf32, #tpu.memory_space<hbm>> -> memref<10000x128xf32, #tpu.memory_space<hbm>>
      tpu.wait_indirect_dma semaphore(%arg12 : memref<!tpu.dma_semaphore, #tpu.memory_space<semaphore_mem>>) src(%dma_wait3A_274 : memref<10000x128xf32, #tpu.memory_space<hbm>>) dst(%arg10 : memref<128x128xf32, #tpu.memory_space<vmem>>)
      %dma_start3A_275 = arith.constant 7 : i32
      %dma_start3A_276 = arith.constant 0 : i32
      %dma_start3A_277 = tpu.memref_slice %arg8[%dma_start3A_275, %dma_start3A_276] : memref<16x128xi32, #tpu.memory_space<vmem>> -> memref<1x128xi32, #tpu.memory_space<vmem>>
      %dma_start3A_278 = tpu.memref_squeeze %dma_start3A_277 : memref<1x128xi32, #tpu.memory_space<vmem>> -> memref<128xi32, #tpu.memory_space<vmem>>
      %dma_start3A_279 = arith.constant 0 : i32
      %dma_start3A_280 = arith.constant 0 : i32
      %dma_start3A_281 = tpu.memref_slice %arg11[%dma_start3A_279, %dma_start3A_280] : memref<10240x128xf32, #tpu.memory_space<vmem_shared>> -> memref<10240x128xf32, #tpu.memory_space<vmem_shared>>
      tpu.enqueue_indirect_dma source(%arg10 : memref<128x128xf32, #tpu.memory_space<vmem>>) target(%dma_start3A_281 : memref<10240x128xf32, #tpu.memory_space<vmem_shared>>) offsets(%dma_start3A_278 : memref<128xi32, #tpu.memory_space<vmem>>) semaphore(%arg14 : memref<!tpu.dma_semaphore, #tpu.memory_space<semaphore_mem>>) {add = true}
      %dma_wait3A_282 = arith.constant 6 : i32
      %dma_wait3A_283 = arith.constant 0 : i32
      %dma_wait3A_284 = tpu.memref_slice %arg8[%dma_wait3A_282, %dma_wait3A_283] : memref<16x128xi32, #tpu.memory_space<vmem>> -> memref<1x128xi32, #tpu.memory_space<vmem>>
      %dma_wait3A_285 = tpu.memref_squeeze %dma_wait3A_284 : memref<1x128xi32, #tpu.memory_space<vmem>> -> memref<128xi32, #tpu.memory_space<vmem>>
      %dma_wait3A_286 = arith.constant 0 : i32
      %dma_wait3A_287 = arith.constant 0 : i32
      %dma_wait3A_288 = tpu.memref_slice %arg11[%dma_wait3A_286, %dma_wait3A_287] : memref<10240x128xf32, #tpu.memory_space<vmem_shared>> -> memref<10240x128xf32, #tpu.memory_space<vmem_shared>>
      tpu.wait_indirect_dma semaphore(%arg13 : memref<!tpu.dma_semaphore, #tpu.memory_space<semaphore_mem>>) src(%arg9 : memref<128x128xf32, #tpu.memory_space<vmem>>) dst(%dma_wait3A_288 : memref<10240x128xf32, #tpu.memory_space<vmem_shared>>)
      %dma_start3A_289 = arith.constant 8 : i32
      %dma_start3A_290 = arith.constant 0 : i32
      %dma_start3A_291 = tpu.memref_slice %arg7[%dma_start3A_289, %dma_start3A_290] : memref<16x128xi32, #tpu.memory_space<vmem>> -> memref<1x128xi32, #tpu.memory_space<vmem>>
      %dma_start3A_292 = tpu.memref_squeeze %dma_start3A_291 : memref<1x128xi32, #tpu.memory_space<vmem>> -> memref<128xi32, #tpu.memory_space<vmem>>
      %dma_start3A_293 = arith.constant 0 : i32
      %dma_start3A_294 = arith.constant 0 : i32
      %dma_start3A_295 = tpu.memref_slice %arg2[%dma_start3A_293, %dma_start3A_294] : memref<10000x128xf32, #tpu.memory_space<hbm>> -> memref<10000x128xf32, #tpu.memory_space<hbm>>
      tpu.enqueue_indirect_dma source(%dma_start3A_295 : memref<10000x128xf32, #tpu.memory_space<hbm>>) target(%arg9 : memref<128x128xf32, #tpu.memory_space<vmem>>) offsets(%dma_start3A_292 : memref<128xi32, #tpu.memory_space<vmem>>) semaphore(%arg12 : memref<!tpu.dma_semaphore, #tpu.memory_space<semaphore_mem>>)
      %dma_wait3A_296 = arith.constant 8 : i32
      %dma_wait3A_297 = arith.constant 0 : i32
      %dma_wait3A_298 = tpu.memref_slice %arg7[%dma_wait3A_296, %dma_wait3A_297] : memref<16x128xi32, #tpu.memory_space<vmem>> -> memref<1x128xi32, #tpu.memory_space<vmem>>
      %dma_wait3A_299 = tpu.memref_squeeze %dma_wait3A_298 : memref<1x128xi32, #tpu.memory_space<vmem>> -> memref<128xi32, #tpu.memory_space<vmem>>
      %dma_wait3A_300 = arith.constant 0 : i32
      %dma_wait3A_301 = arith.constant 0 : i32
      %dma_wait3A_302 = tpu.memref_slice %arg2[%dma_wait3A_300, %dma_wait3A_301] : memref<10000x128xf32, #tpu.memory_space<hbm>> -> memref<10000x128xf32, #tpu.memory_space<hbm>>
      tpu.wait_indirect_dma semaphore(%arg12 : memref<!tpu.dma_semaphore, #tpu.memory_space<semaphore_mem>>) src(%dma_wait3A_302 : memref<10000x128xf32, #tpu.memory_space<hbm>>) dst(%arg9 : memref<128x128xf32, #tpu.memory_space<vmem>>)
      %dma_start3A_303 = arith.constant 8 : i32
      %dma_start3A_304 = arith.constant 0 : i32
      %dma_start3A_305 = tpu.memref_slice %arg8[%dma_start3A_303, %dma_start3A_304] : memref<16x128xi32, #tpu.memory_space<vmem>> -> memref<1x128xi32, #tpu.memory_space<vmem>>
      %dma_start3A_306 = tpu.memref_squeeze %dma_start3A_305 : memref<1x128xi32, #tpu.memory_space<vmem>> -> memref<128xi32, #tpu.memory_space<vmem>>
      %dma_start3A_307 = arith.constant 0 : i32
      %dma_start3A_308 = arith.constant 0 : i32
      %dma_start3A_309 = tpu.memref_slice %arg11[%dma_start3A_307, %dma_start3A_308] : memref<10240x128xf32, #tpu.memory_space<vmem_shared>> -> memref<10240x128xf32, #tpu.memory_space<vmem_shared>>
      tpu.enqueue_indirect_dma source(%arg9 : memref<128x128xf32, #tpu.memory_space<vmem>>) target(%dma_start3A_309 : memref<10240x128xf32, #tpu.memory_space<vmem_shared>>) offsets(%dma_start3A_306 : memref<128xi32, #tpu.memory_space<vmem>>) semaphore(%arg13 : memref<!tpu.dma_semaphore, #tpu.memory_space<semaphore_mem>>) {add = true}
      %dma_wait3A_310 = arith.constant 7 : i32
      %dma_wait3A_311 = arith.constant 0 : i32
      %dma_wait3A_312 = tpu.memref_slice %arg8[%dma_wait3A_310, %dma_wait3A_311] : memref<16x128xi32, #tpu.memory_space<vmem>> -> memref<1x128xi32, #tpu.memory_space<vmem>>
      %dma_wait3A_313 = tpu.memref_squeeze %dma_wait3A_312 : memref<1x128xi32, #tpu.memory_space<vmem>> -> memref<128xi32, #tpu.memory_space<vmem>>
      %dma_wait3A_314 = arith.constant 0 : i32
      %dma_wait3A_315 = arith.constant 0 : i32
      %dma_wait3A_316 = tpu.memref_slice %arg11[%dma_wait3A_314, %dma_wait3A_315] : memref<10240x128xf32, #tpu.memory_space<vmem_shared>> -> memref<10240x128xf32, #tpu.memory_space<vmem_shared>>
      tpu.wait_indirect_dma semaphore(%arg14 : memref<!tpu.dma_semaphore, #tpu.memory_space<semaphore_mem>>) src(%arg10 : memref<128x128xf32, #tpu.memory_space<vmem>>) dst(%dma_wait3A_316 : memref<10240x128xf32, #tpu.memory_space<vmem_shared>>)
      %dma_start3A_317 = arith.constant 9 : i32
      %dma_start3A_318 = arith.constant 0 : i32
      %dma_start3A_319 = tpu.memref_slice %arg7[%dma_start3A_317, %dma_start3A_318] : memref<16x128xi32, #tpu.memory_space<vmem>> -> memref<1x128xi32, #tpu.memory_space<vmem>>
      %dma_start3A_320 = tpu.memref_squeeze %dma_start3A_319 : memref<1x128xi32, #tpu.memory_space<vmem>> -> memref<128xi32, #tpu.memory_space<vmem>>
      %dma_start3A_321 = arith.constant 0 : i32
      %dma_start3A_322 = arith.constant 0 : i32
      %dma_start3A_323 = tpu.memref_slice %arg2[%dma_start3A_321, %dma_start3A_322] : memref<10000x128xf32, #tpu.memory_space<hbm>> -> memref<10000x128xf32, #tpu.memory_space<hbm>>
      tpu.enqueue_indirect_dma source(%dma_start3A_323 : memref<10000x128xf32, #tpu.memory_space<hbm>>) target(%arg10 : memref<128x128xf32, #tpu.memory_space<vmem>>) offsets(%dma_start3A_320 : memref<128xi32, #tpu.memory_space<vmem>>) semaphore(%arg12 : memref<!tpu.dma_semaphore, #tpu.memory_space<semaphore_mem>>)
      %dma_wait3A_324 = arith.constant 9 : i32
      %dma_wait3A_325 = arith.constant 0 : i32
      %dma_wait3A_326 = tpu.memref_slice %arg7[%dma_wait3A_324, %dma_wait3A_325] : memref<16x128xi32, #tpu.memory_space<vmem>> -> memref<1x128xi32, #tpu.memory_space<vmem>>
      %dma_wait3A_327 = tpu.memref_squeeze %dma_wait3A_326 : memref<1x128xi32, #tpu.memory_space<vmem>> -> memref<128xi32, #tpu.memory_space<vmem>>
      %dma_wait3A_328 = arith.constant 0 : i32
      %dma_wait3A_329 = arith.constant 0 : i32
      %dma_wait3A_330 = tpu.memref_slice %arg2[%dma_wait3A_328, %dma_wait3A_329] : memref<10000x128xf32, #tpu.memory_space<hbm>> -> memref<10000x128xf32, #tpu.memory_space<hbm>>
      tpu.wait_indirect_dma semaphore(%arg12 : memref<!tpu.dma_semaphore, #tpu.memory_space<semaphore_mem>>) src(%dma_wait3A_330 : memref<10000x128xf32, #tpu.memory_space<hbm>>) dst(%arg10 : memref<128x128xf32, #tpu.memory_space<vmem>>)
      %dma_start3A_331 = arith.constant 9 : i32
      %dma_start3A_332 = arith.constant 0 : i32
      %dma_start3A_333 = tpu.memref_slice %arg8[%dma_start3A_331, %dma_start3A_332] : memref<16x128xi32, #tpu.memory_space<vmem>> -> memref<1x128xi32, #tpu.memory_space<vmem>>
      %dma_start3A_334 = tpu.memref_squeeze %dma_start3A_333 : memref<1x128xi32, #tpu.memory_space<vmem>> -> memref<128xi32, #tpu.memory_space<vmem>>
      %dma_start3A_335 = arith.constant 0 : i32
      %dma_start3A_336 = arith.constant 0 : i32
      %dma_start3A_337 = tpu.memref_slice %arg11[%dma_start3A_335, %dma_start3A_336] : memref<10240x128xf32, #tpu.memory_space<vmem_shared>> -> memref<10240x128xf32, #tpu.memory_space<vmem_shared>>
      tpu.enqueue_indirect_dma source(%arg10 : memref<128x128xf32, #tpu.memory_space<vmem>>) target(%dma_start3A_337 : memref<10240x128xf32, #tpu.memory_space<vmem_shared>>) offsets(%dma_start3A_334 : memref<128xi32, #tpu.memory_space<vmem>>) semaphore(%arg14 : memref<!tpu.dma_semaphore, #tpu.memory_space<semaphore_mem>>) {add = true}
      %dma_wait3A_338 = arith.constant 8 : i32
      %dma_wait3A_339 = arith.constant 0 : i32
      %dma_wait3A_340 = tpu.memref_slice %arg8[%dma_wait3A_338, %dma_wait3A_339] : memref<16x128xi32, #tpu.memory_space<vmem>> -> memref<1x128xi32, #tpu.memory_space<vmem>>
      %dma_wait3A_341 = tpu.memref_squeeze %dma_wait3A_340 : memref<1x128xi32, #tpu.memory_space<vmem>> -> memref<128xi32, #tpu.memory_space<vmem>>
      %dma_wait3A_342 = arith.constant 0 : i32
      %dma_wait3A_343 = arith.constant 0 : i32
      %dma_wait3A_344 = tpu.memref_slice %arg11[%dma_wait3A_342, %dma_wait3A_343] : memref<10240x128xf32, #tpu.memory_space<vmem_shared>> -> memref<10240x128xf32, #tpu.memory_space<vmem_shared>>
      tpu.wait_indirect_dma semaphore(%arg13 : memref<!tpu.dma_semaphore, #tpu.memory_space<semaphore_mem>>) src(%arg9 : memref<128x128xf32, #tpu.memory_space<vmem>>) dst(%dma_wait3A_344 : memref<10240x128xf32, #tpu.memory_space<vmem_shared>>)
      %dma_start3A_345 = arith.constant 10 : i32
      %dma_start3A_346 = arith.constant 0 : i32
      %dma_start3A_347 = tpu.memref_slice %arg7[%dma_start3A_345, %dma_start3A_346] : memref<16x128xi32, #tpu.memory_space<vmem>> -> memref<1x128xi32, #tpu.memory_space<vmem>>
      %dma_start3A_348 = tpu.memref_squeeze %dma_start3A_347 : memref<1x128xi32, #tpu.memory_space<vmem>> -> memref<128xi32, #tpu.memory_space<vmem>>
      %dma_start3A_349 = arith.constant 0 : i32
      %dma_start3A_350 = arith.constant 0 : i32
      %dma_start3A_351 = tpu.memref_slice %arg2[%dma_start3A_349, %dma_start3A_350] : memref<10000x128xf32, #tpu.memory_space<hbm>> -> memref<10000x128xf32, #tpu.memory_space<hbm>>
      tpu.enqueue_indirect_dma source(%dma_start3A_351 : memref<10000x128xf32, #tpu.memory_space<hbm>>) target(%arg9 : memref<128x128xf32, #tpu.memory_space<vmem>>) offsets(%dma_start3A_348 : memref<128xi32, #tpu.memory_space<vmem>>) semaphore(%arg12 : memref<!tpu.dma_semaphore, #tpu.memory_space<semaphore_mem>>)
      %dma_wait3A_352 = arith.constant 10 : i32
      %dma_wait3A_353 = arith.constant 0 : i32
      %dma_wait3A_354 = tpu.memref_slice %arg7[%dma_wait3A_352, %dma_wait3A_353] : memref<16x128xi32, #tpu.memory_space<vmem>> -> memref<1x128xi32, #tpu.memory_space<vmem>>
      %dma_wait3A_355 = tpu.memref_squeeze %dma_wait3A_354 : memref<1x128xi32, #tpu.memory_space<vmem>> -> memref<128xi32, #tpu.memory_space<vmem>>
      %dma_wait3A_356 = arith.constant 0 : i32
      %dma_wait3A_357 = arith.constant 0 : i32
      %dma_wait3A_358 = tpu.memref_slice %arg2[%dma_wait3A_356, %dma_wait3A_357] : memref<10000x128xf32, #tpu.memory_space<hbm>> -> memref<10000x128xf32, #tpu.memory_space<hbm>>
      tpu.wait_indirect_dma semaphore(%arg12 : memref<!tpu.dma_semaphore, #tpu.memory_space<semaphore_mem>>) src(%dma_wait3A_358 : memref<10000x128xf32, #tpu.memory_space<hbm>>) dst(%arg9 : memref<128x128xf32, #tpu.memory_space<vmem>>)
      %dma_start3A_359 = arith.constant 10 : i32
      %dma_start3A_360 = arith.constant 0 : i32
      %dma_start3A_361 = tpu.memref_slice %arg8[%dma_start3A_359, %dma_start3A_360] : memref<16x128xi32, #tpu.memory_space<vmem>> -> memref<1x128xi32, #tpu.memory_space<vmem>>
      %dma_start3A_362 = tpu.memref_squeeze %dma_start3A_361 : memref<1x128xi32, #tpu.memory_space<vmem>> -> memref<128xi32, #tpu.memory_space<vmem>>
      %dma_start3A_363 = arith.constant 0 : i32
      %dma_start3A_364 = arith.constant 0 : i32
      %dma_start3A_365 = tpu.memref_slice %arg11[%dma_start3A_363, %dma_start3A_364] : memref<10240x128xf32, #tpu.memory_space<vmem_shared>> -> memref<10240x128xf32, #tpu.memory_space<vmem_shared>>
      tpu.enqueue_indirect_dma source(%arg9 : memref<128x128xf32, #tpu.memory_space<vmem>>) target(%dma_start3A_365 : memref<10240x128xf32, #tpu.memory_space<vmem_shared>>) offsets(%dma_start3A_362 : memref<128xi32, #tpu.memory_space<vmem>>) semaphore(%arg13 : memref<!tpu.dma_semaphore, #tpu.memory_space<semaphore_mem>>) {add = true}
      %dma_wait3A_366 = arith.constant 9 : i32
      %dma_wait3A_367 = arith.constant 0 : i32
      %dma_wait3A_368 = tpu.memref_slice %arg8[%dma_wait3A_366, %dma_wait3A_367] : memref<16x128xi32, #tpu.memory_space<vmem>> -> memref<1x128xi32, #tpu.memory_space<vmem>>
      %dma_wait3A_369 = tpu.memref_squeeze %dma_wait3A_368 : memref<1x128xi32, #tpu.memory_space<vmem>> -> memref<128xi32, #tpu.memory_space<vmem>>
      %dma_wait3A_370 = arith.constant 0 : i32
      %dma_wait3A_371 = arith.constant 0 : i32
      %dma_wait3A_372 = tpu.memref_slice %arg11[%dma_wait3A_370, %dma_wait3A_371] : memref<10240x128xf32, #tpu.memory_space<vmem_shared>> -> memref<10240x128xf32, #tpu.memory_space<vmem_shared>>
      tpu.wait_indirect_dma semaphore(%arg14 : memref<!tpu.dma_semaphore, #tpu.memory_space<semaphore_mem>>) src(%arg10 : memref<128x128xf32, #tpu.memory_space<vmem>>) dst(%dma_wait3A_372 : memref<10240x128xf32, #tpu.memory_space<vmem_shared>>)
      %dma_start3A_373 = arith.constant 11 : i32
      %dma_start3A_374 = arith.constant 0 : i32
      %dma_start3A_375 = tpu.memref_slice %arg7[%dma_start3A_373, %dma_start3A_374] : memref<16x128xi32, #tpu.memory_space<vmem>> -> memref<1x128xi32, #tpu.memory_space<vmem>>
      %dma_start3A_376 = tpu.memref_squeeze %dma_start3A_375 : memref<1x128xi32, #tpu.memory_space<vmem>> -> memref<128xi32, #tpu.memory_space<vmem>>
      %dma_start3A_377 = arith.constant 0 : i32
      %dma_start3A_378 = arith.constant 0 : i32
      %dma_start3A_379 = tpu.memref_slice %arg2[%dma_start3A_377, %dma_start3A_378] : memref<10000x128xf32, #tpu.memory_space<hbm>> -> memref<10000x128xf32, #tpu.memory_space<hbm>>
      tpu.enqueue_indirect_dma source(%dma_start3A_379 : memref<10000x128xf32, #tpu.memory_space<hbm>>) target(%arg10 : memref<128x128xf32, #tpu.memory_space<vmem>>) offsets(%dma_start3A_376 : memref<128xi32, #tpu.memory_space<vmem>>) semaphore(%arg12 : memref<!tpu.dma_semaphore, #tpu.memory_space<semaphore_mem>>)
      %dma_wait3A_380 = arith.constant 11 : i32
      %dma_wait3A_381 = arith.constant 0 : i32
      %dma_wait3A_382 = tpu.memref_slice %arg7[%dma_wait3A_380, %dma_wait3A_381] : memref<16x128xi32, #tpu.memory_space<vmem>> -> memref<1x128xi32, #tpu.memory_space<vmem>>
      %dma_wait3A_383 = tpu.memref_squeeze %dma_wait3A_382 : memref<1x128xi32, #tpu.memory_space<vmem>> -> memref<128xi32, #tpu.memory_space<vmem>>
      %dma_wait3A_384 = arith.constant 0 : i32
      %dma_wait3A_385 = arith.constant 0 : i32
      %dma_wait3A_386 = tpu.memref_slice %arg2[%dma_wait3A_384, %dma_wait3A_385] : memref<10000x128xf32, #tpu.memory_space<hbm>> -> memref<10000x128xf32, #tpu.memory_space<hbm>>
      tpu.wait_indirect_dma semaphore(%arg12 : memref<!tpu.dma_semaphore, #tpu.memory_space<semaphore_mem>>) src(%dma_wait3A_386 : memref<10000x128xf32, #tpu.memory_space<hbm>>) dst(%arg10 : memref<128x128xf32, #tpu.memory_space<vmem>>)
      %dma_start3A_387 = arith.constant 11 : i32
      %dma_start3A_388 = arith.constant 0 : i32
      %dma_start3A_389 = tpu.memref_slice %arg8[%dma_start3A_387, %dma_start3A_388] : memref<16x128xi32, #tpu.memory_space<vmem>> -> memref<1x128xi32, #tpu.memory_space<vmem>>
      %dma_start3A_390 = tpu.memref_squeeze %dma_start3A_389 : memref<1x128xi32, #tpu.memory_space<vmem>> -> memref<128xi32, #tpu.memory_space<vmem>>
      %dma_start3A_391 = arith.constant 0 : i32
      %dma_start3A_392 = arith.constant 0 : i32
      %dma_start3A_393 = tpu.memref_slice %arg11[%dma_start3A_391, %dma_start3A_392] : memref<10240x128xf32, #tpu.memory_space<vmem_shared>> -> memref<10240x128xf32, #tpu.memory_space<vmem_shared>>
      tpu.enqueue_indirect_dma source(%arg10 : memref<128x128xf32, #tpu.memory_space<vmem>>) target(%dma_start3A_393 : memref<10240x128xf32, #tpu.memory_space<vmem_shared>>) offsets(%dma_start3A_390 : memref<128xi32, #tpu.memory_space<vmem>>) semaphore(%arg14 : memref<!tpu.dma_semaphore, #tpu.memory_space<semaphore_mem>>) {add = true}
      %dma_wait3A_394 = arith.constant 10 : i32
      %dma_wait3A_395 = arith.constant 0 : i32
      %dma_wait3A_396 = tpu.memref_slice %arg8[%dma_wait3A_394, %dma_wait3A_395] : memref<16x128xi32, #tpu.memory_space<vmem>> -> memref<1x128xi32, #tpu.memory_space<vmem>>
      %dma_wait3A_397 = tpu.memref_squeeze %dma_wait3A_396 : memref<1x128xi32, #tpu.memory_space<vmem>> -> memref<128xi32, #tpu.memory_space<vmem>>
      %dma_wait3A_398 = arith.constant 0 : i32
      %dma_wait3A_399 = arith.constant 0 : i32
      %dma_wait3A_400 = tpu.memref_slice %arg11[%dma_wait3A_398, %dma_wait3A_399] : memref<10240x128xf32, #tpu.memory_space<vmem_shared>> -> memref<10240x128xf32, #tpu.memory_space<vmem_shared>>
      tpu.wait_indirect_dma semaphore(%arg13 : memref<!tpu.dma_semaphore, #tpu.memory_space<semaphore_mem>>) src(%arg9 : memref<128x128xf32, #tpu.memory_space<vmem>>) dst(%dma_wait3A_400 : memref<10240x128xf32, #tpu.memory_space<vmem_shared>>)
      %dma_start3A_401 = arith.constant 12 : i32
      %dma_start3A_402 = arith.constant 0 : i32
      %dma_start3A_403 = tpu.memref_slice %arg7[%dma_start3A_401, %dma_start3A_402] : memref<16x128xi32, #tpu.memory_space<vmem>> -> memref<1x128xi32, #tpu.memory_space<vmem>>
      %dma_start3A_404 = tpu.memref_squeeze %dma_start3A_403 : memref<1x128xi32, #tpu.memory_space<vmem>> -> memref<128xi32, #tpu.memory_space<vmem>>
      %dma_start3A_405 = arith.constant 0 : i32
      %dma_start3A_406 = arith.constant 0 : i32
      %dma_start3A_407 = tpu.memref_slice %arg2[%dma_start3A_405, %dma_start3A_406] : memref<10000x128xf32, #tpu.memory_space<hbm>> -> memref<10000x128xf32, #tpu.memory_space<hbm>>
      tpu.enqueue_indirect_dma source(%dma_start3A_407 : memref<10000x128xf32, #tpu.memory_space<hbm>>) target(%arg9 : memref<128x128xf32, #tpu.memory_space<vmem>>) offsets(%dma_start3A_404 : memref<128xi32, #tpu.memory_space<vmem>>) semaphore(%arg12 : memref<!tpu.dma_semaphore, #tpu.memory_space<semaphore_mem>>)
      %dma_wait3A_408 = arith.constant 12 : i32
      %dma_wait3A_409 = arith.constant 0 : i32
      %dma_wait3A_410 = tpu.memref_slice %arg7[%dma_wait3A_408, %dma_wait3A_409] : memref<16x128xi32, #tpu.memory_space<vmem>> -> memref<1x128xi32, #tpu.memory_space<vmem>>
      %dma_wait3A_411 = tpu.memref_squeeze %dma_wait3A_410 : memref<1x128xi32, #tpu.memory_space<vmem>> -> memref<128xi32, #tpu.memory_space<vmem>>
      %dma_wait3A_412 = arith.constant 0 : i32
      %dma_wait3A_413 = arith.constant 0 : i32
      %dma_wait3A_414 = tpu.memref_slice %arg2[%dma_wait3A_412, %dma_wait3A_413] : memref<10000x128xf32, #tpu.memory_space<hbm>> -> memref<10000x128xf32, #tpu.memory_space<hbm>>
      tpu.wait_indirect_dma semaphore(%arg12 : memref<!tpu.dma_semaphore, #tpu.memory_space<semaphore_mem>>) src(%dma_wait3A_414 : memref<10000x128xf32, #tpu.memory_space<hbm>>) dst(%arg9 : memref<128x128xf32, #tpu.memory_space<vmem>>)
      %dma_start3A_415 = arith.constant 12 : i32
      %dma_start3A_416 = arith.constant 0 : i32
      %dma_start3A_417 = tpu.memref_slice %arg8[%dma_start3A_415, %dma_start3A_416] : memref<16x128xi32, #tpu.memory_space<vmem>> -> memref<1x128xi32, #tpu.memory_space<vmem>>
      %dma_start3A_418 = tpu.memref_squeeze %dma_start3A_417 : memref<1x128xi32, #tpu.memory_space<vmem>> -> memref<128xi32, #tpu.memory_space<vmem>>
      %dma_start3A_419 = arith.constant 0 : i32
      %dma_start3A_420 = arith.constant 0 : i32
      %dma_start3A_421 = tpu.memref_slice %arg11[%dma_start3A_419, %dma_start3A_420] : memref<10240x128xf32, #tpu.memory_space<vmem_shared>> -> memref<10240x128xf32, #tpu.memory_space<vmem_shared>>
      tpu.enqueue_indirect_dma source(%arg9 : memref<128x128xf32, #tpu.memory_space<vmem>>) target(%dma_start3A_421 : memref<10240x128xf32, #tpu.memory_space<vmem_shared>>) offsets(%dma_start3A_418 : memref<128xi32, #tpu.memory_space<vmem>>) semaphore(%arg13 : memref<!tpu.dma_semaphore, #tpu.memory_space<semaphore_mem>>) {add = true}
      %dma_wait3A_422 = arith.constant 11 : i32
      %dma_wait3A_423 = arith.constant 0 : i32
      %dma_wait3A_424 = tpu.memref_slice %arg8[%dma_wait3A_422, %dma_wait3A_423] : memref<16x128xi32, #tpu.memory_space<vmem>> -> memref<1x128xi32, #tpu.memory_space<vmem>>
      %dma_wait3A_425 = tpu.memref_squeeze %dma_wait3A_424 : memref<1x128xi32, #tpu.memory_space<vmem>> -> memref<128xi32, #tpu.memory_space<vmem>>
      %dma_wait3A_426 = arith.constant 0 : i32
      %dma_wait3A_427 = arith.constant 0 : i32
      %dma_wait3A_428 = tpu.memref_slice %arg11[%dma_wait3A_426, %dma_wait3A_427] : memref<10240x128xf32, #tpu.memory_space<vmem_shared>> -> memref<10240x128xf32, #tpu.memory_space<vmem_shared>>
      tpu.wait_indirect_dma semaphore(%arg14 : memref<!tpu.dma_semaphore, #tpu.memory_space<semaphore_mem>>) src(%arg10 : memref<128x128xf32, #tpu.memory_space<vmem>>) dst(%dma_wait3A_428 : memref<10240x128xf32, #tpu.memory_space<vmem_shared>>)
      %dma_start3A_429 = arith.constant 13 : i32
      %dma_start3A_430 = arith.constant 0 : i32
      %dma_start3A_431 = tpu.memref_slice %arg7[%dma_start3A_429, %dma_start3A_430] : memref<16x128xi32, #tpu.memory_space<vmem>> -> memref<1x128xi32, #tpu.memory_space<vmem>>
      %dma_start3A_432 = tpu.memref_squeeze %dma_start3A_431 : memref<1x128xi32, #tpu.memory_space<vmem>> -> memref<128xi32, #tpu.memory_space<vmem>>
      %dma_start3A_433 = arith.constant 0 : i32
      %dma_start3A_434 = arith.constant 0 : i32
      %dma_start3A_435 = tpu.memref_slice %arg2[%dma_start3A_433, %dma_start3A_434] : memref<10000x128xf32, #tpu.memory_space<hbm>> -> memref<10000x128xf32, #tpu.memory_space<hbm>>
      tpu.enqueue_indirect_dma source(%dma_start3A_435 : memref<10000x128xf32, #tpu.memory_space<hbm>>) target(%arg10 : memref<128x128xf32, #tpu.memory_space<vmem>>) offsets(%dma_start3A_432 : memref<128xi32, #tpu.memory_space<vmem>>) semaphore(%arg12 : memref<!tpu.dma_semaphore, #tpu.memory_space<semaphore_mem>>)
      %dma_wait3A_436 = arith.constant 13 : i32
      %dma_wait3A_437 = arith.constant 0 : i32
      %dma_wait3A_438 = tpu.memref_slice %arg7[%dma_wait3A_436, %dma_wait3A_437] : memref<16x128xi32, #tpu.memory_space<vmem>> -> memref<1x128xi32, #tpu.memory_space<vmem>>
      %dma_wait3A_439 = tpu.memref_squeeze %dma_wait3A_438 : memref<1x128xi32, #tpu.memory_space<vmem>> -> memref<128xi32, #tpu.memory_space<vmem>>
      %dma_wait3A_440 = arith.constant 0 : i32
      %dma_wait3A_441 = arith.constant 0 : i32
      %dma_wait3A_442 = tpu.memref_slice %arg2[%dma_wait3A_440, %dma_wait3A_441] : memref<10000x128xf32, #tpu.memory_space<hbm>> -> memref<10000x128xf32, #tpu.memory_space<hbm>>
      tpu.wait_indirect_dma semaphore(%arg12 : memref<!tpu.dma_semaphore, #tpu.memory_space<semaphore_mem>>) src(%dma_wait3A_442 : memref<10000x128xf32, #tpu.memory_space<hbm>>) dst(%arg10 : memref<128x128xf32, #tpu.memory_space<vmem>>)
      %dma_start3A_443 = arith.constant 13 : i32
      %dma_start3A_444 = arith.constant 0 : i32
      %dma_start3A_445 = tpu.memref_slice %arg8[%dma_start3A_443, %dma_start3A_444] : memref<16x128xi32, #tpu.memory_space<vmem>> -> memref<1x128xi32, #tpu.memory_space<vmem>>
      %dma_start3A_446 = tpu.memref_squeeze %dma_start3A_445 : memref<1x128xi32, #tpu.memory_space<vmem>> -> memref<128xi32, #tpu.memory_space<vmem>>
      %dma_start3A_447 = arith.constant 0 : i32
      %dma_start3A_448 = arith.constant 0 : i32
      %dma_start3A_449 = tpu.memref_slice %arg11[%dma_start3A_447, %dma_start3A_448] : memref<10240x128xf32, #tpu.memory_space<vmem_shared>> -> memref<10240x128xf32, #tpu.memory_space<vmem_shared>>
      tpu.enqueue_indirect_dma source(%arg10 : memref<128x128xf32, #tpu.memory_space<vmem>>) target(%dma_start3A_449 : memref<10240x128xf32, #tpu.memory_space<vmem_shared>>) offsets(%dma_start3A_446 : memref<128xi32, #tpu.memory_space<vmem>>) semaphore(%arg14 : memref<!tpu.dma_semaphore, #tpu.memory_space<semaphore_mem>>) {add = true}
      %dma_wait3A_450 = arith.constant 12 : i32
      %dma_wait3A_451 = arith.constant 0 : i32
      %dma_wait3A_452 = tpu.memref_slice %arg8[%dma_wait3A_450, %dma_wait3A_451] : memref<16x128xi32, #tpu.memory_space<vmem>> -> memref<1x128xi32, #tpu.memory_space<vmem>>
      %dma_wait3A_453 = tpu.memref_squeeze %dma_wait3A_452 : memref<1x128xi32, #tpu.memory_space<vmem>> -> memref<128xi32, #tpu.memory_space<vmem>>
      %dma_wait3A_454 = arith.constant 0 : i32
      %dma_wait3A_455 = arith.constant 0 : i32
      %dma_wait3A_456 = tpu.memref_slice %arg11[%dma_wait3A_454, %dma_wait3A_455] : memref<10240x128xf32, #tpu.memory_space<vmem_shared>> -> memref<10240x128xf32, #tpu.memory_space<vmem_shared>>
      tpu.wait_indirect_dma semaphore(%arg13 : memref<!tpu.dma_semaphore, #tpu.memory_space<semaphore_mem>>) src(%arg9 : memref<128x128xf32, #tpu.memory_space<vmem>>) dst(%dma_wait3A_456 : memref<10240x128xf32, #tpu.memory_space<vmem_shared>>)
      %dma_start3A_457 = arith.constant 14 : i32
      %dma_start3A_458 = arith.constant 0 : i32
      %dma_start3A_459 = tpu.memref_slice %arg7[%dma_start3A_457, %dma_start3A_458] : memref<16x128xi32, #tpu.memory_space<vmem>> -> memref<1x128xi32, #tpu.memory_space<vmem>>
      %dma_start3A_460 = tpu.memref_squeeze %dma_start3A_459 : memref<1x128xi32, #tpu.memory_space<vmem>> -> memref<128xi32, #tpu.memory_space<vmem>>
      %dma_start3A_461 = arith.constant 0 : i32
      %dma_start3A_462 = arith.constant 0 : i32
      %dma_start3A_463 = tpu.memref_slice %arg2[%dma_start3A_461, %dma_start3A_462] : memref<10000x128xf32, #tpu.memory_space<hbm>> -> memref<10000x128xf32, #tpu.memory_space<hbm>>
      tpu.enqueue_indirect_dma source(%dma_start3A_463 : memref<10000x128xf32, #tpu.memory_space<hbm>>) target(%arg9 : memref<128x128xf32, #tpu.memory_space<vmem>>) offsets(%dma_start3A_460 : memref<128xi32, #tpu.memory_space<vmem>>) semaphore(%arg12 : memref<!tpu.dma_semaphore, #tpu.memory_space<semaphore_mem>>)
      %dma_wait3A_464 = arith.constant 14 : i32
      %dma_wait3A_465 = arith.constant 0 : i32
      %dma_wait3A_466 = tpu.memref_slice %arg7[%dma_wait3A_464, %dma_wait3A_465] : memref<16x128xi32, #tpu.memory_space<vmem>> -> memref<1x128xi32, #tpu.memory_space<vmem>>
      %dma_wait3A_467 = tpu.memref_squeeze %dma_wait3A_466 : memref<1x128xi32, #tpu.memory_space<vmem>> -> memref<128xi32, #tpu.memory_space<vmem>>
      %dma_wait3A_468 = arith.constant 0 : i32
      %dma_wait3A_469 = arith.constant 0 : i32
      %dma_wait3A_470 = tpu.memref_slice %arg2[%dma_wait3A_468, %dma_wait3A_469] : memref<10000x128xf32, #tpu.memory_space<hbm>> -> memref<10000x128xf32, #tpu.memory_space<hbm>>
      tpu.wait_indirect_dma semaphore(%arg12 : memref<!tpu.dma_semaphore, #tpu.memory_space<semaphore_mem>>) src(%dma_wait3A_470 : memref<10000x128xf32, #tpu.memory_space<hbm>>) dst(%arg9 : memref<128x128xf32, #tpu.memory_space<vmem>>)
      %dma_start3A_471 = arith.constant 14 : i32
      %dma_start3A_472 = arith.constant 0 : i32
      %dma_start3A_473 = tpu.memref_slice %arg8[%dma_start3A_471, %dma_start3A_472] : memref<16x128xi32, #tpu.memory_space<vmem>> -> memref<1x128xi32, #tpu.memory_space<vmem>>
      %dma_start3A_474 = tpu.memref_squeeze %dma_start3A_473 : memref<1x128xi32, #tpu.memory_space<vmem>> -> memref<128xi32, #tpu.memory_space<vmem>>
      %dma_start3A_475 = arith.constant 0 : i32
      %dma_start3A_476 = arith.constant 0 : i32
      %dma_start3A_477 = tpu.memref_slice %arg11[%dma_start3A_475, %dma_start3A_476] : memref<10240x128xf32, #tpu.memory_space<vmem_shared>> -> memref<10240x128xf32, #tpu.memory_space<vmem_shared>>
      tpu.enqueue_indirect_dma source(%arg9 : memref<128x128xf32, #tpu.memory_space<vmem>>) target(%dma_start3A_477 : memref<10240x128xf32, #tpu.memory_space<vmem_shared>>) offsets(%dma_start3A_474 : memref<128xi32, #tpu.memory_space<vmem>>) semaphore(%arg13 : memref<!tpu.dma_semaphore, #tpu.memory_space<semaphore_mem>>) {add = true}
      %dma_wait3A_478 = arith.constant 13 : i32
      %dma_wait3A_479 = arith.constant 0 : i32
      %dma_wait3A_480 = tpu.memref_slice %arg8[%dma_wait3A_478, %dma_wait3A_479] : memref<16x128xi32, #tpu.memory_space<vmem>> -> memref<1x128xi32, #tpu.memory_space<vmem>>
      %dma_wait3A_481 = tpu.memref_squeeze %dma_wait3A_480 : memref<1x128xi32, #tpu.memory_space<vmem>> -> memref<128xi32, #tpu.memory_space<vmem>>
      %dma_wait3A_482 = arith.constant 0 : i32
      %dma_wait3A_483 = arith.constant 0 : i32
      %dma_wait3A_484 = tpu.memref_slice %arg11[%dma_wait3A_482, %dma_wait3A_483] : memref<10240x128xf32, #tpu.memory_space<vmem_shared>> -> memref<10240x128xf32, #tpu.memory_space<vmem_shared>>
      tpu.wait_indirect_dma semaphore(%arg14 : memref<!tpu.dma_semaphore, #tpu.memory_space<semaphore_mem>>) src(%arg10 : memref<128x128xf32, #tpu.memory_space<vmem>>) dst(%dma_wait3A_484 : memref<10240x128xf32, #tpu.memory_space<vmem_shared>>)
      %dma_start3A_485 = arith.constant 15 : i32
      %dma_start3A_486 = arith.constant 0 : i32
      %dma_start3A_487 = tpu.memref_slice %arg7[%dma_start3A_485, %dma_start3A_486] : memref<16x128xi32, #tpu.memory_space<vmem>> -> memref<1x128xi32, #tpu.memory_space<vmem>>
      %dma_start3A_488 = tpu.memref_squeeze %dma_start3A_487 : memref<1x128xi32, #tpu.memory_space<vmem>> -> memref<128xi32, #tpu.memory_space<vmem>>
      %dma_start3A_489 = arith.constant 0 : i32
      %dma_start3A_490 = arith.constant 0 : i32
      %dma_start3A_491 = tpu.memref_slice %arg2[%dma_start3A_489, %dma_start3A_490] : memref<10000x128xf32, #tpu.memory_space<hbm>> -> memref<10000x128xf32, #tpu.memory_space<hbm>>
      tpu.enqueue_indirect_dma source(%dma_start3A_491 : memref<10000x128xf32, #tpu.memory_space<hbm>>) target(%arg10 : memref<128x128xf32, #tpu.memory_space<vmem>>) offsets(%dma_start3A_488 : memref<128xi32, #tpu.memory_space<vmem>>) semaphore(%arg12 : memref<!tpu.dma_semaphore, #tpu.memory_space<semaphore_mem>>)
      %dma_wait3A_492 = arith.constant 15 : i32
      %dma_wait3A_493 = arith.constant 0 : i32
      %dma_wait3A_494 = tpu.memref_slice %arg7[%dma_wait3A_492, %dma_wait3A_493] : memref<16x128xi32, #tpu.memory_space<vmem>> -> memref<1x128xi32, #tpu.memory_space<vmem>>
      %dma_wait3A_495 = tpu.memref_squeeze %dma_wait3A_494 : memref<1x128xi32, #tpu.memory_space<vmem>> -> memref<128xi32, #tpu.memory_space<vmem>>
      %dma_wait3A_496 = arith.constant 0 : i32
      %dma_wait3A_497 = arith.constant 0 : i32
      %dma_wait3A_498 = tpu.memref_slice %arg2[%dma_wait3A_496, %dma_wait3A_497] : memref<10000x128xf32, #tpu.memory_space<hbm>> -> memref<10000x128xf32, #tpu.memory_space<hbm>>
      tpu.wait_indirect_dma semaphore(%arg12 : memref<!tpu.dma_semaphore, #tpu.memory_space<semaphore_mem>>) src(%dma_wait3A_498 : memref<10000x128xf32, #tpu.memory_space<hbm>>) dst(%arg10 : memref<128x128xf32, #tpu.memory_space<vmem>>)
      %dma_start3A_499 = arith.constant 15 : i32
      %dma_start3A_500 = arith.constant 0 : i32
      %dma_start3A_501 = tpu.memref_slice %arg8[%dma_start3A_499, %dma_start3A_500] : memref<16x128xi32, #tpu.memory_space<vmem>> -> memref<1x128xi32, #tpu.memory_space<vmem>>
      %dma_start3A_502 = tpu.memref_squeeze %dma_start3A_501 : memref<1x128xi32, #tpu.memory_space<vmem>> -> memref<128xi32, #tpu.memory_space<vmem>>
      %dma_start3A_503 = arith.constant 0 : i32
      %dma_start3A_504 = arith.constant 0 : i32
      %dma_start3A_505 = tpu.memref_slice %arg11[%dma_start3A_503, %dma_start3A_504] : memref<10240x128xf32, #tpu.memory_space<vmem_shared>> -> memref<10240x128xf32, #tpu.memory_space<vmem_shared>>
      tpu.enqueue_indirect_dma source(%arg10 : memref<128x128xf32, #tpu.memory_space<vmem>>) target(%dma_start3A_505 : memref<10240x128xf32, #tpu.memory_space<vmem_shared>>) offsets(%dma_start3A_502 : memref<128xi32, #tpu.memory_space<vmem>>) semaphore(%arg14 : memref<!tpu.dma_semaphore, #tpu.memory_space<semaphore_mem>>) {add = true}
      %dma_wait3A_506 = arith.constant 14 : i32
      %dma_wait3A_507 = arith.constant 0 : i32
      %dma_wait3A_508 = tpu.memref_slice %arg8[%dma_wait3A_506, %dma_wait3A_507] : memref<16x128xi32, #tpu.memory_space<vmem>> -> memref<1x128xi32, #tpu.memory_space<vmem>>
      %dma_wait3A_509 = tpu.memref_squeeze %dma_wait3A_508 : memref<1x128xi32, #tpu.memory_space<vmem>> -> memref<128xi32, #tpu.memory_space<vmem>>
      %dma_wait3A_510 = arith.constant 0 : i32
      %dma_wait3A_511 = arith.constant 0 : i32
      %dma_wait3A_512 = tpu.memref_slice %arg11[%dma_wait3A_510, %dma_wait3A_511] : memref<10240x128xf32, #tpu.memory_space<vmem_shared>> -> memref<10240x128xf32, #tpu.memory_space<vmem_shared>>
      tpu.wait_indirect_dma semaphore(%arg13 : memref<!tpu.dma_semaphore, #tpu.memory_space<semaphore_mem>>) src(%arg9 : memref<128x128xf32, #tpu.memory_space<vmem>>) dst(%dma_wait3A_512 : memref<10240x128xf32, #tpu.memory_space<vmem_shared>>)
      %dma_wait3A_513 = arith.constant 15 : i32
      %dma_wait3A_514 = arith.constant 0 : i32
      %dma_wait3A_515 = tpu.memref_slice %arg8[%dma_wait3A_513, %dma_wait3A_514] : memref<16x128xi32, #tpu.memory_space<vmem>> -> memref<1x128xi32, #tpu.memory_space<vmem>>
      %dma_wait3A_516 = tpu.memref_squeeze %dma_wait3A_515 : memref<1x128xi32, #tpu.memory_space<vmem>> -> memref<128xi32, #tpu.memory_space<vmem>>
      %dma_wait3A_517 = arith.constant 0 : i32
      %dma_wait3A_518 = arith.constant 0 : i32
      %dma_wait3A_519 = tpu.memref_slice %arg11[%dma_wait3A_517, %dma_wait3A_518] : memref<10240x128xf32, #tpu.memory_space<vmem_shared>> -> memref<10240x128xf32, #tpu.memory_space<vmem_shared>>
      tpu.wait_indirect_dma semaphore(%arg14 : memref<!tpu.dma_semaphore, #tpu.memory_space<semaphore_mem>>) src(%arg10 : memref<128x128xf32, #tpu.memory_space<vmem>>) dst(%dma_wait3A_519 : memref<10240x128xf32, #tpu.memory_space<vmem_shared>>)
    }
    %scan3A_19 = arith.constant 5 : i32
    %barrier3A_20 = arith.constant 0 : index
    tpu.barrier barrier_id(%barrier3A_20)
    %dma_start3A = arith.constant 0 : i32
    %dma_start3A_21 = tpu.memref_slice %arg5[%arg0, %multiple_of3A, %dma_start3A] : memref<2x10240x128xf32, #tpu.memory_space<hbm>> -> memref<1x640x128xf32, #tpu.memory_space<hbm>>
    %dma_start3A_22 = tpu.memref_squeeze %dma_start3A_21 : memref<1x640x128xf32, #tpu.memory_space<hbm>> -> memref<640x128xf32, #tpu.memory_space<hbm>>
    %dma_start3A_23 = arith.constant 0 : i32
    %dma_start3A_24 = tpu.memref_slice %arg11[%multiple_of3A, %dma_start3A_23] : memref<10240x128xf32, #tpu.memory_space<vmem_shared>> -> memref<640x128xf32, #tpu.memory_space<vmem_shared>>
    tpu.enqueue_dma source(%dma_start3A_24 : memref<640x128xf32, #tpu.memory_space<vmem_shared>>) target(%dma_start3A_22 : memref<640x128xf32, #tpu.memory_space<hbm>>) target_semaphore(%arg12 : memref<!tpu.dma_semaphore, #tpu.memory_space<semaphore_mem>>)
    %dma_wait3A = arith.constant 0 : i32
    %dma_wait3A_25 = tpu.memref_slice %arg5[%arg0, %multiple_of3A, %dma_wait3A] : memref<2x10240x128xf32, #tpu.memory_space<hbm>> -> memref<1x640x128xf32, #tpu.memory_space<hbm>>
    %dma_wait3A_26 = tpu.memref_squeeze %dma_wait3A_25 : memref<1x640x128xf32, #tpu.memory_space<hbm>> -> memref<640x128xf32, #tpu.memory_space<hbm>>
    %dma_wait3A_27 = arith.constant 0 : i32
    %dma_wait3A_28 = tpu.memref_slice %arg11[%multiple_of3A, %dma_wait3A_27] : memref<10240x128xf32, #tpu.memory_space<vmem_shared>> -> memref<640x128xf32, #tpu.memory_space<vmem_shared>>
    tpu.wait_dma2 semaphore(%arg12 : memref<!tpu.dma_semaphore, #tpu.memory_space<semaphore_mem>>) src(%dma_wait3A_28 : memref<640x128xf32, #tpu.memory_space<vmem_shared>>) dst(%dma_wait3A_26 : memref<640x128xf32, #tpu.memory_space<hbm>>)
    %scan3A_29 = arith.constant 0 : i32
    %scan3A_30 = arith.constant 128 : i32
    %scan3A_31 = arith.addi %scan3A_29, %scan3A_30 : i32
    %scan3A_32 = arith.constant 1 : i32
    scf.for %scan3A_61 = %scan3A_29 to %scan3A_31 step %scan3A_32  : i32 {
      %mul3A_62 = arith.constant 1 : i32
      %mul3A_63 = arith.muli %scan3A_61, %mul3A_62 : i32
      %add3A_64 = arith.constant 0 : i32
      %add3A_65 = arith.addi %add3A_64, %mul3A_63 : i32
      %swap3A = arith.index_cast %add3A_65 : i32 to index
      %swap3A_66 = arith.constant 0 : index
      %swap3A_67 = tpu.vector_load %arg9[%swap3A, %swap3A_66] {strides = array<i32>} : memref<128x128xf32, #tpu.memory_space<vmem>>, vector<1x16xf32>,
      %swap3A_68 = vector.shape_cast %swap3A_67 : vector<1x16xf32> to vector<16xf32>
      %swap3A_69 = vector.shape_cast %broadcast_in_dim3A_3 : vector<16xf32> to vector<1x16xf32>
      tpu.vector_store %arg9[%swap3A, %swap3A_66], %swap3A_69 {strides = array<i32>} : memref<128x128xf32, #tpu.memory_space<vmem>>, vector<1x16xf32>,
      %swap3A_70 = arith.index_cast %add3A_65 : i32 to index
      %swap3A_71 = arith.constant 16 : index
      %swap3A_72 = tpu.vector_load %arg9[%swap3A_70, %swap3A_71] {strides = array<i32>} : memref<128x128xf32, #tpu.memory_space<vmem>>, vector<1x16xf32>,
      %swap3A_73 = vector.shape_cast %swap3A_72 : vector<1x16xf32> to vector<16xf32>
      %swap3A_74 = vector.shape_cast %broadcast_in_dim3A_3 : vector<16xf32> to vector<1x16xf32>
      tpu.vector_store %arg9[%swap3A_70, %swap3A_71], %swap3A_74 {strides = array<i32>} : memref<128x128xf32, #tpu.memory_space<vmem>>, vector<1x16xf32>,
      %swap3A_75 = arith.index_cast %add3A_65 : i32 to index
      %swap3A_76 = arith.constant 32 : index
      %swap3A_77 = tpu.vector_load %arg9[%swap3A_75, %swap3A_76] {strides = array<i32>} : memref<128x128xf32, #tpu.memory_space<vmem>>, vector<1x16xf32>,
      %swap3A_78 = vector.shape_cast %swap3A_77 : vector<1x16xf32> to vector<16xf32>
      %swap3A_79 = vector.shape_cast %broadcast_in_dim3A_3 : vector<16xf32> to vector<1x16xf32>
      tpu.vector_store %arg9[%swap3A_75, %swap3A_76], %swap3A_79 {strides = array<i32>} : memref<128x128xf32, #tpu.memory_space<vmem>>, vector<1x16xf32>,
      %swap3A_80 = arith.index_cast %add3A_65 : i32 to index
      %swap3A_81 = arith.constant 48 : index
      %swap3A_82 = tpu.vector_load %arg9[%swap3A_80, %swap3A_81] {strides = array<i32>} : memref<128x128xf32, #tpu.memory_space<vmem>>, vector<1x16xf32>,
      %swap3A_83 = vector.shape_cast %swap3A_82 : vector<1x16xf32> to vector<16xf32>
      %swap3A_84 = vector.shape_cast %broadcast_in_dim3A_3 : vector<16xf32> to vector<1x16xf32>
      tpu.vector_store %arg9[%swap3A_80, %swap3A_81], %swap3A_84 {strides = array<i32>} : memref<128x128xf32, #tpu.memory_space<vmem>>, vector<1x16xf32>,
      %swap3A_85 = arith.index_cast %add3A_65 : i32 to index
      %swap3A_86 = arith.constant 64 : index
      %swap3A_87 = tpu.vector_load %arg9[%swap3A_85, %swap3A_86] {strides = array<i32>} : memref<128x128xf32, #tpu.memory_space<vmem>>, vector<1x16xf32>,
      %swap3A_88 = vector.shape_cast %swap3A_87 : vector<1x16xf32> to vector<16xf32>
      %swap3A_89 = vector.shape_cast %broadcast_in_dim3A_3 : vector<16xf32> to vector<1x16xf32>
      tpu.vector_store %arg9[%swap3A_85, %swap3A_86], %swap3A_89 {strides = array<i32>} : memref<128x128xf32, #tpu.memory_space<vmem>>, vector<1x16xf32>,
      %swap3A_90 = arith.index_cast %add3A_65 : i32 to index
      %swap3A_91 = arith.constant 80 : index
      %swap3A_92 = tpu.vector_load %arg9[%swap3A_90, %swap3A_91] {strides = array<i32>} : memref<128x128xf32, #tpu.memory_space<vmem>>, vector<1x16xf32>,
      %swap3A_93 = vector.shape_cast %swap3A_92 : vector<1x16xf32> to vector<16xf32>
      %swap3A_94 = vector.shape_cast %broadcast_in_dim3A_3 : vector<16xf32> to vector<1x16xf32>
      tpu.vector_store %arg9[%swap3A_90, %swap3A_91], %swap3A_94 {strides = array<i32>} : memref<128x128xf32, #tpu.memory_space<vmem>>, vector<1x16xf32>,
      %swap3A_95 = arith.index_cast %add3A_65 : i32 to index
      %swap3A_96 = arith.constant 96 : index
      %swap3A_97 = tpu.vector_load %arg9[%swap3A_95, %swap3A_96] {strides = array<i32>} : memref<128x128xf32, #tpu.memory_space<vmem>>, vector<1x16xf32>,
      %swap3A_98 = vector.shape_cast %swap3A_97 : vector<1x16xf32> to vector<16xf32>
      %swap3A_99 = vector.shape_cast %broadcast_in_dim3A_3 : vector<16xf32> to vector<1x16xf32>
      tpu.vector_store %arg9[%swap3A_95, %swap3A_96], %swap3A_99 {strides = array<i32>} : memref<128x128xf32, #tpu.memory_space<vmem>>, vector<1x16xf32>,
      %swap3A_100 = arith.index_cast %add3A_65 : i32 to index
      %swap3A_101 = arith.constant 112 : index
      %swap3A_102 = tpu.vector_load %arg9[%swap3A_100, %swap3A_101] {strides = array<i32>} : memref<128x128xf32, #tpu.memory_space<vmem>>, vector<1x16xf32>,
      %swap3A_103 = vector.shape_cast %swap3A_102 : vector<1x16xf32> to vector<16xf32>
      %swap3A_104 = vector.shape_cast %broadcast_in_dim3A_3 : vector<16xf32> to vector<1x16xf32>
      tpu.vector_store %arg9[%swap3A_100, %swap3A_101], %swap3A_104 {strides = array<i32>} : memref<128x128xf32, #tpu.memory_space<vmem>>, vector<1x16xf32>,
    }
    %scan3A_33 = arith.constant 128 : i32
    %scan3A_34 = arith.constant 0 : i32
    %scan3A_35 = arith.constant 5 : i32
    %scan3A_36 = arith.addi %scan3A_34, %scan3A_35 : i32
    %scan3A_37 = arith.constant 1 : i32
    scf.for %scan3A_61 = %scan3A_34 to %scan3A_36 step %scan3A_37  : i32 {
      %mul3A_62 = arith.constant 1 : i32
      %mul3A_63 = arith.muli %scan3A_61, %mul3A_62 : i32
      %add3A_64 = arith.constant 0 : i32
      %add3A_65 = arith.addi %add3A_64, %mul3A_63 : i32
      %mul3A_66 = arith.constant 128 : i32
      %mul3A_67 = arith.muli %add3A_65, %mul3A_66 : i32
      %add3A_68 = arith.addi %multiple_of3A, %mul3A_67 : i32
      %multiple_of3A_69 = tpu.assume_multiple %add3A_68, 128 : i32
      %dma_start3A_70 = arith.constant 0 : i32
      %dma_start3A_71 = tpu.memref_slice %arg11[%multiple_of3A_69, %dma_start3A_70] : memref<10240x128xf32, #tpu.memory_space<vmem_shared>> -> memref<128x128xf32, #tpu.memory_space<vmem_shared>>
      %dma_start3A_72 = arith.constant 0 : i32
      %dma_start3A_73 = tpu.memref_slice %arg11[%multiple_of3A_69, %dma_start3A_72] : memref<10240x128xf32, #tpu.memory_space<vmem_shared>> -> memref<128x128xf32, #tpu.memory_space<vmem_shared>>
      tpu.enqueue_dma source(%arg9 : memref<128x128xf32, #tpu.memory_space<vmem>>) target(%dma_start3A_73 : memref<128x128xf32, #tpu.memory_space<vmem_shared>>) target_semaphore(%arg12 : memref<!tpu.dma_semaphore, #tpu.memory_space<semaphore_mem>>)
      %dma_wait3A_74 = arith.constant 0 : i32
      %dma_wait3A_75 = tpu.memref_slice %arg11[%multiple_of3A_69, %dma_wait3A_74] : memref<10240x128xf32, #tpu.memory_space<vmem_shared>> -> memref<128x128xf32, #tpu.memory_space<vmem_shared>>
      %dma_wait3A_76 = arith.constant 0 : i32
      %dma_wait3A_77 = tpu.memref_slice %arg11[%multiple_of3A_69, %dma_wait3A_76] : memref<10240x128xf32, #tpu.memory_space<vmem_shared>> -> memref<128x128xf32, #tpu.memory_space<vmem_shared>>
      tpu.wait_dma2 semaphore(%arg12 : memref<!tpu.dma_semaphore, #tpu.memory_space<semaphore_mem>>) src(%arg9 : memref<128x128xf32, #tpu.memory_space<vmem>>) dst(%dma_wait3A_77 : memref<128x128xf32, #tpu.memory_space<vmem_shared>>)
    }
    %scan3A_38 = arith.constant 5 : i32
    %scan3A_39 = arith.constant 0 : i32
    %scan3A_40 = arith.constant 128 : i32
    %scan3A_41 = arith.addi %scan3A_39, %scan3A_40 : i32
    %scan3A_42 = arith.constant 1 : i32
    scf.for %scan3A_61 = %scan3A_39 to %scan3A_41 step %scan3A_42  : i32 {
      %mul3A_62 = arith.constant 1 : i32
      %mul3A_63 = arith.muli %scan3A_61, %mul3A_62 : i32
      %add3A_64 = arith.constant 0 : i32
      %add3A_65 = arith.addi %add3A_64, %mul3A_63 : i32
      %swap3A = arith.index_cast %add3A_65 : i32 to index
      %swap3A_66 = arith.constant 0 : index
      %swap3A_67 = tpu.vector_load %arg9[%swap3A, %swap3A_66] {strides = array<i32>} : memref<128x128xf32, #tpu.memory_space<vmem>>, vector<1x16xf32>,
      %swap3A_68 = vector.shape_cast %swap3A_67 : vector<1x16xf32> to vector<16xf32>
      %swap3A_69 = vector.shape_cast %broadcast_in_dim3A_5 : vector<16xf32> to vector<1x16xf32>
      tpu.vector_store %arg9[%swap3A, %swap3A_66], %swap3A_69 {strides = array<i32>} : memref<128x128xf32, #tpu.memory_space<vmem>>, vector<1x16xf32>,
      %swap3A_70 = arith.index_cast %add3A_65 : i32 to index
      %swap3A_71 = arith.constant 16 : index
      %swap3A_72 = tpu.vector_load %arg9[%swap3A_70, %swap3A_71] {strides = array<i32>} : memref<128x128xf32, #tpu.memory_space<vmem>>, vector<1x16xf32>,
      %swap3A_73 = vector.shape_cast %swap3A_72 : vector<1x16xf32> to vector<16xf32>
      %swap3A_74 = vector.shape_cast %broadcast_in_dim3A_5 : vector<16xf32> to vector<1x16xf32>
      tpu.vector_store %arg9[%swap3A_70, %swap3A_71], %swap3A_74 {strides = array<i32>} : memref<128x128xf32, #tpu.memory_space<vmem>>, vector<1x16xf32>,
      %swap3A_75 = arith.index_cast %add3A_65 : i32 to index
      %swap3A_76 = arith.constant 32 : index
      %swap3A_77 = tpu.vector_load %arg9[%swap3A_75, %swap3A_76] {strides = array<i32>} : memref<128x128xf32, #tpu.memory_space<vmem>>, vector<1x16xf32>,
      %swap3A_78 = vector.shape_cast %swap3A_77 : vector<1x16xf32> to vector<16xf32>
      %swap3A_79 = vector.shape_cast %broadcast_in_dim3A_5 : vector<16xf32> to vector<1x16xf32>
      tpu.vector_store %arg9[%swap3A_75, %swap3A_76], %swap3A_79 {strides = array<i32>} : memref<128x128xf32, #tpu.memory_space<vmem>>, vector<1x16xf32>,
      %swap3A_80 = arith.index_cast %add3A_65 : i32 to index
      %swap3A_81 = arith.constant 48 : index
      %swap3A_82 = tpu.vector_load %arg9[%swap3A_80, %swap3A_81] {strides = array<i32>} : memref<128x128xf32, #tpu.memory_space<vmem>>, vector<1x16xf32>,
      %swap3A_83 = vector.shape_cast %swap3A_82 : vector<1x16xf32> to vector<16xf32>
      %swap3A_84 = vector.shape_cast %broadcast_in_dim3A_5 : vector<16xf32> to vector<1x16xf32>
      tpu.vector_store %arg9[%swap3A_80, %swap3A_81], %swap3A_84 {strides = array<i32>} : memref<128x128xf32, #tpu.memory_space<vmem>>, vector<1x16xf32>,
      %swap3A_85 = arith.index_cast %add3A_65 : i32 to index
      %swap3A_86 = arith.constant 64 : index
      %swap3A_87 = tpu.vector_load %arg9[%swap3A_85, %swap3A_86] {strides = array<i32>} : memref<128x128xf32, #tpu.memory_space<vmem>>, vector<1x16xf32>,
      %swap3A_88 = vector.shape_cast %swap3A_87 : vector<1x16xf32> to vector<16xf32>
      %swap3A_89 = vector.shape_cast %broadcast_in_dim3A_5 : vector<16xf32> to vector<1x16xf32>
      tpu.vector_store %arg9[%swap3A_85, %swap3A_86], %swap3A_89 {strides = array<i32>} : memref<128x128xf32, #tpu.memory_space<vmem>>, vector<1x16xf32>,
      %swap3A_90 = arith.index_cast %add3A_65 : i32 to index
      %swap3A_91 = arith.constant 80 : index
      %swap3A_92 = tpu.vector_load %arg9[%swap3A_90, %swap3A_91] {strides = array<i32>} : memref<128x128xf32, #tpu.memory_space<vmem>>, vector<1x16xf32>,
      %swap3A_93 = vector.shape_cast %swap3A_92 : vector<1x16xf32> to vector<16xf32>
      %swap3A_94 = vector.shape_cast %broadcast_in_dim3A_5 : vector<16xf32> to vector<1x16xf32>
      tpu.vector_store %arg9[%swap3A_90, %swap3A_91], %swap3A_94 {strides = array<i32>} : memref<128x128xf32, #tpu.memory_space<vmem>>, vector<1x16xf32>,
      %swap3A_95 = arith.index_cast %add3A_65 : i32 to index
      %swap3A_96 = arith.constant 96 : index
      %swap3A_97 = tpu.vector_load %arg9[%swap3A_95, %swap3A_96] {strides = array<i32>} : memref<128x128xf32, #tpu.memory_space<vmem>>, vector<1x16xf32>,
      %swap3A_98 = vector.shape_cast %swap3A_97 : vector<1x16xf32> to vector<16xf32>
      %swap3A_99 = vector.shape_cast %broadcast_in_dim3A_5 : vector<16xf32> to vector<1x16xf32>
      tpu.vector_store %arg9[%swap3A_95, %swap3A_96], %swap3A_99 {strides = array<i32>} : memref<128x128xf32, #tpu.memory_space<vmem>>, vector<1x16xf32>,
      %swap3A_100 = arith.index_cast %add3A_65 : i32 to index
      %swap3A_101 = arith.constant 112 : index
      %swap3A_102 = tpu.vector_load %arg9[%swap3A_100, %swap3A_101] {strides = array<i32>} : memref<128x128xf32, #tpu.memory_space<vmem>>, vector<1x16xf32>,
      %swap3A_103 = vector.shape_cast %swap3A_102 : vector<1x16xf32> to vector<16xf32>
      %swap3A_104 = vector.shape_cast %broadcast_in_dim3A_5 : vector<16xf32> to vector<1x16xf32>
      tpu.vector_store %arg9[%swap3A_100, %swap3A_101], %swap3A_104 {strides = array<i32>} : memref<128x128xf32, #tpu.memory_space<vmem>>, vector<1x16xf32>,
    }
    %scan3A_43 = arith.constant 128 : i32
    %barrier3A_44 = arith.constant 0 : index
    tpu.barrier barrier_id(%barrier3A_44)
    %scan3A_45 = arith.constant 0 : i32
    %scan3A_46 = arith.constant 5 : i32
    %scan3A_47 = arith.addi %scan3A_45, %scan3A_46 : i32
    %scan3A_48 = arith.constant 1 : i32
    scf.for %scan3A_61 = %scan3A_45 to %scan3A_47 step %scan3A_48  : i32 {
      %mul3A_62 = arith.constant 1 : i32
      %mul3A_63 = arith.muli %scan3A_61, %mul3A_62 : i32
      %add3A_64 = arith.constant 0 : i32
      %add3A_65 = arith.addi %add3A_64, %mul3A_63 : i32
      %mul3A_66 = arith.constant 80 : i32
      %mul3A_67 = arith.muli %add3A, %mul3A_66 : i32
      %mul3A_68 = arith.constant 16 : i32
      %mul3A_69 = arith.muli %add3A_65, %mul3A_68 : i32
      %add3A_70 = arith.addi %mul3A_67, %mul3A_69 : i32
      %multiple_of3A_71 = tpu.assume_multiple %add3A_70, 16 : i32
      "tpu.region"() ({
        %run_scoped3A = tpu.sem_alloc : memref<!tpu.dma_semaphore, #tpu.memory_space<semaphore_mem>>
        %dma_start3A_296 = arith.constant 0 : i32
        %dma_start3A_297 = tpu.memref_slice %arg4[%multiple_of3A_71, %dma_start3A_296] : memref<2560x128xi32, #tpu.memory_space<hbm>> -> memref<16x128xi32, #tpu.memory_space<hbm>>
        %dma_start3A_298 = arith.constant 0 : i32
        %dma_start3A_299 = tpu.memref_slice %arg4[%multiple_of3A_71, %dma_start3A_298] : memref<2560x128xi32, #tpu.memory_space<hbm>> -> memref<16x128xi32, #tpu.memory_space<hbm>>
        tpu.enqueue_dma source(%dma_start3A_299 : memref<16x128xi32, #tpu.memory_space<hbm>>) target(%arg8 : memref<16x128xi32, #tpu.memory_space<vmem>>) target_semaphore(%run_scoped3A : memref<!tpu.dma_semaphore, #tpu.memory_space<semaphore_mem>>)
        %dma_wait3A_300 = arith.constant 0 : i32
        %dma_wait3A_301 = tpu.memref_slice %arg4[%multiple_of3A_71, %dma_wait3A_300] : memref<2560x128xi32, #tpu.memory_space<hbm>> -> memref<16x128xi32, #tpu.memory_space<hbm>>
        %dma_wait3A_302 = arith.constant 0 : i32
        %dma_wait3A_303 = tpu.memref_slice %arg4[%multiple_of3A_71, %dma_wait3A_302] : memref<2560x128xi32, #tpu.memory_space<hbm>> -> memref<16x128xi32, #tpu.memory_space<hbm>>
        tpu.wait_dma2 semaphore(%run_scoped3A : memref<!tpu.dma_semaphore, #tpu.memory_space<semaphore_mem>>) src(%dma_wait3A_303 : memref<16x128xi32, #tpu.memory_space<hbm>>) dst(%arg8 : memref<16x128xi32, #tpu.memory_space<vmem>>)
        tpu.yield
      }) : () -> ()
      %dma_start3A_72 = arith.constant 0 : i32
      %dma_start3A_73 = arith.constant 0 : i32
      %dma_start3A_74 = tpu.memref_slice %arg8[%dma_start3A_72, %dma_start3A_73] : memref<16x128xi32, #tpu.memory_space<vmem>> -> memref<1x128xi32, #tpu.memory_space<vmem>>
      %dma_start3A_75 = tpu.memref_squeeze %dma_start3A_74 : memref<1x128xi32, #tpu.memory_space<vmem>> -> memref<128xi32, #tpu.memory_space<vmem>>
      %dma_start3A_76 = arith.constant 0 : i32
      %dma_start3A_77 = arith.constant 0 : i32
      %dma_start3A_78 = tpu.memref_slice %arg11[%dma_start3A_76, %dma_start3A_77] : memref<10240x128xf32, #tpu.memory_space<vmem_shared>> -> memref<10240x128xf32, #tpu.memory_space<vmem_shared>>
      tpu.enqueue_indirect_dma source(%arg9 : memref<128x128xf32, #tpu.memory_space<vmem>>) target(%dma_start3A_78 : memref<10240x128xf32, #tpu.memory_space<vmem_shared>>) offsets(%dma_start3A_75 : memref<128xi32, #tpu.memory_space<vmem>>) semaphore(%arg13 : memref<!tpu.dma_semaphore, #tpu.memory_space<semaphore_mem>>) {add = true}
      %dma_start3A_79 = arith.constant 1 : i32
      %dma_start3A_80 = arith.constant 0 : i32
      %dma_start3A_81 = tpu.memref_slice %arg8[%dma_start3A_79, %dma_start3A_80] : memref<16x128xi32, #tpu.memory_space<vmem>> -> memref<1x128xi32, #tpu.memory_space<vmem>>
      %dma_start3A_82 = tpu.memref_squeeze %dma_start3A_81 : memref<1x128xi32, #tpu.memory_space<vmem>> -> memref<128xi32, #tpu.memory_space<vmem>>
      %dma_start3A_83 = arith.constant 0 : i32
      %dma_start3A_84 = arith.constant 0 : i32
      %dma_start3A_85 = tpu.memref_slice %arg11[%dma_start3A_83, %dma_start3A_84] : memref<10240x128xf32, #tpu.memory_space<vmem_shared>> -> memref<10240x128xf32, #tpu.memory_space<vmem_shared>>
      tpu.enqueue_indirect_dma source(%arg9 : memref<128x128xf32, #tpu.memory_space<vmem>>) target(%dma_start3A_85 : memref<10240x128xf32, #tpu.memory_space<vmem_shared>>) offsets(%dma_start3A_82 : memref<128xi32, #tpu.memory_space<vmem>>) semaphore(%arg13 : memref<!tpu.dma_semaphore, #tpu.memory_space<semaphore_mem>>) {add = true}
      %dma_start3A_86 = arith.constant 2 : i32
      %dma_start3A_87 = arith.constant 0 : i32
      %dma_start3A_88 = tpu.memref_slice %arg8[%dma_start3A_86, %dma_start3A_87] : memref<16x128xi32, #tpu.memory_space<vmem>> -> memref<1x128xi32, #tpu.memory_space<vmem>>
      %dma_start3A_89 = tpu.memref_squeeze %dma_start3A_88 : memref<1x128xi32, #tpu.memory_space<vmem>> -> memref<128xi32, #tpu.memory_space<vmem>>
      %dma_start3A_90 = arith.constant 0 : i32
      %dma_start3A_91 = arith.constant 0 : i32
      %dma_start3A_92 = tpu.memref_slice %arg11[%dma_start3A_90, %dma_start3A_91] : memref<10240x128xf32, #tpu.memory_space<vmem_shared>> -> memref<10240x128xf32, #tpu.memory_space<vmem_shared>>
      tpu.enqueue_indirect_dma source(%arg9 : memref<128x128xf32, #tpu.memory_space<vmem>>) target(%dma_start3A_92 : memref<10240x128xf32, #tpu.memory_space<vmem_shared>>) offsets(%dma_start3A_89 : memref<128xi32, #tpu.memory_space<vmem>>) semaphore(%arg13 : memref<!tpu.dma_semaphore, #tpu.memory_space<semaphore_mem>>) {add = true}
      %dma_start3A_93 = arith.constant 3 : i32
      %dma_start3A_94 = arith.constant 0 : i32
      %dma_start3A_95 = tpu.memref_slice %arg8[%dma_start3A_93, %dma_start3A_94] : memref<16x128xi32, #tpu.memory_space<vmem>> -> memref<1x128xi32, #tpu.memory_space<vmem>>
      %dma_start3A_96 = tpu.memref_squeeze %dma_start3A_95 : memref<1x128xi32, #tpu.memory_space<vmem>> -> memref<128xi32, #tpu.memory_space<vmem>>
      %dma_start3A_97 = arith.constant 0 : i32
      %dma_start3A_98 = arith.constant 0 : i32
      %dma_start3A_99 = tpu.memref_slice %arg11[%dma_start3A_97, %dma_start3A_98] : memref<10240x128xf32, #tpu.memory_space<vmem_shared>> -> memref<10240x128xf32, #tpu.memory_space<vmem_shared>>
      tpu.enqueue_indirect_dma source(%arg9 : memref<128x128xf32, #tpu.memory_space<vmem>>) target(%dma_start3A_99 : memref<10240x128xf32, #tpu.memory_space<vmem_shared>>) offsets(%dma_start3A_96 : memref<128xi32, #tpu.memory_space<vmem>>) semaphore(%arg13 : memref<!tpu.dma_semaphore, #tpu.memory_space<semaphore_mem>>) {add = true}
      %dma_start3A_100 = arith.constant 4 : i32
      %dma_start3A_101 = arith.constant 0 : i32
      %dma_start3A_102 = tpu.memref_slice %arg8[%dma_start3A_100, %dma_start3A_101] : memref<16x128xi32, #tpu.memory_space<vmem>> -> memref<1x128xi32, #tpu.memory_space<vmem>>
      %dma_start3A_103 = tpu.memref_squeeze %dma_start3A_102 : memref<1x128xi32, #tpu.memory_space<vmem>> -> memref<128xi32, #tpu.memory_space<vmem>>
      %dma_start3A_104 = arith.constant 0 : i32
      %dma_start3A_105 = arith.constant 0 : i32
      %dma_start3A_106 = tpu.memref_slice %arg11[%dma_start3A_104, %dma_start3A_105] : memref<10240x128xf32, #tpu.memory_space<vmem_shared>> -> memref<10240x128xf32, #tpu.memory_space<vmem_shared>>
      tpu.enqueue_indirect_dma source(%arg9 : memref<128x128xf32, #tpu.memory_space<vmem>>) target(%dma_start3A_106 : memref<10240x128xf32, #tpu.memory_space<vmem_shared>>) offsets(%dma_start3A_103 : memref<128xi32, #tpu.memory_space<vmem>>) semaphore(%arg13 : memref<!tpu.dma_semaphore, #tpu.memory_space<semaphore_mem>>) {add = true}
      %dma_start3A_107 = arith.constant 5 : i32
      %dma_start3A_108 = arith.constant 0 : i32
      %dma_start3A_109 = tpu.memref_slice %arg8[%dma_start3A_107, %dma_start3A_108] : memref<16x128xi32, #tpu.memory_space<vmem>> -> memref<1x128xi32, #tpu.memory_space<vmem>>
      %dma_start3A_110 = tpu.memref_squeeze %dma_start3A_109 : memref<1x128xi32, #tpu.memory_space<vmem>> -> memref<128xi32, #tpu.memory_space<vmem>>
      %dma_start3A_111 = arith.constant 0 : i32
      %dma_start3A_112 = arith.constant 0 : i32
      %dma_start3A_113 = tpu.memref_slice %arg11[%dma_start3A_111, %dma_start3A_112] : memref<10240x128xf32, #tpu.memory_space<vmem_shared>> -> memref<10240x128xf32, #tpu.memory_space<vmem_shared>>
      tpu.enqueue_indirect_dma source(%arg9 : memref<128x128xf32, #tpu.memory_space<vmem>>) target(%dma_start3A_113 : memref<10240x128xf32, #tpu.memory_space<vmem_shared>>) offsets(%dma_start3A_110 : memref<128xi32, #tpu.memory_space<vmem>>) semaphore(%arg13 : memref<!tpu.dma_semaphore, #tpu.memory_space<semaphore_mem>>) {add = true}
      %dma_start3A_114 = arith.constant 6 : i32
      %dma_start3A_115 = arith.constant 0 : i32
      %dma_start3A_116 = tpu.memref_slice %arg8[%dma_start3A_114, %dma_start3A_115] : memref<16x128xi32, #tpu.memory_space<vmem>> -> memref<1x128xi32, #tpu.memory_space<vmem>>
      %dma_start3A_117 = tpu.memref_squeeze %dma_start3A_116 : memref<1x128xi32, #tpu.memory_space<vmem>> -> memref<128xi32, #tpu.memory_space<vmem>>
      %dma_start3A_118 = arith.constant 0 : i32
      %dma_start3A_119 = arith.constant 0 : i32
      %dma_start3A_120 = tpu.memref_slice %arg11[%dma_start3A_118, %dma_start3A_119] : memref<10240x128xf32, #tpu.memory_space<vmem_shared>> -> memref<10240x128xf32, #tpu.memory_space<vmem_shared>>
      tpu.enqueue_indirect_dma source(%arg9 : memref<128x128xf32, #tpu.memory_space<vmem>>) target(%dma_start3A_120 : memref<10240x128xf32, #tpu.memory_space<vmem_shared>>) offsets(%dma_start3A_117 : memref<128xi32, #tpu.memory_space<vmem>>) semaphore(%arg13 : memref<!tpu.dma_semaphore, #tpu.memory_space<semaphore_mem>>) {add = true}
      %dma_start3A_121 = arith.constant 7 : i32
      %dma_start3A_122 = arith.constant 0 : i32
      %dma_start3A_123 = tpu.memref_slice %arg8[%dma_start3A_121, %dma_start3A_122] : memref<16x128xi32, #tpu.memory_space<vmem>> -> memref<1x128xi32, #tpu.memory_space<vmem>>
      %dma_start3A_124 = tpu.memref_squeeze %dma_start3A_123 : memref<1x128xi32, #tpu.memory_space<vmem>> -> memref<128xi32, #tpu.memory_space<vmem>>
      %dma_start3A_125 = arith.constant 0 : i32
      %dma_start3A_126 = arith.constant 0 : i32
      %dma_start3A_127 = tpu.memref_slice %arg11[%dma_start3A_125, %dma_start3A_126] : memref<10240x128xf32, #tpu.memory_space<vmem_shared>> -> memref<10240x128xf32, #tpu.memory_space<vmem_shared>>
      tpu.enqueue_indirect_dma source(%arg9 : memref<128x128xf32, #tpu.memory_space<vmem>>) target(%dma_start3A_127 : memref<10240x128xf32, #tpu.memory_space<vmem_shared>>) offsets(%dma_start3A_124 : memref<128xi32, #tpu.memory_space<vmem>>) semaphore(%arg13 : memref<!tpu.dma_semaphore, #tpu.memory_space<semaphore_mem>>) {add = true}
      %dma_start3A_128 = arith.constant 8 : i32
      %dma_start3A_129 = arith.constant 0 : i32
      %dma_start3A_130 = tpu.memref_slice %arg8[%dma_start3A_128, %dma_start3A_129] : memref<16x128xi32, #tpu.memory_space<vmem>> -> memref<1x128xi32, #tpu.memory_space<vmem>>
      %dma_start3A_131 = tpu.memref_squeeze %dma_start3A_130 : memref<1x128xi32, #tpu.memory_space<vmem>> -> memref<128xi32, #tpu.memory_space<vmem>>
      %dma_start3A_132 = arith.constant 0 : i32
      %dma_start3A_133 = arith.constant 0 : i32
      %dma_start3A_134 = tpu.memref_slice %arg11[%dma_start3A_132, %dma_start3A_133] : memref<10240x128xf32, #tpu.memory_space<vmem_shared>> -> memref<10240x128xf32, #tpu.memory_space<vmem_shared>>
      tpu.enqueue_indirect_dma source(%arg9 : memref<128x128xf32, #tpu.memory_space<vmem>>) target(%dma_start3A_134 : memref<10240x128xf32, #tpu.memory_space<vmem_shared>>) offsets(%dma_start3A_131 : memref<128xi32, #tpu.memory_space<vmem>>) semaphore(%arg13 : memref<!tpu.dma_semaphore, #tpu.memory_space<semaphore_mem>>) {add = true}
      %dma_start3A_135 = arith.constant 9 : i32
      %dma_start3A_136 = arith.constant 0 : i32
      %dma_start3A_137 = tpu.memref_slice %arg8[%dma_start3A_135, %dma_start3A_136] : memref<16x128xi32, #tpu.memory_space<vmem>> -> memref<1x128xi32, #tpu.memory_space<vmem>>
      %dma_start3A_138 = tpu.memref_squeeze %dma_start3A_137 : memref<1x128xi32, #tpu.memory_space<vmem>> -> memref<128xi32, #tpu.memory_space<vmem>>
      %dma_start3A_139 = arith.constant 0 : i32
      %dma_start3A_140 = arith.constant 0 : i32
      %dma_start3A_141 = tpu.memref_slice %arg11[%dma_start3A_139, %dma_start3A_140] : memref<10240x128xf32, #tpu.memory_space<vmem_shared>> -> memref<10240x128xf32, #tpu.memory_space<vmem_shared>>
      tpu.enqueue_indirect_dma source(%arg9 : memref<128x128xf32, #tpu.memory_space<vmem>>) target(%dma_start3A_141 : memref<10240x128xf32, #tpu.memory_space<vmem_shared>>) offsets(%dma_start3A_138 : memref<128xi32, #tpu.memory_space<vmem>>) semaphore(%arg13 : memref<!tpu.dma_semaphore, #tpu.memory_space<semaphore_mem>>) {add = true}
      %dma_start3A_142 = arith.constant 10 : i32
      %dma_start3A_143 = arith.constant 0 : i32
      %dma_start3A_144 = tpu.memref_slice %arg8[%dma_start3A_142, %dma_start3A_143] : memref<16x128xi32, #tpu.memory_space<vmem>> -> memref<1x128xi32, #tpu.memory_space<vmem>>
      %dma_start3A_145 = tpu.memref_squeeze %dma_start3A_144 : memref<1x128xi32, #tpu.memory_space<vmem>> -> memref<128xi32, #tpu.memory_space<vmem>>
      %dma_start3A_146 = arith.constant 0 : i32
      %dma_start3A_147 = arith.constant 0 : i32
      %dma_start3A_148 = tpu.memref_slice %arg11[%dma_start3A_146, %dma_start3A_147] : memref<10240x128xf32, #tpu.memory_space<vmem_shared>> -> memref<10240x128xf32, #tpu.memory_space<vmem_shared>>
      tpu.enqueue_indirect_dma source(%arg9 : memref<128x128xf32, #tpu.memory_space<vmem>>) target(%dma_start3A_148 : memref<10240x128xf32, #tpu.memory_space<vmem_shared>>) offsets(%dma_start3A_145 : memref<128xi32, #tpu.memory_space<vmem>>) semaphore(%arg13 : memref<!tpu.dma_semaphore, #tpu.memory_space<semaphore_mem>>) {add = true}
      %dma_start3A_149 = arith.constant 11 : i32
      %dma_start3A_150 = arith.constant 0 : i32
      %dma_start3A_151 = tpu.memref_slice %arg8[%dma_start3A_149, %dma_start3A_150] : memref<16x128xi32, #tpu.memory_space<vmem>> -> memref<1x128xi32, #tpu.memory_space<vmem>>
      %dma_start3A_152 = tpu.memref_squeeze %dma_start3A_151 : memref<1x128xi32, #tpu.memory_space<vmem>> -> memref<128xi32, #tpu.memory_space<vmem>>
      %dma_start3A_153 = arith.constant 0 : i32
      %dma_start3A_154 = arith.constant 0 : i32
      %dma_start3A_155 = tpu.memref_slice %arg11[%dma_start3A_153, %dma_start3A_154] : memref<10240x128xf32, #tpu.memory_space<vmem_shared>> -> memref<10240x128xf32, #tpu.memory_space<vmem_shared>>
      tpu.enqueue_indirect_dma source(%arg9 : memref<128x128xf32, #tpu.memory_space<vmem>>) target(%dma_start3A_155 : memref<10240x128xf32, #tpu.memory_space<vmem_shared>>) offsets(%dma_start3A_152 : memref<128xi32, #tpu.memory_space<vmem>>) semaphore(%arg13 : memref<!tpu.dma_semaphore, #tpu.memory_space<semaphore_mem>>) {add = true}
      %dma_start3A_156 = arith.constant 12 : i32
      %dma_start3A_157 = arith.constant 0 : i32
      %dma_start3A_158 = tpu.memref_slice %arg8[%dma_start3A_156, %dma_start3A_157] : memref<16x128xi32, #tpu.memory_space<vmem>> -> memref<1x128xi32, #tpu.memory_space<vmem>>
      %dma_start3A_159 = tpu.memref_squeeze %dma_start3A_158 : memref<1x128xi32, #tpu.memory_space<vmem>> -> memref<128xi32, #tpu.memory_space<vmem>>
      %dma_start3A_160 = arith.constant 0 : i32
      %dma_start3A_161 = arith.constant 0 : i32
      %dma_start3A_162 = tpu.memref_slice %arg11[%dma_start3A_160, %dma_start3A_161] : memref<10240x128xf32, #tpu.memory_space<vmem_shared>> -> memref<10240x128xf32, #tpu.memory_space<vmem_shared>>
      tpu.enqueue_indirect_dma source(%arg9 : memref<128x128xf32, #tpu.memory_space<vmem>>) target(%dma_start3A_162 : memref<10240x128xf32, #tpu.memory_space<vmem_shared>>) offsets(%dma_start3A_159 : memref<128xi32, #tpu.memory_space<vmem>>) semaphore(%arg13 : memref<!tpu.dma_semaphore, #tpu.memory_space<semaphore_mem>>) {add = true}
      %dma_start3A_163 = arith.constant 13 : i32
      %dma_start3A_164 = arith.constant 0 : i32
      %dma_start3A_165 = tpu.memref_slice %arg8[%dma_start3A_163, %dma_start3A_164] : memref<16x128xi32, #tpu.memory_space<vmem>> -> memref<1x128xi32, #tpu.memory_space<vmem>>
      %dma_start3A_166 = tpu.memref_squeeze %dma_start3A_165 : memref<1x128xi32, #tpu.memory_space<vmem>> -> memref<128xi32, #tpu.memory_space<vmem>>
      %dma_start3A_167 = arith.constant 0 : i32
      %dma_start3A_168 = arith.constant 0 : i32
      %dma_start3A_169 = tpu.memref_slice %arg11[%dma_start3A_167, %dma_start3A_168] : memref<10240x128xf32, #tpu.memory_space<vmem_shared>> -> memref<10240x128xf32, #tpu.memory_space<vmem_shared>>
      tpu.enqueue_indirect_dma source(%arg9 : memref<128x128xf32, #tpu.memory_space<vmem>>) target(%dma_start3A_169 : memref<10240x128xf32, #tpu.memory_space<vmem_shared>>) offsets(%dma_start3A_166 : memref<128xi32, #tpu.memory_space<vmem>>) semaphore(%arg13 : memref<!tpu.dma_semaphore, #tpu.memory_space<semaphore_mem>>) {add = true}
      %dma_start3A_170 = arith.constant 14 : i32
      %dma_start3A_171 = arith.constant 0 : i32
      %dma_start3A_172 = tpu.memref_slice %arg8[%dma_start3A_170, %dma_start3A_171] : memref<16x128xi32, #tpu.memory_space<vmem>> -> memref<1x128xi32, #tpu.memory_space<vmem>>
      %dma_start3A_173 = tpu.memref_squeeze %dma_start3A_172 : memref<1x128xi32, #tpu.memory_space<vmem>> -> memref<128xi32, #tpu.memory_space<vmem>>
      %dma_start3A_174 = arith.constant 0 : i32
      %dma_start3A_175 = arith.constant 0 : i32
      %dma_start3A_176 = tpu.memref_slice %arg11[%dma_start3A_174, %dma_start3A_175] : memref<10240x128xf32, #tpu.memory_space<vmem_shared>> -> memref<10240x128xf32, #tpu.memory_space<vmem_shared>>
      tpu.enqueue_indirect_dma source(%arg9 : memref<128x128xf32, #tpu.memory_space<vmem>>) target(%dma_start3A_176 : memref<10240x128xf32, #tpu.memory_space<vmem_shared>>) offsets(%dma_start3A_173 : memref<128xi32, #tpu.memory_space<vmem>>) semaphore(%arg13 : memref<!tpu.dma_semaphore, #tpu.memory_space<semaphore_mem>>) {add = true}
      %dma_start3A_177 = arith.constant 15 : i32
      %dma_start3A_178 = arith.constant 0 : i32
      %dma_start3A_179 = tpu.memref_slice %arg8[%dma_start3A_177, %dma_start3A_178] : memref<16x128xi32, #tpu.memory_space<vmem>> -> memref<1x128xi32, #tpu.memory_space<vmem>>
      %dma_start3A_180 = tpu.memref_squeeze %dma_start3A_179 : memref<1x128xi32, #tpu.memory_space<vmem>> -> memref<128xi32, #tpu.memory_space<vmem>>
      %dma_start3A_181 = arith.constant 0 : i32
      %dma_start3A_182 = arith.constant 0 : i32
      %dma_start3A_183 = tpu.memref_slice %arg11[%dma_start3A_181, %dma_start3A_182] : memref<10240x128xf32, #tpu.memory_space<vmem_shared>> -> memref<10240x128xf32, #tpu.memory_space<vmem_shared>>
      tpu.enqueue_indirect_dma source(%arg9 : memref<128x128xf32, #tpu.memory_space<vmem>>) target(%dma_start3A_183 : memref<10240x128xf32, #tpu.memory_space<vmem_shared>>) offsets(%dma_start3A_180 : memref<128xi32, #tpu.memory_space<vmem>>) semaphore(%arg13 : memref<!tpu.dma_semaphore, #tpu.memory_space<semaphore_mem>>) {add = true}
      %dma_wait3A_184 = arith.constant 0 : i32
      %dma_wait3A_185 = arith.constant 0 : i32
      %dma_wait3A_186 = tpu.memref_slice %arg8[%dma_wait3A_184, %dma_wait3A_185] : memref<16x128xi32, #tpu.memory_space<vmem>> -> memref<1x128xi32, #tpu.memory_space<vmem>>
      %dma_wait3A_187 = tpu.memref_squeeze %dma_wait3A_186 : memref<1x128xi32, #tpu.memory_space<vmem>> -> memref<128xi32, #tpu.memory_space<vmem>>
      %dma_wait3A_188 = arith.constant 0 : i32
      %dma_wait3A_189 = arith.constant 0 : i32
      %dma_wait3A_190 = tpu.memref_slice %arg11[%dma_wait3A_188, %dma_wait3A_189] : memref<10240x128xf32, #tpu.memory_space<vmem_shared>> -> memref<10240x128xf32, #tpu.memory_space<vmem_shared>>
      tpu.wait_indirect_dma semaphore(%arg13 : memref<!tpu.dma_semaphore, #tpu.memory_space<semaphore_mem>>) src(%arg9 : memref<128x128xf32, #tpu.memory_space<vmem>>) dst(%dma_wait3A_190 : memref<10240x128xf32, #tpu.memory_space<vmem_shared>>)
      %dma_wait3A_191 = arith.constant 1 : i32
      %dma_wait3A_192 = arith.constant 0 : i32
      %dma_wait3A_193 = tpu.memref_slice %arg8[%dma_wait3A_191, %dma_wait3A_192] : memref<16x128xi32, #tpu.memory_space<vmem>> -> memref<1x128xi32, #tpu.memory_space<vmem>>
      %dma_wait3A_194 = tpu.memref_squeeze %dma_wait3A_193 : memref<1x128xi32, #tpu.memory_space<vmem>> -> memref<128xi32, #tpu.memory_space<vmem>>
      %dma_wait3A_195 = arith.constant 0 : i32
      %dma_wait3A_196 = arith.constant 0 : i32
      %dma_wait3A_197 = tpu.memref_slice %arg11[%dma_wait3A_195, %dma_wait3A_196] : memref<10240x128xf32, #tpu.memory_space<vmem_shared>> -> memref<10240x128xf32, #tpu.memory_space<vmem_shared>>
      tpu.wait_indirect_dma semaphore(%arg13 : memref<!tpu.dma_semaphore, #tpu.memory_space<semaphore_mem>>) src(%arg9 : memref<128x128xf32, #tpu.memory_space<vmem>>) dst(%dma_wait3A_197 : memref<10240x128xf32, #tpu.memory_space<vmem_shared>>)
      %dma_wait3A_198 = arith.constant 2 : i32
      %dma_wait3A_199 = arith.constant 0 : i32
      %dma_wait3A_200 = tpu.memref_slice %arg8[%dma_wait3A_198, %dma_wait3A_199] : memref<16x128xi32, #tpu.memory_space<vmem>> -> memref<1x128xi32, #tpu.memory_space<vmem>>
      %dma_wait3A_201 = tpu.memref_squeeze %dma_wait3A_200 : memref<1x128xi32, #tpu.memory_space<vmem>> -> memref<128xi32, #tpu.memory_space<vmem>>
      %dma_wait3A_202 = arith.constant 0 : i32
      %dma_wait3A_203 = arith.constant 0 : i32
      %dma_wait3A_204 = tpu.memref_slice %arg11[%dma_wait3A_202, %dma_wait3A_203] : memref<10240x128xf32, #tpu.memory_space<vmem_shared>> -> memref<10240x128xf32, #tpu.memory_space<vmem_shared>>
      tpu.wait_indirect_dma semaphore(%arg13 : memref<!tpu.dma_semaphore, #tpu.memory_space<semaphore_mem>>) src(%arg9 : memref<128x128xf32, #tpu.memory_space<vmem>>) dst(%dma_wait3A_204 : memref<10240x128xf32, #tpu.memory_space<vmem_shared>>)
      %dma_wait3A_205 = arith.constant 3 : i32
      %dma_wait3A_206 = arith.constant 0 : i32
      %dma_wait3A_207 = tpu.memref_slice %arg8[%dma_wait3A_205, %dma_wait3A_206] : memref<16x128xi32, #tpu.memory_space<vmem>> -> memref<1x128xi32, #tpu.memory_space<vmem>>
      %dma_wait3A_208 = tpu.memref_squeeze %dma_wait3A_207 : memref<1x128xi32, #tpu.memory_space<vmem>> -> memref<128xi32, #tpu.memory_space<vmem>>
      %dma_wait3A_209 = arith.constant 0 : i32
      %dma_wait3A_210 = arith.constant 0 : i32
      %dma_wait3A_211 = tpu.memref_slice %arg11[%dma_wait3A_209, %dma_wait3A_210] : memref<10240x128xf32, #tpu.memory_space<vmem_shared>> -> memref<10240x128xf32, #tpu.memory_space<vmem_shared>>
      tpu.wait_indirect_dma semaphore(%arg13 : memref<!tpu.dma_semaphore, #tpu.memory_space<semaphore_mem>>) src(%arg9 : memref<128x128xf32, #tpu.memory_space<vmem>>) dst(%dma_wait3A_211 : memref<10240x128xf32, #tpu.memory_space<vmem_shared>>)
      %dma_wait3A_212 = arith.constant 4 : i32
      %dma_wait3A_213 = arith.constant 0 : i32
      %dma_wait3A_214 = tpu.memref_slice %arg8[%dma_wait3A_212, %dma_wait3A_213] : memref<16x128xi32, #tpu.memory_space<vmem>> -> memref<1x128xi32, #tpu.memory_space<vmem>>
      %dma_wait3A_215 = tpu.memref_squeeze %dma_wait3A_214 : memref<1x128xi32, #tpu.memory_space<vmem>> -> memref<128xi32, #tpu.memory_space<vmem>>
      %dma_wait3A_216 = arith.constant 0 : i32
      %dma_wait3A_217 = arith.constant 0 : i32
      %dma_wait3A_218 = tpu.memref_slice %arg11[%dma_wait3A_216, %dma_wait3A_217] : memref<10240x128xf32, #tpu.memory_space<vmem_shared>> -> memref<10240x128xf32, #tpu.memory_space<vmem_shared>>
      tpu.wait_indirect_dma semaphore(%arg13 : memref<!tpu.dma_semaphore, #tpu.memory_space<semaphore_mem>>) src(%arg9 : memref<128x128xf32, #tpu.memory_space<vmem>>) dst(%dma_wait3A_218 : memref<10240x128xf32, #tpu.memory_space<vmem_shared>>)
      %dma_wait3A_219 = arith.constant 5 : i32
      %dma_wait3A_220 = arith.constant 0 : i32
      %dma_wait3A_221 = tpu.memref_slice %arg8[%dma_wait3A_219, %dma_wait3A_220] : memref<16x128xi32, #tpu.memory_space<vmem>> -> memref<1x128xi32, #tpu.memory_space<vmem>>
      %dma_wait3A_222 = tpu.memref_squeeze %dma_wait3A_221 : memref<1x128xi32, #tpu.memory_space<vmem>> -> memref<128xi32, #tpu.memory_space<vmem>>
      %dma_wait3A_223 = arith.constant 0 : i32
      %dma_wait3A_224 = arith.constant 0 : i32
      %dma_wait3A_225 = tpu.memref_slice %arg11[%dma_wait3A_223, %dma_wait3A_224] : memref<10240x128xf32, #tpu.memory_space<vmem_shared>> -> memref<10240x128xf32, #tpu.memory_space<vmem_shared>>
      tpu.wait_indirect_dma semaphore(%arg13 : memref<!tpu.dma_semaphore, #tpu.memory_space<semaphore_mem>>) src(%arg9 : memref<128x128xf32, #tpu.memory_space<vmem>>) dst(%dma_wait3A_225 : memref<10240x128xf32, #tpu.memory_space<vmem_shared>>)
      %dma_wait3A_226 = arith.constant 6 : i32
      %dma_wait3A_227 = arith.constant 0 : i32
      %dma_wait3A_228 = tpu.memref_slice %arg8[%dma_wait3A_226, %dma_wait3A_227] : memref<16x128xi32, #tpu.memory_space<vmem>> -> memref<1x128xi32, #tpu.memory_space<vmem>>
      %dma_wait3A_229 = tpu.memref_squeeze %dma_wait3A_228 : memref<1x128xi32, #tpu.memory_space<vmem>> -> memref<128xi32, #tpu.memory_space<vmem>>
      %dma_wait3A_230 = arith.constant 0 : i32
      %dma_wait3A_231 = arith.constant 0 : i32
      %dma_wait3A_232 = tpu.memref_slice %arg11[%dma_wait3A_230, %dma_wait3A_231] : memref<10240x128xf32, #tpu.memory_space<vmem_shared>> -> memref<10240x128xf32, #tpu.memory_space<vmem_shared>>
      tpu.wait_indirect_dma semaphore(%arg13 : memref<!tpu.dma_semaphore, #tpu.memory_space<semaphore_mem>>) src(%arg9 : memref<128x128xf32, #tpu.memory_space<vmem>>) dst(%dma_wait3A_232 : memref<10240x128xf32, #tpu.memory_space<vmem_shared>>)
      %dma_wait3A_233 = arith.constant 7 : i32
      %dma_wait3A_234 = arith.constant 0 : i32
      %dma_wait3A_235 = tpu.memref_slice %arg8[%dma_wait3A_233, %dma_wait3A_234] : memref<16x128xi32, #tpu.memory_space<vmem>> -> memref<1x128xi32, #tpu.memory_space<vmem>>
      %dma_wait3A_236 = tpu.memref_squeeze %dma_wait3A_235 : memref<1x128xi32, #tpu.memory_space<vmem>> -> memref<128xi32, #tpu.memory_space<vmem>>
      %dma_wait3A_237 = arith.constant 0 : i32
      %dma_wait3A_238 = arith.constant 0 : i32
      %dma_wait3A_239 = tpu.memref_slice %arg11[%dma_wait3A_237, %dma_wait3A_238] : memref<10240x128xf32, #tpu.memory_space<vmem_shared>> -> memref<10240x128xf32, #tpu.memory_space<vmem_shared>>
      tpu.wait_indirect_dma semaphore(%arg13 : memref<!tpu.dma_semaphore, #tpu.memory_space<semaphore_mem>>) src(%arg9 : memref<128x128xf32, #tpu.memory_space<vmem>>) dst(%dma_wait3A_239 : memref<10240x128xf32, #tpu.memory_space<vmem_shared>>)
      %dma_wait3A_240 = arith.constant 8 : i32
      %dma_wait3A_241 = arith.constant 0 : i32
      %dma_wait3A_242 = tpu.memref_slice %arg8[%dma_wait3A_240, %dma_wait3A_241] : memref<16x128xi32, #tpu.memory_space<vmem>> -> memref<1x128xi32, #tpu.memory_space<vmem>>
      %dma_wait3A_243 = tpu.memref_squeeze %dma_wait3A_242 : memref<1x128xi32, #tpu.memory_space<vmem>> -> memref<128xi32, #tpu.memory_space<vmem>>
      %dma_wait3A_244 = arith.constant 0 : i32
      %dma_wait3A_245 = arith.constant 0 : i32
      %dma_wait3A_246 = tpu.memref_slice %arg11[%dma_wait3A_244, %dma_wait3A_245] : memref<10240x128xf32, #tpu.memory_space<vmem_shared>> -> memref<10240x128xf32, #tpu.memory_space<vmem_shared>>
      tpu.wait_indirect_dma semaphore(%arg13 : memref<!tpu.dma_semaphore, #tpu.memory_space<semaphore_mem>>) src(%arg9 : memref<128x128xf32, #tpu.memory_space<vmem>>) dst(%dma_wait3A_246 : memref<10240x128xf32, #tpu.memory_space<vmem_shared>>)
      %dma_wait3A_247 = arith.constant 9 : i32
      %dma_wait3A_248 = arith.constant 0 : i32
      %dma_wait3A_249 = tpu.memref_slice %arg8[%dma_wait3A_247, %dma_wait3A_248] : memref<16x128xi32, #tpu.memory_space<vmem>> -> memref<1x128xi32, #tpu.memory_space<vmem>>
      %dma_wait3A_250 = tpu.memref_squeeze %dma_wait3A_249 : memref<1x128xi32, #tpu.memory_space<vmem>> -> memref<128xi32, #tpu.memory_space<vmem>>
      %dma_wait3A_251 = arith.constant 0 : i32
      %dma_wait3A_252 = arith.constant 0 : i32
      %dma_wait3A_253 = tpu.memref_slice %arg11[%dma_wait3A_251, %dma_wait3A_252] : memref<10240x128xf32, #tpu.memory_space<vmem_shared>> -> memref<10240x128xf32, #tpu.memory_space<vmem_shared>>
      tpu.wait_indirect_dma semaphore(%arg13 : memref<!tpu.dma_semaphore, #tpu.memory_space<semaphore_mem>>) src(%arg9 : memref<128x128xf32, #tpu.memory_space<vmem>>) dst(%dma_wait3A_253 : memref<10240x128xf32, #tpu.memory_space<vmem_shared>>)
      %dma_wait3A_254 = arith.constant 10 : i32
      %dma_wait3A_255 = arith.constant 0 : i32
      %dma_wait3A_256 = tpu.memref_slice %arg8[%dma_wait3A_254, %dma_wait3A_255] : memref<16x128xi32, #tpu.memory_space<vmem>> -> memref<1x128xi32, #tpu.memory_space<vmem>>
      %dma_wait3A_257 = tpu.memref_squeeze %dma_wait3A_256 : memref<1x128xi32, #tpu.memory_space<vmem>> -> memref<128xi32, #tpu.memory_space<vmem>>
      %dma_wait3A_258 = arith.constant 0 : i32
      %dma_wait3A_259 = arith.constant 0 : i32
      %dma_wait3A_260 = tpu.memref_slice %arg11[%dma_wait3A_258, %dma_wait3A_259] : memref<10240x128xf32, #tpu.memory_space<vmem_shared>> -> memref<10240x128xf32, #tpu.memory_space<vmem_shared>>
      tpu.wait_indirect_dma semaphore(%arg13 : memref<!tpu.dma_semaphore, #tpu.memory_space<semaphore_mem>>) src(%arg9 : memref<128x128xf32, #tpu.memory_space<vmem>>) dst(%dma_wait3A_260 : memref<10240x128xf32, #tpu.memory_space<vmem_shared>>)
      %dma_wait3A_261 = arith.constant 11 : i32
      %dma_wait3A_262 = arith.constant 0 : i32
      %dma_wait3A_263 = tpu.memref_slice %arg8[%dma_wait3A_261, %dma_wait3A_262] : memref<16x128xi32, #tpu.memory_space<vmem>> -> memref<1x128xi32, #tpu.memory_space<vmem>>
      %dma_wait3A_264 = tpu.memref_squeeze %dma_wait3A_263 : memref<1x128xi32, #tpu.memory_space<vmem>> -> memref<128xi32, #tpu.memory_space<vmem>>
      %dma_wait3A_265 = arith.constant 0 : i32
      %dma_wait3A_266 = arith.constant 0 : i32
      %dma_wait3A_267 = tpu.memref_slice %arg11[%dma_wait3A_265, %dma_wait3A_266] : memref<10240x128xf32, #tpu.memory_space<vmem_shared>> -> memref<10240x128xf32, #tpu.memory_space<vmem_shared>>
      tpu.wait_indirect_dma semaphore(%arg13 : memref<!tpu.dma_semaphore, #tpu.memory_space<semaphore_mem>>) src(%arg9 : memref<128x128xf32, #tpu.memory_space<vmem>>) dst(%dma_wait3A_267 : memref<10240x128xf32, #tpu.memory_space<vmem_shared>>)
      %dma_wait3A_268 = arith.constant 12 : i32
      %dma_wait3A_269 = arith.constant 0 : i32
      %dma_wait3A_270 = tpu.memref_slice %arg8[%dma_wait3A_268, %dma_wait3A_269] : memref<16x128xi32, #tpu.memory_space<vmem>> -> memref<1x128xi32, #tpu.memory_space<vmem>>
      %dma_wait3A_271 = tpu.memref_squeeze %dma_wait3A_270 : memref<1x128xi32, #tpu.memory_space<vmem>> -> memref<128xi32, #tpu.memory_space<vmem>>
      %dma_wait3A_272 = arith.constant 0 : i32
      %dma_wait3A_273 = arith.constant 0 : i32
      %dma_wait3A_274 = tpu.memref_slice %arg11[%dma_wait3A_272, %dma_wait3A_273] : memref<10240x128xf32, #tpu.memory_space<vmem_shared>> -> memref<10240x128xf32, #tpu.memory_space<vmem_shared>>
      tpu.wait_indirect_dma semaphore(%arg13 : memref<!tpu.dma_semaphore, #tpu.memory_space<semaphore_mem>>) src(%arg9 : memref<128x128xf32, #tpu.memory_space<vmem>>) dst(%dma_wait3A_274 : memref<10240x128xf32, #tpu.memory_space<vmem_shared>>)
      %dma_wait3A_275 = arith.constant 13 : i32
      %dma_wait3A_276 = arith.constant 0 : i32
      %dma_wait3A_277 = tpu.memref_slice %arg8[%dma_wait3A_275, %dma_wait3A_276] : memref<16x128xi32, #tpu.memory_space<vmem>> -> memref<1x128xi32, #tpu.memory_space<vmem>>
      %dma_wait3A_278 = tpu.memref_squeeze %dma_wait3A_277 : memref<1x128xi32, #tpu.memory_space<vmem>> -> memref<128xi32, #tpu.memory_space<vmem>>
      %dma_wait3A_279 = arith.constant 0 : i32
      %dma_wait3A_280 = arith.constant 0 : i32
      %dma_wait3A_281 = tpu.memref_slice %arg11[%dma_wait3A_279, %dma_wait3A_280] : memref<10240x128xf32, #tpu.memory_space<vmem_shared>> -> memref<10240x128xf32, #tpu.memory_space<vmem_shared>>
      tpu.wait_indirect_dma semaphore(%arg13 : memref<!tpu.dma_semaphore, #tpu.memory_space<semaphore_mem>>) src(%arg9 : memref<128x128xf32, #tpu.memory_space<vmem>>) dst(%dma_wait3A_281 : memref<10240x128xf32, #tpu.memory_space<vmem_shared>>)
      %dma_wait3A_282 = arith.constant 14 : i32
      %dma_wait3A_283 = arith.constant 0 : i32
      %dma_wait3A_284 = tpu.memref_slice %arg8[%dma_wait3A_282, %dma_wait3A_283] : memref<16x128xi32, #tpu.memory_space<vmem>> -> memref<1x128xi32, #tpu.memory_space<vmem>>
      %dma_wait3A_285 = tpu.memref_squeeze %dma_wait3A_284 : memref<1x128xi32, #tpu.memory_space<vmem>> -> memref<128xi32, #tpu.memory_space<vmem>>
      %dma_wait3A_286 = arith.constant 0 : i32
      %dma_wait3A_287 = arith.constant 0 : i32
      %dma_wait3A_288 = tpu.memref_slice %arg11[%dma_wait3A_286, %dma_wait3A_287] : memref<10240x128xf32, #tpu.memory_space<vmem_shared>> -> memref<10240x128xf32, #tpu.memory_space<vmem_shared>>
      tpu.wait_indirect_dma semaphore(%arg13 : memref<!tpu.dma_semaphore, #tpu.memory_space<semaphore_mem>>) src(%arg9 : memref<128x128xf32, #tpu.memory_space<vmem>>) dst(%dma_wait3A_288 : memref<10240x128xf32, #tpu.memory_space<vmem_shared>>)
      %dma_wait3A_289 = arith.constant 15 : i32
      %dma_wait3A_290 = arith.constant 0 : i32
      %dma_wait3A_291 = tpu.memref_slice %arg8[%dma_wait3A_289, %dma_wait3A_290] : memref<16x128xi32, #tpu.memory_space<vmem>> -> memref<1x128xi32, #tpu.memory_space<vmem>>
      %dma_wait3A_292 = tpu.memref_squeeze %dma_wait3A_291 : memref<1x128xi32, #tpu.memory_space<vmem>> -> memref<128xi32, #tpu.memory_space<vmem>>
      %dma_wait3A_293 = arith.constant 0 : i32
      %dma_wait3A_294 = arith.constant 0 : i32
      %dma_wait3A_295 = tpu.memref_slice %arg11[%dma_wait3A_293, %dma_wait3A_294] : memref<10240x128xf32, #tpu.memory_space<vmem_shared>> -> memref<10240x128xf32, #tpu.memory_space<vmem_shared>>
      tpu.wait_indirect_dma semaphore(%arg13 : memref<!tpu.dma_semaphore, #tpu.memory_space<semaphore_mem>>) src(%arg9 : memref<128x128xf32, #tpu.memory_space<vmem>>) dst(%dma_wait3A_295 : memref<10240x128xf32, #tpu.memory_space<vmem_shared>>)
    }
    %scan3A_49 = arith.constant 5 : i32
    %barrier3A_50 = arith.constant 0 : index
    tpu.barrier barrier_id(%barrier3A_50)
    %dma_start3A_51 = arith.constant 0 : i32
    %dma_start3A_52 = tpu.memref_slice %arg6[%arg0, %multiple_of3A, %dma_start3A_51] : memref<2x10240x128xf32, #tpu.memory_space<hbm>> -> memref<1x640x128xf32, #tpu.memory_space<hbm>>
    %dma_start3A_53 = tpu.memref_squeeze %dma_start3A_52 : memref<1x640x128xf32, #tpu.memory_space<hbm>> -> memref<640x128xf32, #tpu.memory_space<hbm>>
    %dma_start3A_54 = arith.constant 0 : i32
    %dma_start3A_55 = tpu.memref_slice %arg11[%multiple_of3A, %dma_start3A_54] : memref<10240x128xf32, #tpu.memory_space<vmem_shared>> -> memref<640x128xf32, #tpu.memory_space<vmem_shared>>
    tpu.enqueue_dma source(%dma_start3A_55 : memref<640x128xf32, #tpu.memory_space<vmem_shared>>) target(%dma_start3A_53 : memref<640x128xf32, #tpu.memory_space<hbm>>) target_semaphore(%arg12 : memref<!tpu.dma_semaphore, #tpu.memory_space<semaphore_mem>>)
    %dma_wait3A_56 = arith.constant 0 : i32
    %dma_wait3A_57 = tpu.memref_slice %arg6[%arg0, %multiple_of3A, %dma_wait3A_56] : memref<2x10240x128xf32, #tpu.memory_space<hbm>> -> memref<1x640x128xf32, #tpu.memory_space<hbm>>
    %dma_wait3A_58 = tpu.memref_squeeze %dma_wait3A_57 : memref<1x640x128xf32, #tpu.memory_space<hbm>> -> memref<640x128xf32, #tpu.memory_space<hbm>>
    %dma_wait3A_59 = arith.constant 0 : i32
    %dma_wait3A_60 = tpu.memref_slice %arg11[%multiple_of3A, %dma_wait3A_59] : memref<10240x128xf32, #tpu.memory_space<vmem_shared>> -> memref<640x128xf32, #tpu.memory_space<vmem_shared>>
    tpu.wait_dma2 semaphore(%arg12 : memref<!tpu.dma_semaphore, #tpu.memory_space<semaphore_mem>>) src(%dma_wait3A_60 : memref<640x128xf32, #tpu.memory_space<vmem_shared>>) dst(%dma_wait3A_58 : memref<640x128xf32, #tpu.memory_space<hbm>>)
    return
  }
}

module attributes {stable_mosaic.version = 14 : i64} {
  func.func @_tc_finish_body(%arg0: i32, %arg1: memref<2x2000x128xf32, #tpu.memory_space<vmem>>, %arg2: memref<2x2000x128xf32, #tpu.memory_space<vmem>>, %arg3: memref<128x128xf32, #tpu.memory_space<vmem>>, %arg4: memref<1x128xf32, #tpu.memory_space<vmem>>, %arg5: memref<2000x128xf32, #tpu.memory_space<vmem>>) attributes {dimension_semantics = [#tpu.dimension_semantics<arbitrary>], iteration_bounds = array<i64: 5>, scalar_prefetch = 0 : i64, scratch_operands = 0 : i64, tpu.core_type = #tpu.core_type<tc>, window_params = [{transform_indices = @transform_0, window_bounds = array<i64: 2, 2000, 128>}, {transform_indices = @transform_1, window_bounds = array<i64: 2, 2000, 128>}, {pipeline_mode = #tpu.pipeline_mode<synchronous>, transform_indices = @transform_2, window_bounds = array<i64: 128, 128>}, {pipeline_mode = #tpu.pipeline_mode<synchronous>, transform_indices = @transform_3, window_bounds = array<i64: 1, 128>}, {transform_indices = @transform_4, window_bounds = array<i64: 2000, 128>}]} {
    %get3A = arith.constant 0 : index
    %get3A_0 = arith.constant 0 : index
    %get3A_1 = arith.constant 0 : index
    %get3A_2 = vector.load %arg1[%get3A, %get3A_0, %get3A_1] : memref<2x2000x128xf32, #tpu.memory_space<vmem>>, vector<1x2000x128xf32>
    %get3A_3 = vector.shape_cast %get3A_2 : vector<1x2000x128xf32> to vector<2000x128xf32>
    %get3A_4 = arith.constant 1 : index
    %get3A_5 = arith.constant 0 : index
    %get3A_6 = arith.constant 0 : index
    %get3A_7 = vector.load %arg1[%get3A_4, %get3A_5, %get3A_6] : memref<2x2000x128xf32, #tpu.memory_space<vmem>>, vector<1x2000x128xf32>
    %get3A_8 = vector.shape_cast %get3A_7 : vector<1x2000x128xf32> to vector<2000x128xf32>
    %add3A = arith.addf %get3A_3, %get3A_8 : vector<2000x128xf32>
    %get3A_9 = arith.constant 0 : index
    %get3A_10 = arith.constant 0 : index
    %get3A_11 = arith.constant 0 : index
    %get3A_12 = vector.load %arg2[%get3A_9, %get3A_10, %get3A_11] : memref<2x2000x128xf32, #tpu.memory_space<vmem>>, vector<1x2000x1xf32>
    %get3A_13 = vector.shape_cast %get3A_12 : vector<1x2000x1xf32> to vector<2000x1xf32>
    %get3A_14 = arith.constant 1 : index
    %get3A_15 = arith.constant 0 : index
    %get3A_16 = arith.constant 0 : index
    %get3A_17 = vector.load %arg2[%get3A_14, %get3A_15, %get3A_16] : memref<2x2000x128xf32, #tpu.memory_space<vmem>>, vector<1x2000x1xf32>
    %get3A_18 = vector.shape_cast %get3A_17 : vector<1x2000x1xf32> to vector<2000x1xf32>
    %add3A_19 = arith.addf %get3A_13, %get3A_18 : vector<2000x1xf32>
    %max3A = arith.constant 1.000000e+00 : f32
    %max3A_20 = vector.broadcast %max3A : f32 to vector<2000x1xf32>
    %max3A_21 = arith.maximumf %add3A_19, %max3A_20 : vector<2000x1xf32>
    %div3A = vector.broadcast %max3A_21 : vector<2000x1xf32> to vector<2000x128xf32>
    %div3A_22 = arith.divf %add3A, %div3A : vector<2000x128xf32>
    %get3A_23 = arith.constant 0 : index
    %get3A_24 = arith.constant 0 : index
    %get3A_25 = vector.load %arg3[%get3A_23, %get3A_24] : memref<128x128xf32, #tpu.memory_space<vmem>>, vector<128x128xf32>
    %dot_general3A = arith.constant dense<0.000000e+00> : vector<2000x128xf32>
    %dot_general3A_26 = tpu.matmul %div3A_22, %get3A_25, %dot_general3A {dimension_numbers = #tpu.dot_dimension_numbers<[1], [0], [0], [1], [0, 0, 1, 1], [], []>, transpose_lhs_hint = false} : vector<2000x128xf32>, vector<128x128xf32>, vector<2000x128xf32> -> vector<2000x128xf32>
    %get3A_27 = arith.constant 0 : index
    %get3A_28 = arith.constant 0 : index
    %get3A_29 = vector.load %arg4[%get3A_27, %get3A_28] : memref<1x128xf32, #tpu.memory_space<vmem>>, vector<1x128xf32>
    %add3A_30 = vector.broadcast %get3A_29 : vector<1x128xf32> to vector<2000x128xf32>
    %add3A_31 = arith.addf %dot_general3A_26, %add3A_30 : vector<2000x128xf32>
    %swap3A = arith.constant 0 : index
    %swap3A_32 = arith.constant 0 : index
    %swap3A_33 = vector.load %arg5[%swap3A, %swap3A_32] : memref<2000x128xf32, #tpu.memory_space<vmem>>, vector<2000x128xf32>
    tpu.vector_store %arg5[%swap3A, %swap3A_32], %add3A_31 {strides = array<i32>} : memref<2000x128xf32, #tpu.memory_space<vmem>>, vector<2000x128xf32>,
    return
  }
  func.func @transform_0(%arg0: i32) -> (i32, i32, i32) {
    %c0_i32 = arith.constant 0 : i32
    %c0_i32_0 = arith.constant 0 : i32
    %c0_i32_1 = arith.constant 0 : i32
    return %c0_i32, %arg0, %c0_i32_0 : i32, i32, i32
  }
  func.func @transform_1(%arg0: i32) -> (i32, i32, i32) {
    %c0_i32 = arith.constant 0 : i32
    %c0_i32_0 = arith.constant 0 : i32
    %c0_i32_1 = arith.constant 0 : i32
    return %c0_i32, %arg0, %c0_i32_0 : i32, i32, i32
  }
  func.func @transform_2(%arg0: i32) -> (i32, i32) {
    %c0_i32 = arith.constant 0 : i32
    %c0_i32_0 = arith.constant 0 : i32
    %c0_i32_1 = arith.constant 0 : i32
    return %c0_i32, %c0_i32_0 : i32, i32
  }
  func.func @transform_3(%arg0: i32) -> (i32, i32) {
    %c0_i32 = arith.constant 0 : i32
    %c0_i32_0 = arith.constant 0 : i32
    %c0_i32_1 = arith.constant 0 : i32
    return %c0_i32, %c0_i32_0 : i32, i32
  }
  func.func @transform_4(%arg0: i32) -> (i32, i32) {
    %c0_i32 = arith.constant 0 : i32
    %c0_i32_0 = arith.constant 0 : i32
    return %arg0, %c0_i32 : i32, i32
  }
}

</mosaic_0001>

<sc_bundles>
// kernel: kernel.4.cloned.1.call-start
scs
__scs_entry_jumppad:
0x0: {  	(pc) =	sbr.rel $0x88, $3  }
0x1: {  	(tag) =	ssettag $0x0;
	lr =	simm.s32 $0x1  }
0x2: {  	[smem:$0x3F9D] =	sst lr;
	_ =	strace $0xD0000000  }
0x3: {  	_ = 	snop  }
0x4: {  	_ = 	snop  }
0x5: {  	_ = 	snop  }
0x6: {  	_ = 	snop  }
0x7: {  	_ = 	snop  }
__scs_overlays_trampoline_lowered:
0x8: {  	[smem:$0x3FAC] =	sst s0  }
0x9: {  	[smem:$0x3FAD] =	sst s1  }
0xa: {  	[smem:$0x3FAE] =	sst s2  }
0xb: {  	[smem:$0x3FAF] =	sst s3  }
0xc: {  	[smem:$0x3FB0] =	sst s4  }
0xd: {  	[smem:$0x3FB1] =	sst s5  }
0xe: {  	[smem:$0x3FB2] =	sst s6  }
0xf: {  	[smem:$0x3FB3] =	sst s7  }
0x10: {  	[smem:$0x3FB4] =	sst s8  }
0x11: {  	[smem:$0x3FB5] =	sst s9;
	s0 =	simm.s32 @!p0 $0x0  }
0x12: {  	s1 =	sld [smem:$0x3F9B];
	s0 =	simm.s32 @p0 $0x1  }
0x13: {  	[smem:$0x3FB6] =	sst s0;
	s0 =	simm.s32 @!p1 $0x0  }
0x14: {  	s2 =	sld [smem:$0x3F9A];
	s0 =	simm.s32 @p1 $0x1  }
0x15: {  	[smem:$0x3FB7] =	sst s0;
	s0 =	simm.s32 @!p2 $0x0  }
0x16: {  	s3 =	sld [smem:$0x3FDB];
	s0 =	simm.s32 @p2 $0x1  }
0x17: {  	s4 =	simm.s32 $0x1BF5;
	[smem:$0x3FB9] =	sst s0  }
0x18: {  	s0 =	sld [smem:$0x3F9C];
	_ =	swait.ge [sflag:s4], $0x0  }
0x19: {  	s7 =	sld [smem:$0x3F9D]  }
0x1a: {  	s8 =	sadd.s32 $0xFFFFE003, lr  }
0x1b: {  	s9 =	sadd.s32 $0xFFFFFEF7, lr;
	s5 =	simm.s32 $0xFFFFFFFF;
	p2 =	slt.u32 s8, $0xFFFFF086  }
0x1c: {  	p1 =	slt.u32 s9, $0xF7A;
	s5 =	simm.s32 @!p2 $0x0  }
0x1d: {  	s5 =	simm.s32 @p1 $0x1;
	p0 =	seq.s32 s7, s2  }
0x1e: {  	s7 =	smul.u32 @!p0 $0xF7A, s2;
	p2 =	seq.s32 @!p0 s5, $0x0  }
0x1f: {  	s9 =	smul.u32 $0xF7A, s1;
	s8 =	simm.s32 @!p0 $0x1BF5;
	p2 =	por !p2, p0  }
0x20: {  	[sflag:s8] =	ssyncset.s32 @!p0 $0xFFFFF086;
	s6 =	sadd.s32 @!p0 s3, s7;
	s7 =	simm.s32 @!p0 $0x108  }
0x21: {  	s3 =	sadd.s32 s3, s9;
	s6 =	sadd.s32 @!p0 $0x88, s6;
	s7 =	simm.s32 @p2 $0x1082  }
0x22: {  	[simem:s7], [sflag:s8] =	dma.local @!p0 [hbm:s6], $0xF7A  }
0x23: {  	s9 =	sor.u32 $0xD0000000, s2;
	s6 =	simm.s32 $0x108;
	_ =	swait.ge @!p0 [sflag:s8], $0x0  }
0x24: {  	s3 =	sadd.s32 $0x88, s3;
	s6 =	simm.s32 @!p1 $0x1082;
	[sflag:s4] =	ssyncset.s32 $0xFFFFF086  }
0x25: {  	[simem:s6], [sflag:s4] =	dma.local [hbm:s3], $0xF7A  }
0x26: {  	[smem:$0x3F9D] =	sst s1;
	(tag) =	ssettag s2;
	_ =	strace s9  }
0x27: {  	s1 =	sld [smem:$0x3FAD]  }
0x28: {  	s2 =	sld [smem:$0x3FAE]  }
0x29: {  	s4 =	sld [smem:$0x3FB0]  }
0x2a: {  	p0 =	seq.s32 s5, $0x0;
	s5 =	sld [smem:$0x3FB1]  }
0x2b: {  	s6 =	sld [smem:$0x3FB2]  }
0x2c: {  	s7 =	sld [smem:$0x3FB3]  }
0x2d: {  	s3 =	simm.s32 $0x108;
	s8 =	sld [smem:$0x3FB4]  }
0x2e: {  	s3 =	simm.s32 @!p0 $0x1082;
	s9 =	sld [smem:$0x3FB5]  }
0x2f: {  	lr =	sadd.s32 s0, s3;
	s0 =	sld [smem:$0x3FAC]  }
0x30: {  	s3 =	sld [smem:$0x3FAF]  }
0x31: {  	[smem:$0x3FB8] =	sst s10  }
0x32: {  	s10 =	sld [smem:$0x3FB6];
	_ =	sdelay $0x3  }
0x33: {  	p0 =	seq.s32 s10, $0x1;
	s10 =	sld [smem:$0x3FB8];
	_ =	sdelay $0x3  }
0x34: {  	[smem:$0x3FB8] =	sst s10  }
0x35: {  	s10 =	sld [smem:$0x3FB7];
	_ =	sdelay $0x3  }
0x36: {  	p1 =	seq.s32 s10, $0x1;
	s10 =	sld [smem:$0x3FB8];
	_ =	sdelay $0x3  }
0x37: {  	[smem:$0x3FB8] =	sst s10  }
0x38: {  	s10 =	sld [smem:$0x3FB9]  }
0x39: {  	_ = 	snop;
	(pc) =	sbr.ind lr, $3  }
0x3a: {  	_ = 	snop  }
0x3b: {  	_ = 	snop  }
0x3c: {  	p2 =	seq.s32 s10, $0x1;
	s10 =	sld [smem:$0x3FB8]  }
0x3d: {  	_ =	shalt  }
0x3e: {  	_ =	shalt  }
0x3f: {  	_ =	shalt  }
0x40: {  	_ =	shalt  }
0x41: {  	_ =	shalt  }
0x42: {  	_ =	shalt  }
0x43: {  	_ =	shalt  }
0x44: {  	_ =	shalt  }
0x45: {  	_ =	shalt  }
0x46: {  	_ =	shalt  }
0x47: {  	_ =	shalt  }
0x48: {  	_ =	shalt  }
0x49: {  	_ =	shalt  }
0x4a: {  	_ =	shalt  }
0x4b: {  	_ =	shalt  }
0x4c: {  	_ =	shalt  }
0x4d: {  	_ =	shalt  }
0x4e: {  	_ =	shalt  }
0x4f: {  	_ =	shalt  }
0x50: {  	_ =	shalt  }
0x51: {  	_ =	shalt  }
0x52: {  	_ =	shalt  }
0x53: {  	_ =	shalt  }
0x54: {  	_ =	shalt  }
0x55: {  	_ =	shalt  }
0x56: {  	_ =	shalt  }
0x57: {  	_ =	shalt  }
0x58: {  	_ =	shalt  }
0x59: {  	_ =	shalt  }
0x5a: {  	_ =	shalt  }
0x5b: {  	_ =	shalt  }
0x5c: {  	_ =	shalt  }
0x5d: {  	_ =	shalt  }
0x5e: {  	_ =	shalt  }
0x5f: {  	_ =	shalt  }
0x60: {  	_ =	shalt  }
0x61: {  	_ =	shalt  }
0x62: {  	_ =	shalt  }
0x63: {  	_ =	shalt  }
0x64: {  	_ =	shalt  }
0x65: {  	_ =	shalt  }
0x66: {  	_ =	shalt  }
0x67: {  	_ =	shalt  }
0x68: {  	_ =	shalt  }
0x69: {  	_ =	shalt  }
0x6a: {  	_ =	shalt  }
0x6b: {  	_ =	shalt  }
0x6c: {  	_ =	shalt  }
0x6d: {  	_ =	shalt  }
0x6e: {  	_ =	shalt  }
0x6f: {  	_ =	shalt  }
0x70: {  	_ =	shalt  }
0x71: {  	_ =	shalt  }
0x72: {  	_ =	shalt  }
0x73: {  	_ =	shalt  }
0x74: {  	_ =	shalt  }
0x75: {  	_ =	shalt  }
0x76: {  	_ =	shalt  }
0x77: {  	_ =	shalt  }
0x78: {  	_ =	shalt  }
0x79: {  	_ =	shalt  }
0x7a: {  	_ =	shalt  }
0x7b: {  	_ =	shalt  }
0x7c: {  	_ =	shalt  }
0x7d: {  	_ =	shalt  }
0x7e: {  	_ =	shalt  }
0x7f: {  	_ =	shalt  }
0x80: {  	_ =	shalt  }
0x81: {  	_ =	shalt  }
0x82: {  	_ =	shalt  }
0x83: {  	_ =	shalt  }
0x84: {  	_ =	shalt  }
0x85: {  	_ =	shalt  }
0x86: {  	_ =	shalt  }
0x87: {  	_ =	shalt  }
.Lfunc_end0:
.L_simem_size_0:
called_computation_lowered:
.L_overlay_start_0:
0x88: {  	s2 =	sld [smem:$0x3FD9]  }
0x89: {  	s3 =	sld [smem:$0x3FFE];
	_ =	sdelay $0x1  }
0x8a: {  	s1 =	srdreg.scid  }
0x8b: {  	s0 =	sand.u32 $0x1, s1  }
0x8c: {  	s17 =	sshll.u32 s0, $0xA;
	s2 =	sadd.s32 s3, s2  }
0x8d: {  	s2 =	sadd.s32 s2, s17  }
0x8e: {  	[smem:$0x3FC4] =	sst s2  }
0x8f: {  	_ = 	snop  }
0x90: {  	s2 =	sld [smem:$0x3FC9]  }
0x91: {  	s18 =	sld [smem:$0x3FD0];
	(tm) =	ssettm $0x1  }
0x92: {  	s4 =	sld [smem:$0x3FFB];
	_ =	sdelay $0x3  }
0x93: {  	_ =	strace s4  }
0x94: {  	s4 =	sld [smem:$0x3FFC];
	_ =	sdelay $0x3  }
0x95: {  	_ =	strace s4  }
0x96: {  	s4 =	sld [smem:$0x3FFD];
	_ =	sdelay $0x3  }
0x97: {  	_ =	strace s4  }
0x98: {  	_ =	strace $0x8FFFFFFF  }
0x99: {  	s19 =	sld [smem:$0x3FDB];
	_ =	sdelay $0x1  }
0x9a: {  	s5 =	simm.s32 $_scs_section_size  }
0x9b: {  	s6 =	simm.s32 $_size__tile_overlayer_lowered;
	s7 =	simm.s32 $_tile_overlayer_lowered  }
0x9c: {  	s22 =	simm.s32 $0x1BFF;
	s21 =	sshll.u32 s7, $0x1;
	s4 =	sadd.s32 s5, s19  }
0x9d: {  	s8 =	simm.s32 $0x0;
	s20 =	sshll.u32 s6, $0x1;
	s6 =	sadd.s32 s21, s4  }
0x9e: {  	[timem:s8], [sflag:s22] =	dma.local [hbm:s6], s20  }
0x9f: {  	_ =	swait.ge [sflag:s22], s20  }
0xa0: {  	s5 =	ssub.s32 $0x0, s20;
	[sflag:s22] =	ssyncset.done $0x0  }
0xa1: {  	[sflag:s22] =	ssyncadd.s32 s5;
	_ =	sdelay $0x1  }
0xa2: {  	s23 =	simm.s32 $0x1B8B  }
0xa3: {  	_ =	swait.ge [sflag:s23], $0x1  }
0xa4: {  	[sflag:s23] =	ssyncset.done $0x0  }
0xa5: {  	s25 =	simm.s32 $0x1B8E;
	s24 =	sld [smem:$0x3FFE];
	[sflag:s23] =	ssyncadd.s32 $0xFFFFFFFF  }
0xa6: {  	s26 =	simm.s32 $execute0_lowered;
	[smem:$0x3FD2] =	sst s25  }
0xa7: {  	s6 =	sshll.u32 s26, $0x1;
	_ =	strace $0x80000046;
	[dreg:$0x1] =	wrdreg $0xFFFFFFFF  }
0xa8: {  	s28 =	simm.s32 $_size_execute0_lowered;
	s4 =	sadd.s32 s4, s6;
	[dreg:$0x0] =	wrdreg $0x0  }
0xa9: {  	s6 =	sshll.u32 s28, $0x1;
	[dreg:$0x2] =	wrdreg s4  }
0xaa: {  	[dreg:$0x3] =	wrdreg s6  }
0xab: {  	[dreg:$0x4] =	wrdreg $0xC0  }
0xac: {  	_ =	task [dreg:s8], $0x5FFFF  }
0xad: {  	[dreg:$0x1] =	wrdreg $0xFFFFFFFF  }
0xae: {  	[dreg:$0x0] =	wrdreg $0x60  }
0xaf: {  	[dreg:$0x2] =	wrdreg s2  }
0xb0: {  	[dreg:$0x3] =	wrdreg s24  }
0xb1: {  	[dreg:$0x4] =	wrdreg s18  }
0xb2: {  	[dreg:$0x5] =	wrdreg $0x90000  }
0xb3: {  	[dreg:$0x6] =	wrdreg $0x9  }
0xb4: {  	_ =	task.clear_ibuf [dreg:s8], $0x7FFFF;
	_ =	strace $0x90000046  }
0xb5: {  	s29 =	simm.s32 $0x9;
	_ =	strace $0x80000048  }
0xb6: {  	_ =	swait.ge [sflag:s29], $0x1  }
0xb7: {  	[sflag:s29] =	ssyncadd.s32 $0xFFFFFFFF  }
0xb8: {  	_ =	strace $0x90000048  }
0xb9: {  	_ =	sfence  }
0xba: {  	s30 =	sld [smem:$0x0];
	_ =	sdelay $0x2  }
0xbb: {  	s31 =	sshll.u32 s1, $0xD;
	s1 =	sshrl.u32 s1, $0x2  }
0xbc: {  	s3 =	sand.u32 $0x4000, s31;
	s1 =	sadd.s32 s1, s30  }
0xbd: {  	s0 =	sor.u32 s3, s0;
	s1 =	sshll.u32 s1, $0x11  }
0xbe: {  	s0 =	sor.u32 s1, s0  }
0xbf: {  	s0 =	sadd.s32 $0x8F2B, s0  }
0xc0: {  	[sflag:s0] =	ssyncadd.remote.s32 $0x1  }
0xc1: {  	_ =	sfence.sel $0xFFFF  }
0xc2: {  	[dreg:$0x0] =	wrdreg $0xFFFFFFFF;
	(pc) =	sbr.abs _section_cstart, $3  }
0xc3: {  	[dreg:$0x1] =	wrdreg $0xFFFFFFFF  }
0xc4: {  	_ =	task.clear_ibuf [dreg:s8], $0x2FFFF;
	_ =	strace $0x9FFFFFFF  }
0xc5: {  	(tm) =	ssettm $0x7FFFFFFF  }
tec
execute0_lowered:
.L_overlay_start_1:
0x0: {  	(tag) =	ssettag $0x1  }
0x1: {  	s0 =	rddreg [dreg:$0x0]  }
0x2: {  	s1 =	rddreg [dreg:$0x1]  }
0x3: {  	s2 =	srdreg.scid;
	s5 =	rddreg [dreg:$0x2]  }
0x4: {  	s9 =	stileid.u32;
	s3 =	rddreg [dreg:$0x3]  }
0x5: {  	s4 =	simm.s32 $0x0;
	s11 =	simm.s32 $0x100;
	s13 =	simm.s32 $0x180  }
0x6: {  	s15 =	simm.s32 $0x200;
	s16 =	simm.s32 $0x280;
	s17 =	simm.s32 $0x300  }
0x7: {  	s18 =	simm.s32 $0x380;
	s19 =	simm.s32 $0x400;
	s20 =	simm.s32 $0x480  }
0x8: {  	s21 =	simm.s32 $0x500;
	s28 =	simm.s32 $0xB00;
	[smem:$0x7FF] =	sst s4  }
0x9: {  	s7 =	smul.u32 $0x2800, s9;
	_ =	strace $0x80000047;
	[dreg:$0x6] =	wrdreg s11  }
0xa: {  	s29 =	simm.s32 $0xB80;
	s22 =	smul.u32 $0x14000, s9;
	[dreg:$0x7] =	wrdreg s13  }
0xb: {  	s2 =	sand.u32 $0x1, s2;
	s23 =	smul.u32 $0x50000, s9;
	[dreg:$0x8] =	wrdreg s15  }
0xc: {  	s30 =	simm.s32 $0xC00;
	s6 =	smul.u32 $0x28000, s2;
	[dreg:$0x9] =	wrdreg s16  }
0xd: {  	s31 =	simm.s32 $0xC80;
	s8 =	smul.u32 $0x140000, s2;
	[dreg:$0xa] =	wrdreg s17  }
0xe: {  	s2 =	ssub.s32 $0x2, s2;
	s15 =	simm.s32 $0x1;
	[dreg:$0xb] =	wrdreg s18  }
0xf: {  	s16 =	simm.s32 $0x4;
	s17 =	simm.s32 $0x800;
	[dreg:$0xc] =	wrdreg s19  }
0x10: {  	s18 =	simm.s32 $0x80;
	[dreg:$0xd] =	wrdreg s20;
	s19 =	simm.s32 $0x5000  }
0x11: {  	[dreg:$0xe] =	wrdreg s21;
	s20 =	simm.s32 $0x880;
	s10 =	sshrl.u32 s2, $0x1  }
0x12: {  	s25 =	sshrl.u32 s23, $0x2;
	s23 =	simm.s32 $0x600;
	s6 =	sadd.s32 s7, s6  }
0x13: {  	s7 =	sadd.s32 s22, s8;
	s2 =	ssub.s32 s2, s10;
	s22 =	simm.s32 $0x580  }
0x14: {  	[dreg:$0x10] =	wrdreg s23;
	s6 =	sshrl.u32 s6, $0x3;
	s7 =	sshrl.u32 s7, $0x3  }
0x15: {  	s2 =	smax.u32 s2, $0x1;
	[dreg:$0xf] =	wrdreg s22;
	s24 =	sadd.s32 s6, s1  }
0x16: {  	s1 =	sadd.s32 s7, s1;
	s7 =	sadd.s32 s25, s3;
	[dreg:$0x17] =	wrdreg s2  }
0x17: {  	s21 =	simm.s32 $0x2;
	s25 =	simm.s32 $0x700;
	[dreg:$0x14] =	wrdreg s7  }
0x18: {  	s23 =	simm.s32 $0x3;
	s26 =	sadd.s32 $0xAA00, s1;
	[dreg:$0x12] =	wrdreg s25  }
0x19: {  	s22 =	simm.s32 $0x900;
	s1 =	sadd.s32 $0x5AA00, s1;
	[dreg:$0x15] =	wrdreg s26  }
0x1a: {  	s13 =	sadd.s32 s6, s5;
	s8 =	sadd.s32 $0x4000, s7;
	[dreg:$0x16] =	wrdreg s1  }
0x1b: {  	s2 =	simm.s32 $0xD00;
	s10 =	sadd.s32 $0x8000, s7;
	[dreg:$0x18] =	wrdreg s8  }
0x1c: {  	s6 =	simm.s32 $0xE00;
	s9 =	sadd.s32 $0xA00, s24;
	[dreg:$0x19] =	wrdreg s10  }
0x1d: {  	s12 =	sadd.s32 $0xC000, s7;
	s14 =	sadd.s32 $0x10000, s7;
	[dreg:$0x5] =	wrdreg s9  }
0x1e: {  	s24 =	simm.s32 $0x680;
	s25 =	simm.s32 $0xA00;
	[dreg:$0x1a] =	wrdreg s12  }
0x1f: {  	s7 =	simm.s32 $0xE80;
	[dreg:$0x1b] =	wrdreg s14;
	s14 =	simm.s32 $0x1000  }
0x20: {  	[dreg:$0x11] =	wrdreg s24;
	s26 =	simm.s32 $0x780;
	s24 =	simm.s32 $0x980  }
0x21: {  	s1 =	simm.s32 $0xD80;
	s8 =	simm.s32 $0xF00;
	s9 =	simm.s32 $0xF80  }
0x22: {  	v0 =	vimm.f32 $0.0e+00;
	v1 =	vimm.f32 $1.000000000e+00;
	s10 =	simm.s32 $0x0;
	[dreg:$0x13] =	wrdreg s26;
	s26 =	simm.s32 $0xA80  }
.LBB2_1:
0x23: {  	[dreg:$0x1c] =	wrdreg s10;
	s5 =	simm.s32 $0x0;
	s10 =	simm.s32 $0x200  }
.LBB2_2:
0x24: {  	p0 =	sne.s32 s10, $0xFE00;
	[tilespmem:s5+$0x1070] =	vst v0  }
0x25: {  	[tilespmem:s5+$0x1000] =	vst v0  }
0x26: {  	[tilespmem:s5+$0x1010] =	vst v0  }
.Ltmp0:
0x27: {  	[tilespmem:s5+$0x1020] =	vst v0;
	(pc) =	sbr.rel @p0 .LBB2_2-.Ltmp0, $4  }
0x28: {  	[tilespmem:s5+$0x1030] =	vst v0  }
0x29: {  	[tilespmem:s5+$0x1040] =	vst v0  }
0x2a: {  	[tilespmem:s5+$0x1050] =	vst v0  }
0x2b: {  	[tilespmem:s5+$0x1060] =	vst v0;
	s5 =	sshra.s32 s10, $0x2;
	s10 =	sadd.s32 $0x200, s10  }
0x2c: {  	[tilespmem:s5+$0x1070] =	vst v0  }
0x2d: {  	[tilespmem:s5+$0x1000] =	vst v0  }
0x2e: {  	[tilespmem:s5+$0x1010] =	vst v0  }
0x2f: {  	[tilespmem:s5+$0x1020] =	vst v0  }
0x30: {  	[tilespmem:s5+$0x1030] =	vst v0  }
0x31: {  	[tilespmem:s5+$0x1040] =	vst v0  }
0x32: {  	[tilespmem:s5+$0x1050] =	vst v0  }
0x33: {  	[tilespmem:s5+$0x1060] =	vst v0;
	s10 =	rddreg [dreg:$0x14]  }
0x34: {  	[spmem:s10] =	stream.linear.scatter [tilespmem:s14], [sflag:$0x1], $0x4000, $0x38;
	[tilespmem:$0x1D000] =	vst v63  }
0x35: {  	_ =	swait.ge [sflag:s15], $0x4000  }
0x36: {  	[sflag:s15] =	ssyncset.done $0x0  }
0x37: {  	s11 =	rddreg [dreg:$0x18];
	[sflag:s15] =	ssyncadd.s32 $0xFFFFC000  }
0x38: {  	[spmem:s11] =	stream.linear.scatter [tilespmem:s14], [sflag:$0x1], $0x4000, $0x38;
	[tilespmem:$0x1D000] =	vst v63  }
0x39: {  	_ =	swait.ge [sflag:s15], $0x4000  }
0x3a: {  	[sflag:s15] =	ssyncset.done $0x0  }
0x3b: {  	s12 =	rddreg [dreg:$0x19];
	[sflag:s15] =	ssyncadd.s32 $0xFFFFC000  }
0x3c: {  	[spmem:s12] =	stream.linear.scatter [tilespmem:s14], [sflag:$0x1], $0x4000, $0x38;
	[tilespmem:$0x1D000] =	vst v63  }
0x3d: {  	_ =	swait.ge [sflag:s15], $0x4000  }
0x3e: {  	[sflag:s15] =	ssyncset.done $0x0  }
0x3f: {  	s10 =	rddreg [dreg:$0x1a];
	[sflag:s15] =	ssyncadd.s32 $0xFFFFC000  }
0x40: {  	[spmem:s10] =	stream.linear.scatter [tilespmem:s14], [sflag:$0x1], $0x4000, $0x38;
	[tilespmem:$0x1D000] =	vst v63  }
0x41: {  	_ =	swait.ge [sflag:s15], $0x4000  }
0x42: {  	[sflag:s15] =	ssyncset.done $0x0  }
0x43: {  	s11 =	rddreg [dreg:$0x1b];
	[sflag:s15] =	ssyncadd.s32 $0xFFFFC000  }
0x44: {  	[spmem:s11] =	stream.linear.scatter [tilespmem:s14], [sflag:$0x1], $0x4000, $0x38;
	[tilespmem:$0x1D000] =	vst v63  }
0x45: {  	_ =	swait.ge [sflag:s15], $0x4000  }
0x46: {  	[sflag:s15] =	ssyncset.done $0x0  }
0x47: {  	[sflag:s15] =	ssyncadd.s32 $0xFFFFC000  }
0x48: {  	[bflag:$0x0] =	sbarrier.arrive $0xFFFF  }
0x49: {  	s12 =	rddreg [dreg:$0x5]  }
0x4a: {  	s5 =	sadd.s32 $0x0, s12  }
0x4b: {  	[tilespmem:s4], [sflag:$0x4] =	stream.linear.gather [hbm4b:s5+s4], $0x800, $0x38;
	[tilespmem:$0x1D000] =	vst v63  }
0x4c: {  	_ =	swait.ge [sflag:s16], $0x800  }
0x4d: {  	[sflag:s16] =	ssyncset.done $0x0  }
0x4e: {  	s10 =	sadd.s32 $0x0, s13;
	[sflag:s16] =	ssyncadd.s32 $0xFFFFF800  }
0x4f: {  	[tilespmem:s17], [sflag:$0x4] =	stream.linear.gather [hbm4b:s10+s4], $0x800, $0x38;
	[tilespmem:$0x1D000] =	vst v63  }
0x50: {  	_ =	swait.ge [sflag:s16], $0x800  }
0x51: {  	[sflag:s16] =	ssyncset.done $0x0  }
0x52: {  	[sflag:s16] =	ssyncadd.s32 $0xFFFFF800  }
0x53: {  	[tilespmem:s14], [sflag:$0x1] =	stream.indirect.gather [hbm4b:s0+s18], $0x80, s4, s18, $0xb8;
	[tilespmem:$0x1D000] =	vst v63  }
0x54: {  	_ =	swait.ge [sflag:s15], $0x4000  }
0x55: {  	[sflag:s15] =	ssyncset.done $0x0  }
0x56: {  	[sflag:s15] =	ssyncadd.s32 $0xFFFFC000  }
0x57: {  	[spmem:s3] =	stream.indirect.scatter.add.f32 [tilespmem:s14], [sflag:$0x2], $0x80, s17, s18, $0xb8;
	[tilespmem:$0x1D000] =	vst v63  }
0x58: {  	_ = 	snop  }
0x59: {  	[tilespmem:s19], [sflag:$0x1] =	stream.indirect.gather [hbm4b:s0+s18], $0x80, s18, s18, $0xb8;
	[tilespmem:$0x1D000] =	vst v63  }
0x5a: {  	_ =	swait.ge [sflag:s15], $0x4000  }
0x5b: {  	[sflag:s15] =	ssyncset.done $0x0  }
0x5c: {  	[sflag:s15] =	ssyncadd.s32 $0xFFFFC000  }
0x5d: {  	[spmem:s3] =	stream.indirect.scatter.add.f32 [tilespmem:s19], [sflag:$0x3], $0x80, s20, s18, $0xb8;
	[tilespmem:$0x1D000] =	vst v63  }
0x5e: {  	_ =	swait.ge [sflag:s21], $0x4000  }
0x5f: {  	[sflag:s21] =	ssyncset.done $0x0  }
0x60: {  	s11 =	rddreg [dreg:$0x6];
	[sflag:s21] =	ssyncadd.s32 $0xFFFFC000  }
0x61: {  	[tilespmem:s14], [sflag:$0x1] =	stream.indirect.gather [hbm4b:s0+s18], $0x80, s11, s18, $0xb8;
	[tilespmem:$0x1D000] =	vst v63  }
0x62: {  	_ =	swait.ge [sflag:s15], $0x4000  }
0x63: {  	[sflag:s15] =	ssyncset.done $0x0  }
0x64: {  	[sflag:s15] =	ssyncadd.s32 $0xFFFFC000  }
0x65: {  	[spmem:s3] =	stream.indirect.scatter.add.f32 [tilespmem:s14], [sflag:$0x2], $0x80, s22, s18, $0xb8;
	[tilespmem:$0x1D000] =	vst v63  }
0x66: {  	_ =	swait.ge [sflag:s23], $0x4000  }
0x67: {  	[sflag:s23] =	ssyncset.done $0x0  }
0x68: {  	s12 =	rddreg [dreg:$0x7];
	[sflag:s23] =	ssyncadd.s32 $0xFFFFC000  }
0x69: {  	[tilespmem:s19], [sflag:$0x1] =	stream.indirect.gather [hbm4b:s0+s18], $0x80, s12, s18, $0xb8;
	[tilespmem:$0x1D000] =	vst v63  }
0x6a: {  	_ =	swait.ge [sflag:s15], $0x4000  }
0x6b: {  	[sflag:s15] =	ssyncset.done $0x0  }
0x6c: {  	[sflag:s15] =	ssyncadd.s32 $0xFFFFC000  }
0x6d: {  	[spmem:s3] =	stream.indirect.scatter.add.f32 [tilespmem:s19], [sflag:$0x3], $0x80, s24, s18, $0xb8;
	[tilespmem:$0x1D000] =	vst v63  }
0x6e: {  	_ =	swait.ge [sflag:s21], $0x4000  }
0x6f: {  	[sflag:s21] =	ssyncset.done $0x0  }
0x70: {  	s10 =	rddreg [dreg:$0x8];
	[sflag:s21] =	ssyncadd.s32 $0xFFFFC000  }
0x71: {  	[tilespmem:s14], [sflag:$0x1] =	stream.indirect.gather [hbm4b:s0+s18], $0x80, s10, s18, $0xb8;
	[tilespmem:$0x1D000] =	vst v63  }
0x72: {  	_ =	swait.ge [sflag:s15], $0x4000  }
0x73: {  	[sflag:s15] =	ssyncset.done $0x0  }
0x74: {  	[sflag:s15] =	ssyncadd.s32 $0xFFFFC000  }
0x75: {  	[spmem:s3] =	stream.indirect.scatter.add.f32 [tilespmem:s14], [sflag:$0x2], $0x80, s25, s18, $0xb8;
	[tilespmem:$0x1D000] =	vst v63  }
0x76: {  	_ =	swait.ge [sflag:s23], $0x4000  }
0x77: {  	[sflag:s23] =	ssyncset.done $0x0  }
0x78: {  	s11 =	rddreg [dreg:$0x9];
	[sflag:s23] =	ssyncadd.s32 $0xFFFFC000  }
0x79: {  	[tilespmem:s19], [sflag:$0x1] =	stream.indirect.gather [hbm4b:s0+s18], $0x80, s11, s18, $0xb8;
	[tilespmem:$0x1D000] =	vst v63  }
0x7a: {  	_ =	swait.ge [sflag:s15], $0x4000  }
0x7b: {  	[sflag:s15] =	ssyncset.done $0x0  }
0x7c: {  	[sflag:s15] =	ssyncadd.s32 $0xFFFFC000  }
0x7d: {  	[spmem:s3] =	stream.indirect.scatter.add.f32 [tilespmem:s19], [sflag:$0x3], $0x80, s26, s18, $0xb8;
	[tilespmem:$0x1D000] =	vst v63  }
0x7e: {  	_ =	swait.ge [sflag:s21], $0x4000  }
0x7f: {  	[sflag:s21] =	ssyncset.done $0x0  }
0x80: {  	s12 =	rddreg [dreg:$0xa];
	[sflag:s21] =	ssyncadd.s32 $0xFFFFC000  }
0x81: {  	[tilespmem:s14], [sflag:$0x1] =	stream.indirect.gather [hbm4b:s0+s18], $0x80, s12, s18, $0xb8;
	[tilespmem:$0x1D000] =	vst v63  }
0x82: {  	_ =	swait.ge [sflag:s15], $0x4000  }
0x83: {  	[sflag:s15] =	ssyncset.done $0x0  }
0x84: {  	[sflag:s15] =	ssyncadd.s32 $0xFFFFC000  }
0x85: {  	[spmem:s3] =	stream.indirect.scatter.add.f32 [tilespmem:s14], [sflag:$0x2], $0x80, s28, s18, $0xb8;
	[tilespmem:$0x1D000] =	vst v63  }
0x86: {  	_ =	swait.ge [sflag:s23], $0x4000  }
0x87: {  	[sflag:s23] =	ssyncset.done $0x0  }
0x88: {  	s10 =	rddreg [dreg:$0xb];
	[sflag:s23] =	ssyncadd.s32 $0xFFFFC000  }
0x89: {  	[tilespmem:s19], [sflag:$0x1] =	stream.indirect.gather [hbm4b:s0+s18], $0x80, s10, s18, $0xb8;
	[tilespmem:$0x1D000] =	vst v63  }
0x8a: {  	_ =	swait.ge [sflag:s15], $0x4000  }
0x8b: {  	[sflag:s15] =	ssyncset.done $0x0  }
0x8c: {  	[sflag:s15] =	ssyncadd.s32 $0xFFFFC000  }
0x8d: {  	[spmem:s3] =	stream.indirect.scatter.add.f32 [tilespmem:s19], [sflag:$0x3], $0x80, s29, s18, $0xb8;
	[tilespmem:$0x1D000] =	vst v63  }
0x8e: {  	_ =	swait.ge [sflag:s21], $0x4000  }
0x8f: {  	[sflag:s21] =	ssyncset.done $0x0  }
0x90: {  	s11 =	rddreg [dreg:$0xc];
	[sflag:s21] =	ssyncadd.s32 $0xFFFFC000  }
0x91: {  	[tilespmem:s14], [sflag:$0x1] =	stream.indirect.gather [hbm4b:s0+s18], $0x80, s11, s18, $0xb8;
	[tilespmem:$0x1D000] =	vst v63  }
0x92: {  	_ =	swait.ge [sflag:s15], $0x4000  }
0x93: {  	[sflag:s15] =	ssyncset.done $0x0  }
0x94: {  	[sflag:s15] =	ssyncadd.s32 $0xFFFFC000  }
0x95: {  	[spmem:s3] =	stream.indirect.scatter.add.f32 [tilespmem:s14], [sflag:$0x2], $0x80, s30, s18, $0xb8;
	[tilespmem:$0x1D000] =	vst v63  }
0x96: {  	_ =	swait.ge [sflag:s23], $0x4000  }
0x97: {  	[sflag:s23] =	ssyncset.done $0x0  }
0x98: {  	s12 =	rddreg [dreg:$0xd];
	[sflag:s23] =	ssyncadd.s32 $0xFFFFC000  }
0x99: {  	[tilespmem:s19], [sflag:$0x1] =	stream.indirect.gather [hbm4b:s0+s18], $0x80, s12, s18, $0xb8;
	[tilespmem:$0x1D000] =	vst v63  }
0x9a: {  	_ =	swait.ge [sflag:s15], $0x4000  }
0x9b: {  	[sflag:s15] =	ssyncset.done $0x0  }
0x9c: {  	[sflag:s15] =	ssyncadd.s32 $0xFFFFC000  }
0x9d: {  	[spmem:s3] =	stream.indirect.scatter.add.f32 [tilespmem:s19], [sflag:$0x3], $0x80, s31, s18, $0xb8;
	[tilespmem:$0x1D000] =	vst v63  }
0x9e: {  	_ =	swait.ge [sflag:s21], $0x4000  }
0x9f: {  	[sflag:s21] =	ssyncset.done $0x0  }
0xa0: {  	s10 =	rddreg [dreg:$0xe];
	[sflag:s21] =	ssyncadd.s32 $0xFFFFC000  }
0xa1: {  	[tilespmem:s14], [sflag:$0x1] =	stream.indirect.gather [hbm4b:s0+s18], $0x80, s10, s18, $0xb8;
	[tilespmem:$0x1D000] =	vst v63  }
0xa2: {  	_ =	swait.ge [sflag:s15], $0x4000  }
0xa3: {  	[sflag:s15] =	ssyncset.done $0x0  }
0xa4: {  	[sflag:s15] =	ssyncadd.s32 $0xFFFFC000  }
0xa5: {  	[spmem:s3] =	stream.indirect.scatter.add.f32 [tilespmem:s14], [sflag:$0x2], $0x80, s2, s18, $0xb8;
	[tilespmem:$0x1D000] =	vst v63  }
0xa6: {  	_ =	swait.ge [sflag:s23], $0x4000  }
0xa7: {  	[sflag:s23] =	ssyncset.done $0x0  }
0xa8: {  	s11 =	rddreg [dreg:$0xf];
	[sflag:s23] =	ssyncadd.s32 $0xFFFFC000  }
0xa9: {  	[tilespmem:s19], [sflag:$0x1] =	stream.indirect.gather [hbm4b:s0+s18], $0x80, s11, s18, $0xb8;
	[tilespmem:$0x1D000] =	vst v63  }
0xaa: {  	_ =	swait.ge [sflag:s15], $0x4000  }
0xab: {  	[sflag:s15] =	ssyncset.done $0x0  }
0xac: {  	[sflag:s15] =	ssyncadd.s32 $0xFFFFC000  }
0xad: {  	[spmem:s3] =	stream.indirect.scatter.add.f32 [tilespmem:s19], [sflag:$0x3], $0x80, s1, s18, $0xb8;
	[tilespmem:$0x1D000] =	vst v63  }
0xae: {  	_ =	swait.ge [sflag:s21], $0x4000  }
0xaf: {  	[sflag:s21] =	ssyncset.done $0x0  }
0xb0: {  	s12 =	rddreg [dreg:$0x10];
	[sflag:s21] =	ssyncadd.s32 $0xFFFFC000  }
0xb1: {  	[tilespmem:s14], [sflag:$0x1] =	stream.indirect.gather [hbm4b:s0+s18], $0x80, s12, s18, $0xb8;
	[tilespmem:$0x1D000] =	vst v63  }
0xb2: {  	_ =	swait.ge [sflag:s15], $0x4000  }
0xb3: {  	[sflag:s15] =	ssyncset.done $0x0  }
0xb4: {  	[sflag:s15] =	ssyncadd.s32 $0xFFFFC000  }
0xb5: {  	[spmem:s3] =	stream.indirect.scatter.add.f32 [tilespmem:s14], [sflag:$0x2], $0x80, s6, s18, $0xb8;
	[tilespmem:$0x1D000] =	vst v63  }
0xb6: {  	_ =	swait.ge [sflag:s23], $0x4000  }
0xb7: {  	[sflag:s23] =	ssyncset.done $0x0  }
0xb8: {  	s10 =	rddreg [dreg:$0x11];
	[sflag:s23] =	ssyncadd.s32 $0xFFFFC000  }
0xb9: {  	[tilespmem:s19], [sflag:$0x1] =	stream.indirect.gather [hbm4b:s0+s18], $0x80, s10, s18, $0xb8;
	[tilespmem:$0x1D000] =	vst v63  }
0xba: {  	_ =	swait.ge [sflag:s15], $0x4000  }
0xbb: {  	[sflag:s15] =	ssyncset.done $0x0  }
0xbc: {  	[sflag:s15] =	ssyncadd.s32 $0xFFFFC000  }
0xbd: {  	[spmem:s3] =	stream.indirect.scatter.add.f32 [tilespmem:s19], [sflag:$0x3], $0x80, s7, s18, $0xb8;
	[tilespmem:$0x1D000] =	vst v63  }
0xbe: {  	_ =	swait.ge [sflag:s21], $0x4000  }
0xbf: {  	[sflag:s21] =	ssyncset.done $0x0  }
0xc0: {  	s11 =	rddreg [dreg:$0x12];
	[sflag:s21] =	ssyncadd.s32 $0xFFFFC000  }
0xc1: {  	[tilespmem:s14], [sflag:$0x1] =	stream.indirect.gather [hbm4b:s0+s18], $0x80, s11, s18, $0xb8;
	[tilespmem:$0x1D000] =	vst v63  }
0xc2: {  	_ =	swait.ge [sflag:s15], $0x4000  }
0xc3: {  	[sflag:s15] =	ssyncset.done $0x0  }
0xc4: {  	[sflag:s15] =	ssyncadd.s32 $0xFFFFC000  }
0xc5: {  	[spmem:s3] =	stream.indirect.scatter.add.f32 [tilespmem:s14], [sflag:$0x2], $0x80, s8, s18, $0xb8;
	[tilespmem:$0x1D000] =	vst v63  }
0xc6: {  	_ =	swait.ge [sflag:s23], $0x4000  }
0xc7: {  	[sflag:s23] =	ssyncset.done $0x0  }
0xc8: {  	s12 =	rddreg [dreg:$0x13];
	[sflag:s23] =	ssyncadd.s32 $0xFFFFC000  }
0xc9: {  	[tilespmem:s19], [sflag:$0x1] =	stream.indirect.gather [hbm4b:s0+s18], $0x80, s12, s18, $0xb8;
	[tilespmem:$0x1D000] =	vst v63  }
0xca: {  	_ =	swait.ge [sflag:s15], $0x4000  }
0xcb: {  	[sflag:s15] =	ssyncset.done $0x0  }
0xcc: {  	[sflag:s15] =	ssyncadd.s32 $0xFFFFC000  }
0xcd: {  	[spmem:s3] =	stream.indirect.scatter.add.f32 [tilespmem:s19], [sflag:$0x3], $0x80, s9, s18, $0xb8;
	[tilespmem:$0x1D000] =	vst v63  }
0xce: {  	_ =	swait.ge [sflag:s21], $0x4000  }
0xcf: {  	[sflag:s21] =	ssyncset.done $0x0  }
0xd0: {  	[sflag:s21] =	ssyncadd.s32 $0xFFFFC000  }
0xd1: {  	s11 =	simm.s32 $0x100;
	_ =	swait.ge [sflag:s23], $0x4000  }
0xd2: {  	s12 =	simm.s32 $0x200;
	s5 =	rddreg [dreg:$0x5];
	[sflag:s23] =	ssyncset.done $0x0  }
.LBB2_4:
0xd3: {  	[sflag:s23] =	ssyncadd.s32 $0xFFFFC000;
	s5 =	sadd.s32 s11, s5  }
0xd4: {  	[tilespmem:s4], [sflag:$0x4] =	stream.linear.gather [hbm4b:s5+s4], $0x800, $0x38;
	[tilespmem:$0x1D000] =	vst v63  }
0xd5: {  	_ =	swait.ge [sflag:s16], $0x800  }
0xd6: {  	[sflag:s16] =	ssyncset.done $0x0  }
0xd7: {  	s5 =	sadd.s32 s11, s13;
	[sflag:s16] =	ssyncadd.s32 $0xFFFFF800  }
0xd8: {  	[tilespmem:s17], [sflag:$0x4] =	stream.linear.gather [hbm4b:s5+s4], $0x800, $0x38;
	[tilespmem:$0x1D000] =	vst v63  }
0xd9: {  	_ =	swait.ge [sflag:s16], $0x800  }
0xda: {  	[sflag:s16] =	ssyncset.done $0x0  }
0xdb: {  	[sflag:s16] =	ssyncadd.s32 $0xFFFFF800  }
0xdc: {  	[tilespmem:s14], [sflag:$0x1] =	stream.indirect.gather [hbm4b:s0+s18], $0x80, s4, s18, $0xb8;
	[tilespmem:$0x1D000] =	vst v63  }
0xdd: {  	_ =	swait.ge [sflag:s15], $0x4000  }
0xde: {  	[sflag:s15] =	ssyncset.done $0x0  }
0xdf: {  	[sflag:s15] =	ssyncadd.s32 $0xFFFFC000  }
0xe0: {  	[spmem:s3] =	stream.indirect.scatter.add.f32 [tilespmem:s14], [sflag:$0x2], $0x80, s17, s18, $0xb8;
	[tilespmem:$0x1D000] =	vst v63  }
0xe1: {  	_ = 	snop  }
0xe2: {  	[tilespmem:s19], [sflag:$0x1] =	stream.indirect.gather [hbm4b:s0+s18], $0x80, s18, s18, $0xb8;
	[tilespmem:$0x1D000] =	vst v63  }
0xe3: {  	_ =	swait.ge [sflag:s15], $0x4000  }
0xe4: {  	[sflag:s15] =	ssyncset.done $0x0  }
0xe5: {  	[sflag:s15] =	ssyncadd.s32 $0xFFFFC000  }
0xe6: {  	[spmem:s3] =	stream.indirect.scatter.add.f32 [tilespmem:s19], [sflag:$0x3], $0x80, s20, s18, $0xb8;
	[tilespmem:$0x1D000] =	vst v63  }
0xe7: {  	_ =	swait.ge [sflag:s21], $0x4000  }
0xe8: {  	s10 =	smov.u32 s12;
	[sflag:s21] =	ssyncset.done $0x0  }
0xe9: {  	s11 =	smov.u32 s10;
	s10 =	rddreg [dreg:$0x6];
	[sflag:s21] =	ssyncadd.s32 $0xFFFFC000  }
0xea: {  	[tilespmem:s14], [sflag:$0x1] =	stream.indirect.gather [hbm4b:s0+s18], $0x80, s10, s18, $0xb8;
	[tilespmem:$0x1D000] =	vst v63  }
0xeb: {  	_ =	swait.ge [sflag:s15], $0x4000  }
0xec: {  	[sflag:s15] =	ssyncset.done $0x0  }
0xed: {  	[sflag:s15] =	ssyncadd.s32 $0xFFFFC000  }
0xee: {  	[spmem:s3] =	stream.indirect.scatter.add.f32 [tilespmem:s14], [sflag:$0x2], $0x80, s22, s18, $0xb8;
	[tilespmem:$0x1D000] =	vst v63  }
0xef: {  	_ =	swait.ge [sflag:s23], $0x4000  }
0xf0: {  	[sflag:s23] =	ssyncset.done $0x0  }
0xf1: {  	s10 =	rddreg [dreg:$0x7];
	[sflag:s23] =	ssyncadd.s32 $0xFFFFC000  }
0xf2: {  	[tilespmem:s19], [sflag:$0x1] =	stream.indirect.gather [hbm4b:s0+s18], $0x80, s10, s18, $0xb8;
	[tilespmem:$0x1D000] =	vst v63  }
0xf3: {  	_ =	swait.ge [sflag:s15], $0x4000  }
0xf4: {  	[sflag:s15] =	ssyncset.done $0x0  }
0xf5: {  	[sflag:s15] =	ssyncadd.s32 $0xFFFFC000  }
0xf6: {  	[spmem:s3] =	stream.indirect.scatter.add.f32 [tilespmem:s19], [sflag:$0x3], $0x80, s24, s18, $0xb8;
	[tilespmem:$0x1D000] =	vst v63  }
0xf7: {  	_ =	swait.ge [sflag:s21], $0x4000  }
0xf8: {  	[sflag:s21] =	ssyncset.done $0x0  }
0xf9: {  	s10 =	rddreg [dreg:$0x8];
	[sflag:s21] =	ssyncadd.s32 $0xFFFFC000  }
0xfa: {  	[tilespmem:s14], [sflag:$0x1] =	stream.indirect.gather [hbm4b:s0+s18], $0x80, s10, s18, $0xb8;
	[tilespmem:$0x1D000] =	vst v63  }
0xfb: {  	_ =	swait.ge [sflag:s15], $0x4000  }
0xfc: {  	[sflag:s15] =	ssyncset.done $0x0  }
0xfd: {  	[sflag:s15] =	ssyncadd.s32 $0xFFFFC000  }
0xfe: {  	[spmem:s3] =	stream.indirect.scatter.add.f32 [tilespmem:s14], [sflag:$0x2], $0x80, s25, s18, $0xb8;
	[tilespmem:$0x1D000] =	vst v63  }
0xff: {  	_ =	swait.ge [sflag:s23], $0x4000  }
0x100: {  	[sflag:s23] =	ssyncset.done $0x0  }
0x101: {  	s10 =	rddreg [dreg:$0x9];
	[sflag:s23] =	ssyncadd.s32 $0xFFFFC000  }
0x102: {  	[tilespmem:s19], [sflag:$0x1] =	stream.indirect.gather [hbm4b:s0+s18], $0x80, s10, s18, $0xb8;
	[tilespmem:$0x1D000] =	vst v63  }
0x103: {  	_ =	swait.ge [sflag:s15], $0x4000  }
0x104: {  	[sflag:s15] =	ssyncset.done $0x0  }
0x105: {  	[sflag:s15] =	ssyncadd.s32 $0xFFFFC000  }
0x106: {  	[spmem:s3] =	stream.indirect.scatter.add.f32 [tilespmem:s19], [sflag:$0x3], $0x80, s26, s18, $0xb8;
	[tilespmem:$0x1D000] =	vst v63  }
0x107: {  	_ =	swait.ge [sflag:s21], $0x4000  }
0x108: {  	[sflag:s21] =	ssyncset.done $0x0  }
0x109: {  	s10 =	rddreg [dreg:$0xa];
	[sflag:s21] =	ssyncadd.s32 $0xFFFFC000  }
0x10a: {  	[tilespmem:s14], [sflag:$0x1] =	stream.indirect.gather [hbm4b:s0+s18], $0x80, s10, s18, $0xb8;
	[tilespmem:$0x1D000] =	vst v63  }
0x10b: {  	_ =	swait.ge [sflag:s15], $0x4000  }
0x10c: {  	[sflag:s15] =	ssyncset.done $0x0  }
0x10d: {  	[sflag:s15] =	ssyncadd.s32 $0xFFFFC000  }
0x10e: {  	[spmem:s3] =	stream.indirect.scatter.add.f32 [tilespmem:s14], [sflag:$0x2], $0x80, s28, s18, $0xb8;
	[tilespmem:$0x1D000] =	vst v63  }
0x10f: {  	_ =	swait.ge [sflag:s23], $0x4000  }
0x110: {  	[sflag:s23] =	ssyncset.done $0x0  }
0x111: {  	s10 =	rddreg [dreg:$0xb];
	[sflag:s23] =	ssyncadd.s32 $0xFFFFC000  }
0x112: {  	[tilespmem:s19], [sflag:$0x1] =	stream.indirect.gather [hbm4b:s0+s18], $0x80, s10, s18, $0xb8;
	[tilespmem:$0x1D000] =	vst v63  }
0x113: {  	_ =	swait.ge [sflag:s15], $0x4000  }
0x114: {  	[sflag:s15] =	ssyncset.done $0x0  }
0x115: {  	[sflag:s15] =	ssyncadd.s32 $0xFFFFC000  }
0x116: {  	[spmem:s3] =	stream.indirect.scatter.add.f32 [tilespmem:s19], [sflag:$0x3], $0x80, s29, s18, $0xb8;
	[tilespmem:$0x1D000] =	vst v63  }
0x117: {  	_ =	swait.ge [sflag:s21], $0x4000  }
0x118: {  	[sflag:s21] =	ssyncset.done $0x0  }
0x119: {  	s10 =	rddreg [dreg:$0xc];
	[sflag:s21] =	ssyncadd.s32 $0xFFFFC000  }
0x11a: {  	[tilespmem:s14], [sflag:$0x1] =	stream.indirect.gather [hbm4b:s0+s18], $0x80, s10, s18, $0xb8;
	[tilespmem:$0x1D000] =	vst v63  }
0x11b: {  	_ =	swait.ge [sflag:s15], $0x4000  }
0x11c: {  	[sflag:s15] =	ssyncset.done $0x0  }
0x11d: {  	[sflag:s15] =	ssyncadd.s32 $0xFFFFC000  }
0x11e: {  	[spmem:s3] =	stream.indirect.scatter.add.f32 [tilespmem:s14], [sflag:$0x2], $0x80, s30, s18, $0xb8;
	[tilespmem:$0x1D000] =	vst v63  }
0x11f: {  	_ =	swait.ge [sflag:s23], $0x4000  }
0x120: {  	[sflag:s23] =	ssyncset.done $0x0  }
0x121: {  	s10 =	rddreg [dreg:$0xd];
	[sflag:s23] =	ssyncadd.s32 $0xFFFFC000  }
0x122: {  	[tilespmem:s19], [sflag:$0x1] =	stream.indirect.gather [hbm4b:s0+s18], $0x80, s10, s18, $0xb8;
	[tilespmem:$0x1D000] =	vst v63  }
0x123: {  	_ =	swait.ge [sflag:s15], $0x4000  }
0x124: {  	[sflag:s15] =	ssyncset.done $0x0  }
0x125: {  	[sflag:s15] =	ssyncadd.s32 $0xFFFFC000  }
0x126: {  	[spmem:s3] =	stream.indirect.scatter.add.f32 [tilespmem:s19], [sflag:$0x3], $0x80, s31, s18, $0xb8;
	[tilespmem:$0x1D000] =	vst v63  }
0x127: {  	_ =	swait.ge [sflag:s21], $0x4000  }
0x128: {  	[sflag:s21] =	ssyncset.done $0x0  }
0x129: {  	s10 =	rddreg [dreg:$0xe];
	[sflag:s21] =	ssyncadd.s32 $0xFFFFC000  }
0x12a: {  	[tilespmem:s14], [sflag:$0x1] =	stream.indirect.gather [hbm4b:s0+s18], $0x80, s10, s18, $0xb8;
	[tilespmem:$0x1D000] =	vst v63  }
0x12b: {  	_ =	swait.ge [sflag:s15], $0x4000  }
0x12c: {  	[sflag:s15] =	ssyncset.done $0x0  }
0x12d: {  	[sflag:s15] =	ssyncadd.s32 $0xFFFFC000  }
0x12e: {  	[spmem:s3] =	stream.indirect.scatter.add.f32 [tilespmem:s14], [sflag:$0x2], $0x80, s2, s18, $0xb8;
	[tilespmem:$0x1D000] =	vst v63  }
0x12f: {  	_ =	swait.ge [sflag:s23], $0x4000  }
0x130: {  	[sflag:s23] =	ssyncset.done $0x0  }
0x131: {  	s10 =	rddreg [dreg:$0xf];
	[sflag:s23] =	ssyncadd.s32 $0xFFFFC000  }
0x132: {  	[tilespmem:s19], [sflag:$0x1] =	stream.indirect.gather [hbm4b:s0+s18], $0x80, s10, s18, $0xb8;
	[tilespmem:$0x1D000] =	vst v63  }
0x133: {  	_ =	swait.ge [sflag:s15], $0x4000  }
0x134: {  	[sflag:s15] =	ssyncset.done $0x0  }
0x135: {  	[sflag:s15] =	ssyncadd.s32 $0xFFFFC000  }
0x136: {  	[spmem:s3] =	stream.indirect.scatter.add.f32 [tilespmem:s19], [sflag:$0x3], $0x80, s1, s18, $0xb8;
	[tilespmem:$0x1D000] =	vst v63  }
0x137: {  	_ =	swait.ge [sflag:s21], $0x4000  }
0x138: {  	[sflag:s21] =	ssyncset.done $0x0  }
0x139: {  	s10 =	rddreg [dreg:$0x10];
	[sflag:s21] =	ssyncadd.s32 $0xFFFFC000  }
0x13a: {  	[tilespmem:s14], [sflag:$0x1] =	stream.indirect.gather [hbm4b:s0+s18], $0x80, s10, s18, $0xb8;
	[tilespmem:$0x1D000] =	vst v63  }
0x13b: {  	_ =	swait.ge [sflag:s15], $0x4000  }
0x13c: {  	[sflag:s15] =	ssyncset.done $0x0  }
0x13d: {  	[sflag:s15] =	ssyncadd.s32 $0xFFFFC000  }
0x13e: {  	[spmem:s3] =	stream.indirect.scatter.add.f32 [tilespmem:s14], [sflag:$0x2], $0x80, s6, s18, $0xb8;
	[tilespmem:$0x1D000] =	vst v63  }
0x13f: {  	_ =	swait.ge [sflag:s23], $0x4000  }
0x140: {  	[sflag:s23] =	ssyncset.done $0x0  }
0x141: {  	s10 =	rddreg [dreg:$0x11];
	[sflag:s23] =	ssyncadd.s32 $0xFFFFC000  }
0x142: {  	[tilespmem:s19], [sflag:$0x1] =	stream.indirect.gather [hbm4b:s0+s18], $0x80, s10, s18, $0xb8;
	[tilespmem:$0x1D000] =	vst v63  }
0x143: {  	_ =	swait.ge [sflag:s15], $0x4000  }
0x144: {  	[sflag:s15] =	ssyncset.done $0x0  }
0x145: {  	[sflag:s15] =	ssyncadd.s32 $0xFFFFC000  }
0x146: {  	[spmem:s3] =	stream.indirect.scatter.add.f32 [tilespmem:s19], [sflag:$0x3], $0x80, s7, s18, $0xb8;
	[tilespmem:$0x1D000] =	vst v63  }
0x147: {  	_ =	swait.ge [sflag:s21], $0x4000  }
0x148: {  	[sflag:s21] =	ssyncset.done $0x0  }
0x149: {  	s10 =	rddreg [dreg:$0x12];
	[sflag:s21] =	ssyncadd.s32 $0xFFFFC000  }
0x14a: {  	[tilespmem:s14], [sflag:$0x1] =	stream.indirect.gather [hbm4b:s0+s18], $0x80, s10, s18, $0xb8;
	[tilespmem:$0x1D000] =	vst v63  }
0x14b: {  	_ =	swait.ge [sflag:s15], $0x4000  }
0x14c: {  	[sflag:s15] =	ssyncset.done $0x0  }
0x14d: {  	[sflag:s15] =	ssyncadd.s32 $0xFFFFC000  }
0x14e: {  	[spmem:s3] =	stream.indirect.scatter.add.f32 [tilespmem:s14], [sflag:$0x2], $0x80, s8, s18, $0xb8;
	[tilespmem:$0x1D000] =	vst v63  }
0x14f: {  	_ =	swait.ge [sflag:s23], $0x4000  }
0x150: {  	[sflag:s23] =	ssyncset.done $0x0  }
0x151: {  	s10 =	rddreg [dreg:$0x13];
	[sflag:s23] =	ssyncadd.s32 $0xFFFFC000  }
0x152: {  	[tilespmem:s19], [sflag:$0x1] =	stream.indirect.gather [hbm4b:s0+s18], $0x80, s10, s18, $0xb8;
	[tilespmem:$0x1D000] =	vst v63  }
0x153: {  	_ =	swait.ge [sflag:s15], $0x4000  }
0x154: {  	[sflag:s15] =	ssyncset.done $0x0  }
0x155: {  	p0 =	sne.s32 s12, $0x400;
	[sflag:s15] =	ssyncadd.s32 $0xFFFFC000  }
0x156: {  	[spmem:s3] =	stream.indirect.scatter.add.f32 [tilespmem:s19], [sflag:$0x3], $0x80, s9, s18, $0xb8;
	[tilespmem:$0x1D000] =	vst v63  }
.Ltmp1:
0x157: {  	_ =	swait.ge [sflag:s21], $0x4000;
	(pc) =	sbr.rel @p0 .LBB2_4-.Ltmp1, $4  }
0x158: {  	[sflag:s21] =	ssyncset.done $0x0  }
0x159: {  	[sflag:s21] =	ssyncadd.s32 $0xFFFFC000  }
0x15a: {  	_ =	swait.ge [sflag:s23], $0x4000  }
0x15b: {  	s12 =	sadd.s32 $0x100, s12;
	s5 =	rddreg [dreg:$0x5];
	[sflag:s23] =	ssyncset.done $0x0  }
0x15c: {  	[sflag:s23] =	ssyncadd.s32 $0xFFFFC000;
	s5 =	sadd.s32 s11, s5  }
0x15d: {  	[tilespmem:s4], [sflag:$0x4] =	stream.linear.gather [hbm4b:s5+s4], $0x800, $0x38;
	[tilespmem:$0x1D000] =	vst v63  }
0x15e: {  	_ =	swait.ge [sflag:s16], $0x800  }
0x15f: {  	[sflag:s16] =	ssyncset.done $0x0  }
0x160: {  	s11 =	sadd.s32 s11, s13;
	[sflag:s16] =	ssyncadd.s32 $0xFFFFF800  }
0x161: {  	[tilespmem:s17], [sflag:$0x4] =	stream.linear.gather [hbm4b:s11+s4], $0x800, $0x38;
	[tilespmem:$0x1D000] =	vst v63  }
0x162: {  	_ =	swait.ge [sflag:s16], $0x800  }
0x163: {  	[sflag:s16] =	ssyncset.done $0x0  }
0x164: {  	[sflag:s16] =	ssyncadd.s32 $0xFFFFF800  }
0x165: {  	[tilespmem:s14], [sflag:$0x1] =	stream.indirect.gather [hbm4b:s0+s18], $0x80, s4, s18, $0xb8;
	[tilespmem:$0x1D000] =	vst v63  }
0x166: {  	_ =	swait.ge [sflag:s15], $0x4000  }
0x167: {  	[sflag:s15] =	ssyncset.done $0x0  }
0x168: {  	[sflag:s15] =	ssyncadd.s32 $0xFFFFC000  }
0x169: {  	[spmem:s3] =	stream.indirect.scatter.add.f32 [tilespmem:s14], [sflag:$0x2], $0x80, s17, s18, $0xb8;
	[tilespmem:$0x1D000] =	vst v63  }
0x16a: {  	_ = 	snop  }
0x16b: {  	[tilespmem:s19], [sflag:$0x1] =	stream.indirect.gather [hbm4b:s0+s18], $0x80, s18, s18, $0xb8;
	[tilespmem:$0x1D000] =	vst v63  }
0x16c: {  	_ =	swait.ge [sflag:s15], $0x4000  }
0x16d: {  	[sflag:s15] =	ssyncset.done $0x0  }
0x16e: {  	[sflag:s15] =	ssyncadd.s32 $0xFFFFC000  }
0x16f: {  	[spmem:s3] =	stream.indirect.scatter.add.f32 [tilespmem:s19], [sflag:$0x3], $0x80, s20, s18, $0xb8;
	[tilespmem:$0x1D000] =	vst v63  }
0x170: {  	_ =	swait.ge [sflag:s21], $0x4000  }
0x171: {  	[sflag:s21] =	ssyncset.done $0x0  }
0x172: {  	s12 =	rddreg [dreg:$0x6];
	[sflag:s21] =	ssyncadd.s32 $0xFFFFC000  }
0x173: {  	[tilespmem:s14], [sflag:$0x1] =	stream.indirect.gather [hbm4b:s0+s18], $0x80, s12, s18, $0xb8;
	[tilespmem:$0x1D000] =	vst v63  }
0x174: {  	_ =	swait.ge [sflag:s15], $0x4000  }
0x175: {  	[sflag:s15] =	ssyncset.done $0x0  }
0x176: {  	[sflag:s15] =	ssyncadd.s32 $0xFFFFC000  }
0x177: {  	[spmem:s3] =	stream.indirect.scatter.add.f32 [tilespmem:s14], [sflag:$0x2], $0x80, s22, s18, $0xb8;
	[tilespmem:$0x1D000] =	vst v63  }
0x178: {  	_ =	swait.ge [sflag:s23], $0x4000  }
0x179: {  	[sflag:s23] =	ssyncset.done $0x0  }
0x17a: {  	s10 =	rddreg [dreg:$0x7];
	[sflag:s23] =	ssyncadd.s32 $0xFFFFC000  }
0x17b: {  	[tilespmem:s19], [sflag:$0x1] =	stream.indirect.gather [hbm4b:s0+s18], $0x80, s10, s18, $0xb8;
	[tilespmem:$0x1D000] =	vst v63  }
0x17c: {  	_ =	swait.ge [sflag:s15], $0x4000  }
0x17d: {  	[sflag:s15] =	ssyncset.done $0x0  }
0x17e: {  	[sflag:s15] =	ssyncadd.s32 $0xFFFFC000  }
0x17f: {  	[spmem:s3] =	stream.indirect.scatter.add.f32 [tilespmem:s19], [sflag:$0x3], $0x80, s24, s18, $0xb8;
	[tilespmem:$0x1D000] =	vst v63  }
0x180: {  	_ =	swait.ge [sflag:s21], $0x4000  }
0x181: {  	[sflag:s21] =	ssyncset.done $0x0  }
0x182: {  	s11 =	rddreg [dreg:$0x8];
	[sflag:s21] =	ssyncadd.s32 $0xFFFFC000  }
0x183: {  	[tilespmem:s14], [sflag:$0x1] =	stream.indirect.gather [hbm4b:s0+s18], $0x80, s11, s18, $0xb8;
	[tilespmem:$0x1D000] =	vst v63  }
0x184: {  	_ =	swait.ge [sflag:s15], $0x4000  }
0x185: {  	[sflag:s15] =	ssyncset.done $0x0  }
0x186: {  	[sflag:s15] =	ssyncadd.s32 $0xFFFFC000  }
0x187: {  	[spmem:s3] =	stream.indirect.scatter.add.f32 [tilespmem:s14], [sflag:$0x2], $0x80, s25, s18, $0xb8;
	[tilespmem:$0x1D000] =	vst v63  }
0x188: {  	_ =	swait.ge [sflag:s23], $0x4000  }
0x189: {  	[sflag:s23] =	ssyncset.done $0x0  }
0x18a: {  	s12 =	rddreg [dreg:$0x9];
	[sflag:s23] =	ssyncadd.s32 $0xFFFFC000  }
0x18b: {  	[tilespmem:s19], [sflag:$0x1] =	stream.indirect.gather [hbm4b:s0+s18], $0x80, s12, s18, $0xb8;
	[tilespmem:$0x1D000] =	vst v63  }
0x18c: {  	_ =	swait.ge [sflag:s15], $0x4000  }
0x18d: {  	[sflag:s15] =	ssyncset.done $0x0  }
0x18e: {  	[sflag:s15] =	ssyncadd.s32 $0xFFFFC000  }
0x18f: {  	[spmem:s3] =	stream.indirect.scatter.add.f32 [tilespmem:s19], [sflag:$0x3], $0x80, s26, s18, $0xb8;
	[tilespmem:$0x1D000] =	vst v63  }
0x190: {  	_ =	swait.ge [sflag:s21], $0x4000  }
0x191: {  	[sflag:s21] =	ssyncset.done $0x0  }
0x192: {  	s10 =	rddreg [dreg:$0xa];
	[sflag:s21] =	ssyncadd.s32 $0xFFFFC000  }
0x193: {  	[tilespmem:s14], [sflag:$0x1] =	stream.indirect.gather [hbm4b:s0+s18], $0x80, s10, s18, $0xb8;
	[tilespmem:$0x1D000] =	vst v63  }
0x194: {  	_ =	swait.ge [sflag:s15], $0x4000  }
0x195: {  	[sflag:s15] =	ssyncset.done $0x0  }
0x196: {  	[sflag:s15] =	ssyncadd.s32 $0xFFFFC000  }
0x197: {  	[spmem:s3] =	stream.indirect.scatter.add.f32 [tilespmem:s14], [sflag:$0x2], $0x80, s28, s18, $0xb8;
	[tilespmem:$0x1D000] =	vst v63  }
0x198: {  	_ =	swait.ge [sflag:s23], $0x4000  }
0x199: {  	[sflag:s23] =	ssyncset.done $0x0  }
0x19a: {  	s11 =	rddreg [dreg:$0xb];
	[sflag:s23] =	ssyncadd.s32 $0xFFFFC000  }
0x19b: {  	[tilespmem:s19], [sflag:$0x1] =	stream.indirect.gather [hbm4b:s0+s18], $0x80, s11, s18, $0xb8;
	[tilespmem:$0x1D000] =	vst v63  }
0x19c: {  	_ =	swait.ge [sflag:s15], $0x4000  }
0x19d: {  	[sflag:s15] =	ssyncset.done $0x0  }
0x19e: {  	[sflag:s15] =	ssyncadd.s32 $0xFFFFC000  }
0x19f: {  	[spmem:s3] =	stream.indirect.scatter.add.f32 [tilespmem:s19], [sflag:$0x3], $0x80, s29, s18, $0xb8;
	[tilespmem:$0x1D000] =	vst v63  }
0x1a0: {  	_ =	swait.ge [sflag:s21], $0x4000  }
0x1a1: {  	[sflag:s21] =	ssyncset.done $0x0  }
0x1a2: {  	s12 =	rddreg [dreg:$0xc];
	[sflag:s21] =	ssyncadd.s32 $0xFFFFC000  }
0x1a3: {  	[tilespmem:s14], [sflag:$0x1] =	stream.indirect.gather [hbm4b:s0+s18], $0x80, s12, s18, $0xb8;
	[tilespmem:$0x1D000] =	vst v63  }
0x1a4: {  	_ =	swait.ge [sflag:s15], $0x4000  }
0x1a5: {  	[sflag:s15] =	ssyncset.done $0x0  }
0x1a6: {  	[sflag:s15] =	ssyncadd.s32 $0xFFFFC000  }
0x1a7: {  	[spmem:s3] =	stream.indirect.scatter.add.f32 [tilespmem:s14], [sflag:$0x2], $0x80, s30, s18, $0xb8;
	[tilespmem:$0x1D000] =	vst v63  }
0x1a8: {  	_ =	swait.ge [sflag:s23], $0x4000  }
0x1a9: {  	[sflag:s23] =	ssyncset.done $0x0  }
0x1aa: {  	s10 =	rddreg [dreg:$0xd];
	[sflag:s23] =	ssyncadd.s32 $0xFFFFC000  }
0x1ab: {  	[tilespmem:s19], [sflag:$0x1] =	stream.indirect.gather [hbm4b:s0+s18], $0x80, s10, s18, $0xb8;
	[tilespmem:$0x1D000] =	vst v63  }
0x1ac: {  	_ =	swait.ge [sflag:s15], $0x4000  }
0x1ad: {  	[sflag:s15] =	ssyncset.done $0x0  }
0x1ae: {  	[sflag:s15] =	ssyncadd.s32 $0xFFFFC000  }
0x1af: {  	[spmem:s3] =	stream.indirect.scatter.add.f32 [tilespmem:s19], [sflag:$0x3], $0x80, s31, s18, $0xb8;
	[tilespmem:$0x1D000] =	vst v63  }
0x1b0: {  	_ =	swait.ge [sflag:s21], $0x4000  }
0x1b1: {  	[sflag:s21] =	ssyncset.done $0x0  }
0x1b2: {  	s11 =	rddreg [dreg:$0xe];
	[sflag:s21] =	ssyncadd.s32 $0xFFFFC000  }
0x1b3: {  	[tilespmem:s14], [sflag:$0x1] =	stream.indirect.gather [hbm4b:s0+s18], $0x80, s11, s18, $0xb8;
	[tilespmem:$0x1D000] =	vst v63  }
0x1b4: {  	_ =	swait.ge [sflag:s15], $0x4000  }
0x1b5: {  	[sflag:s15] =	ssyncset.done $0x0  }
0x1b6: {  	[sflag:s15] =	ssyncadd.s32 $0xFFFFC000  }
0x1b7: {  	[spmem:s3] =	stream.indirect.scatter.add.f32 [tilespmem:s14], [sflag:$0x2], $0x80, s2, s18, $0xb8;
	[tilespmem:$0x1D000] =	vst v63  }
0x1b8: {  	_ =	swait.ge [sflag:s23], $0x4000  }
0x1b9: {  	[sflag:s23] =	ssyncset.done $0x0  }
0x1ba: {  	s12 =	rddreg [dreg:$0xf];
	[sflag:s23] =	ssyncadd.s32 $0xFFFFC000  }
0x1bb: {  	[tilespmem:s19], [sflag:$0x1] =	stream.indirect.gather [hbm4b:s0+s18], $0x80, s12, s18, $0xb8;
	[tilespmem:$0x1D000] =	vst v63  }
0x1bc: {  	_ =	swait.ge [sflag:s15], $0x4000  }
0x1bd: {  	[sflag:s15] =	ssyncset.done $0x0  }
0x1be: {  	[sflag:s15] =	ssyncadd.s32 $0xFFFFC000  }
0x1bf: {  	[spmem:s3] =	stream.indirect.scatter.add.f32 [tilespmem:s19], [sflag:$0x3], $0x80, s1, s18, $0xb8;
	[tilespmem:$0x1D000] =	vst v63  }
0x1c0: {  	_ =	swait.ge [sflag:s21], $0x4000  }
0x1c1: {  	[sflag:s21] =	ssyncset.done $0x0  }
0x1c2: {  	s10 =	rddreg [dreg:$0x10];
	[sflag:s21] =	ssyncadd.s32 $0xFFFFC000  }
0x1c3: {  	[tilespmem:s14], [sflag:$0x1] =	stream.indirect.gather [hbm4b:s0+s18], $0x80, s10, s18, $0xb8;
	[tilespmem:$0x1D000] =	vst v63  }
0x1c4: {  	_ =	swait.ge [sflag:s15], $0x4000  }
0x1c5: {  	[sflag:s15] =	ssyncset.done $0x0  }
0x1c6: {  	[sflag:s15] =	ssyncadd.s32 $0xFFFFC000  }
0x1c7: {  	[spmem:s3] =	stream.indirect.scatter.add.f32 [tilespmem:s14], [sflag:$0x2], $0x80, s6, s18, $0xb8;
	[tilespmem:$0x1D000] =	vst v63  }
0x1c8: {  	_ =	swait.ge [sflag:s23], $0x4000  }
0x1c9: {  	[sflag:s23] =	ssyncset.done $0x0  }
0x1ca: {  	s11 =	rddreg [dreg:$0x11];
	[sflag:s23] =	ssyncadd.s32 $0xFFFFC000  }
0x1cb: {  	[tilespmem:s19], [sflag:$0x1] =	stream.indirect.gather [hbm4b:s0+s18], $0x80, s11, s18, $0xb8;
	[tilespmem:$0x1D000] =	vst v63  }
0x1cc: {  	_ =	swait.ge [sflag:s15], $0x4000  }
0x1cd: {  	[sflag:s15] =	ssyncset.done $0x0  }
0x1ce: {  	[sflag:s15] =	ssyncadd.s32 $0xFFFFC000  }
0x1cf: {  	[spmem:s3] =	stream.indirect.scatter.add.f32 [tilespmem:s19], [sflag:$0x3], $0x80, s7, s18, $0xb8;
	[tilespmem:$0x1D000] =	vst v63  }
0x1d0: {  	_ =	swait.ge [sflag:s21], $0x4000  }
0x1d1: {  	[sflag:s21] =	ssyncset.done $0x0  }
0x1d2: {  	s12 =	rddreg [dreg:$0x12];
	[sflag:s21] =	ssyncadd.s32 $0xFFFFC000  }
0x1d3: {  	[tilespmem:s14], [sflag:$0x1] =	stream.indirect.gather [hbm4b:s0+s18], $0x80, s12, s18, $0xb8;
	[tilespmem:$0x1D000] =	vst v63  }
0x1d4: {  	_ =	swait.ge [sflag:s15], $0x4000  }
0x1d5: {  	[sflag:s15] =	ssyncset.done $0x0  }
0x1d6: {  	[sflag:s15] =	ssyncadd.s32 $0xFFFFC000  }
0x1d7: {  	[spmem:s3] =	stream.indirect.scatter.add.f32 [tilespmem:s14], [sflag:$0x2], $0x80, s8, s18, $0xb8;
	[tilespmem:$0x1D000] =	vst v63  }
0x1d8: {  	_ =	swait.ge [sflag:s23], $0x4000  }
0x1d9: {  	[sflag:s23] =	ssyncset.done $0x0  }
0x1da: {  	s10 =	rddreg [dreg:$0x13];
	[sflag:s23] =	ssyncadd.s32 $0xFFFFC000  }
0x1db: {  	[tilespmem:s19], [sflag:$0x1] =	stream.indirect.gather [hbm4b:s0+s18], $0x80, s10, s18, $0xb8;
	[tilespmem:$0x1D000] =	vst v63  }
0x1dc: {  	_ =	swait.ge [sflag:s15], $0x4000  }
0x1dd: {  	[sflag:s15] =	ssyncset.done $0x0  }
0x1de: {  	[sflag:s15] =	ssyncadd.s32 $0xFFFFC000  }
0x1df: {  	[spmem:s3] =	stream.indirect.scatter.add.f32 [tilespmem:s19], [sflag:$0x3], $0x80, s9, s18, $0xb8;
	[tilespmem:$0x1D000] =	vst v63  }
0x1e0: {  	_ =	swait.ge [sflag:s21], $0x4000  }
0x1e1: {  	[sflag:s21] =	ssyncset.done $0x0  }
0x1e2: {  	[sflag:s21] =	ssyncadd.s32 $0xFFFFC000  }
0x1e3: {  	_ =	swait.ge [sflag:s23], $0x4000  }
0x1e4: {  	[sflag:s23] =	ssyncset.done $0x0  }
0x1e5: {  	s11 =	stileid.u32;
	[sflag:s23] =	ssyncadd.s32 $0xFFFFC000  }
0x1e6: {  	s5 =	sshll.u32 s11, $0x6;
	[bflag:$0x0] =	sbarrier.arrive $0xFFFF  }
0x1e7: {  	s10 =	sor.u32 $0x1C01, s5;
	s12 =	rddreg [dreg:$0x14]  }
0x1e8: {  	[dreg:$0x1d] =	wrdreg s10  }
0x1e9: {  	s5 =	sshrl.u32 s12, $0x3;
	s12 =	rddreg [dreg:$0x15]  }
0x1ea: {  	[dreg:$0x1e] =	wrdreg s5  }
0x1eb: {  	[hbm:s12], [sflag:s10] =	dma.local [spmem:s5], $0x2800  }
0x1ec: {  	_ =	swait.ge [sflag:s15], $0x2800  }
0x1ed: {  	[sflag:s15] =	ssyncset.done $0x0  }
0x1ee: {  	s5 =	simm.s32 $0x0;
	s10 =	simm.s32 $0x200;
	[sflag:s15] =	ssyncadd.s32 $0xFFFFD800  }
.LBB2_6:
0x1ef: {  	p0 =	sne.s32 s10, $0xFE00;
	[tilespmem:s5+$0x1070] =	vst v0  }
0x1f0: {  	[tilespmem:s5+$0x1000] =	vst v0  }
0x1f1: {  	[tilespmem:s5+$0x1010] =	vst v0  }
.Ltmp2:
0x1f2: {  	[tilespmem:s5+$0x1020] =	vst v0;
	(pc) =	sbr.rel @p0 .LBB2_6-.Ltmp2, $4  }
0x1f3: {  	[tilespmem:s5+$0x1030] =	vst v0  }
0x1f4: {  	[tilespmem:s5+$0x1040] =	vst v0  }
0x1f5: {  	[tilespmem:s5+$0x1050] =	vst v0  }
0x1f6: {  	[tilespmem:s5+$0x1060] =	vst v0;
	s5 =	sshra.s32 s10, $0x2;
	s10 =	sadd.s32 $0x200, s10  }
0x1f7: {  	[tilespmem:s5+$0x1070] =	vst v0  }
0x1f8: {  	[tilespmem:s5+$0x1000] =	vst v0  }
0x1f9: {  	[tilespmem:s5+$0x1010] =	vst v0  }
0x1fa: {  	[tilespmem:s5+$0x1020] =	vst v0  }
0x1fb: {  	[tilespmem:s5+$0x1030] =	vst v0  }
0x1fc: {  	[tilespmem:s5+$0x1040] =	vst v0  }
0x1fd: {  	[tilespmem:s5+$0x1050] =	vst v0  }
0x1fe: {  	[tilespmem:s5+$0x1060] =	vst v0;
	s11 =	rddreg [dreg:$0x14]  }
0x1ff: {  	[spmem:s11] =	stream.linear.scatter [tilespmem:s14], [sflag:$0x1], $0x4000, $0x38;
	[tilespmem:$0x1D000] =	vst v63  }
0x200: {  	_ =	swait.ge [sflag:s15], $0x4000  }
0x201: {  	[sflag:s15] =	ssyncset.done $0x0  }
0x202: {  	s12 =	rddreg [dreg:$0x18];
	[sflag:s15] =	ssyncadd.s32 $0xFFFFC000  }
0x203: {  	[spmem:s12] =	stream.linear.scatter [tilespmem:s14], [sflag:$0x1], $0x4000, $0x38;
	[tilespmem:$0x1D000] =	vst v63  }
0x204: {  	_ =	swait.ge [sflag:s15], $0x4000  }
0x205: {  	[sflag:s15] =	ssyncset.done $0x0  }
0x206: {  	s10 =	rddreg [dreg:$0x19];
	[sflag:s15] =	ssyncadd.s32 $0xFFFFC000  }
0x207: {  	[spmem:s10] =	stream.linear.scatter [tilespmem:s14], [sflag:$0x1], $0x4000, $0x38;
	[tilespmem:$0x1D000] =	vst v63  }
0x208: {  	_ =	swait.ge [sflag:s15], $0x4000  }
0x209: {  	[sflag:s15] =	ssyncset.done $0x0  }
0x20a: {  	s11 =	rddreg [dreg:$0x1a];
	[sflag:s15] =	ssyncadd.s32 $0xFFFFC000  }
0x20b: {  	[spmem:s11] =	stream.linear.scatter [tilespmem:s14], [sflag:$0x1], $0x4000, $0x38;
	[tilespmem:$0x1D000] =	vst v63  }
0x20c: {  	_ =	swait.ge [sflag:s15], $0x4000  }
0x20d: {  	[sflag:s15] =	ssyncset.done $0x0  }
0x20e: {  	s12 =	rddreg [dreg:$0x1b];
	[sflag:s15] =	ssyncadd.s32 $0xFFFFC000  }
0x20f: {  	[spmem:s12] =	stream.linear.scatter [tilespmem:s14], [sflag:$0x1], $0x4000, $0x38;
	[tilespmem:$0x1D000] =	vst v63  }
0x210: {  	_ =	swait.ge [sflag:s15], $0x4000  }
0x211: {  	[sflag:s15] =	ssyncset.done $0x0  }
0x212: {  	s5 =	simm.s32 $0x0;
	s10 =	simm.s32 $0x200;
	[sflag:s15] =	ssyncadd.s32 $0xFFFFC000  }
.LBB2_8:
0x213: {  	p0 =	sne.s32 s10, $0xFE00;
	[tilespmem:s5+$0x1070] =	vst v1  }
0x214: {  	[tilespmem:s5+$0x1000] =	vst v1  }
0x215: {  	[tilespmem:s5+$0x1010] =	vst v1  }
.Ltmp3:
0x216: {  	[tilespmem:s5+$0x1020] =	vst v1;
	(pc) =	sbr.rel @p0 .LBB2_8-.Ltmp3, $4  }
0x217: {  	[tilespmem:s5+$0x1030] =	vst v1  }
0x218: {  	[tilespmem:s5+$0x1040] =	vst v1  }
0x219: {  	[tilespmem:s5+$0x1050] =	vst v1  }
0x21a: {  	[tilespmem:s5+$0x1060] =	vst v1;
	s5 =	sshra.s32 s10, $0x2;
	s10 =	sadd.s32 $0x200, s10  }
0x21b: {  	[tilespmem:s5+$0x1070] =	vst v1  }
0x21c: {  	[tilespmem:s5+$0x1000] =	vst v1  }
0x21d: {  	[tilespmem:s5+$0x1010] =	vst v1  }
0x21e: {  	[tilespmem:s5+$0x1020] =	vst v1  }
0x21f: {  	[tilespmem:s5+$0x1030] =	vst v1  }
0x220: {  	[tilespmem:s5+$0x1040] =	vst v1  }
0x221: {  	[tilespmem:s5+$0x1050] =	vst v1  }
0x222: {  	[tilespmem:s5+$0x1060] =	vst v1  }
0x223: {  	s12 =	sadd.s32 $0x0, s13;
	[bflag:$0x0] =	sbarrier.arrive $0xFFFF  }
0x224: {  	[tilespmem:s17], [sflag:$0x4] =	stream.linear.gather [hbm4b:s12+s4], $0x800, $0x38;
	[tilespmem:$0x1D000] =	vst v63  }
0x225: {  	_ =	swait.ge [sflag:s16], $0x800  }
0x226: {  	[sflag:s16] =	ssyncset.done $0x0  }
0x227: {  	[sflag:s16] =	ssyncadd.s32 $0xFFFFF800  }
0x228: {  	[spmem:s3] =	stream.indirect.scatter.add.f32 [tilespmem:s14], [sflag:$0x2], $0x80, s17, s18, $0xb8;
	[tilespmem:$0x1D000] =	vst v63  }
0x229: {  	_ = 	snop  }
0x22a: {  	[spmem:s3] =	stream.indirect.scatter.add.f32 [tilespmem:s14], [sflag:$0x2], $0x80, s20, s18, $0xb8;
	[tilespmem:$0x1D000] =	vst v63  }
0x22b: {  	_ = 	snop  }
0x22c: {  	[spmem:s3] =	stream.indirect.scatter.add.f32 [tilespmem:s14], [sflag:$0x2], $0x80, s22, s18, $0xb8;
	[tilespmem:$0x1D000] =	vst v63  }
0x22d: {  	_ = 	snop  }
0x22e: {  	[spmem:s3] =	stream.indirect.scatter.add.f32 [tilespmem:s14], [sflag:$0x2], $0x80, s24, s18, $0xb8;
	[tilespmem:$0x1D000] =	vst v63  }
0x22f: {  	_ = 	snop  }
0x230: {  	[spmem:s3] =	stream.indirect.scatter.add.f32 [tilespmem:s14], [sflag:$0x2], $0x80, s25, s18, $0xb8;
	[tilespmem:$0x1D000] =	vst v63  }
0x231: {  	_ = 	snop  }
0x232: {  	[spmem:s3] =	stream.indirect.scatter.add.f32 [tilespmem:s14], [sflag:$0x2], $0x80, s26, s18, $0xb8;
	[tilespmem:$0x1D000] =	vst v63  }
0x233: {  	_ = 	snop  }
0x234: {  	[spmem:s3] =	stream.indirect.scatter.add.f32 [tilespmem:s14], [sflag:$0x2], $0x80, s28, s18, $0xb8;
	[tilespmem:$0x1D000] =	vst v63  }
0x235: {  	_ = 	snop  }
0x236: {  	[spmem:s3] =	stream.indirect.scatter.add.f32 [tilespmem:s14], [sflag:$0x2], $0x80, s29, s18, $0xb8;
	[tilespmem:$0x1D000] =	vst v63  }
0x237: {  	_ = 	snop  }
0x238: {  	[spmem:s3] =	stream.indirect.scatter.add.f32 [tilespmem:s14], [sflag:$0x2], $0x80, s30, s18, $0xb8;
	[tilespmem:$0x1D000] =	vst v63  }
0x239: {  	_ = 	snop  }
0x23a: {  	[spmem:s3] =	stream.indirect.scatter.add.f32 [tilespmem:s14], [sflag:$0x2], $0x80, s31, s18, $0xb8;
	[tilespmem:$0x1D000] =	vst v63  }
0x23b: {  	_ = 	snop  }
0x23c: {  	[spmem:s3] =	stream.indirect.scatter.add.f32 [tilespmem:s14], [sflag:$0x2], $0x80, s2, s18, $0xb8;
	[tilespmem:$0x1D000] =	vst v63  }
0x23d: {  	_ = 	snop  }
0x23e: {  	[spmem:s3] =	stream.indirect.scatter.add.f32 [tilespmem:s14], [sflag:$0x2], $0x80, s1, s18, $0xb8;
	[tilespmem:$0x1D000] =	vst v63  }
0x23f: {  	_ = 	snop  }
0x240: {  	[spmem:s3] =	stream.indirect.scatter.add.f32 [tilespmem:s14], [sflag:$0x2], $0x80, s6, s18, $0xb8;
	[tilespmem:$0x1D000] =	vst v63  }
0x241: {  	_ = 	snop  }
0x242: {  	[spmem:s3] =	stream.indirect.scatter.add.f32 [tilespmem:s14], [sflag:$0x2], $0x80, s7, s18, $0xb8;
	[tilespmem:$0x1D000] =	vst v63  }
0x243: {  	_ = 	snop  }
0x244: {  	[spmem:s3] =	stream.indirect.scatter.add.f32 [tilespmem:s14], [sflag:$0x2], $0x80, s8, s18, $0xb8;
	[tilespmem:$0x1D000] =	vst v63  }
0x245: {  	_ = 	snop  }
0x246: {  	[spmem:s3] =	stream.indirect.scatter.add.f32 [tilespmem:s14], [sflag:$0x2], $0x80, s9, s18, $0xb8;
	[tilespmem:$0x1D000] =	vst v63  }
0x247: {  	_ =	swait.ge [sflag:s21], $0x4000  }
0x248: {  	[sflag:s21] =	ssyncset.done $0x0  }
0x249: {  	[sflag:s21] =	ssyncadd.s32 $0xFFFFC000  }
0x24a: {  	_ =	swait.ge [sflag:s21], $0x4000  }
0x24b: {  	[sflag:s21] =	ssyncset.done $0x0  }
0x24c: {  	[sflag:s21] =	ssyncadd.s32 $0xFFFFC000  }
0x24d: {  	_ =	swait.ge [sflag:s21], $0x4000  }
0x24e: {  	[sflag:s21] =	ssyncset.done $0x0  }
0x24f: {  	[sflag:s21] =	ssyncadd.s32 $0xFFFFC000  }
0x250: {  	_ =	swait.ge [sflag:s21], $0x4000  }
0x251: {  	[sflag:s21] =	ssyncset.done $0x0  }
0x252: {  	[sflag:s21] =	ssyncadd.s32 $0xFFFFC000  }
0x253: {  	_ =	swait.ge [sflag:s21], $0x4000  }
0x254: {  	[sflag:s21] =	ssyncset.done $0x0  }
0x255: {  	[sflag:s21] =	ssyncadd.s32 $0xFFFFC000  }
0x256: {  	_ =	swait.ge [sflag:s21], $0x4000  }
0x257: {  	[sflag:s21] =	ssyncset.done $0x0  }
0x258: {  	[sflag:s21] =	ssyncadd.s32 $0xFFFFC000  }
0x259: {  	_ =	swait.ge [sflag:s21], $0x4000  }
0x25a: {  	[sflag:s21] =	ssyncset.done $0x0  }
0x25b: {  	[sflag:s21] =	ssyncadd.s32 $0xFFFFC000  }
0x25c: {  	_ =	swait.ge [sflag:s21], $0x4000  }
0x25d: {  	[sflag:s21] =	ssyncset.done $0x0  }
0x25e: {  	[sflag:s21] =	ssyncadd.s32 $0xFFFFC000  }
0x25f: {  	_ =	swait.ge [sflag:s21], $0x4000  }
0x260: {  	[sflag:s21] =	ssyncset.done $0x0  }
0x261: {  	[sflag:s21] =	ssyncadd.s32 $0xFFFFC000  }
0x262: {  	_ =	swait.ge [sflag:s21], $0x4000  }
0x263: {  	[sflag:s21] =	ssyncset.done $0x0  }
0x264: {  	[sflag:s21] =	ssyncadd.s32 $0xFFFFC000  }
0x265: {  	_ =	swait.ge [sflag:s21], $0x4000  }
0x266: {  	[sflag:s21] =	ssyncset.done $0x0  }
0x267: {  	[sflag:s21] =	ssyncadd.s32 $0xFFFFC000  }
0x268: {  	_ =	swait.ge [sflag:s21], $0x4000  }
0x269: {  	[sflag:s21] =	ssyncset.done $0x0  }
0x26a: {  	[sflag:s21] =	ssyncadd.s32 $0xFFFFC000  }
0x26b: {  	_ =	swait.ge [sflag:s21], $0x4000  }
0x26c: {  	[sflag:s21] =	ssyncset.done $0x0  }
0x26d: {  	[sflag:s21] =	ssyncadd.s32 $0xFFFFC000  }
0x26e: {  	_ =	swait.ge [sflag:s21], $0x4000  }
0x26f: {  	[sflag:s21] =	ssyncset.done $0x0  }
0x270: {  	[sflag:s21] =	ssyncadd.s32 $0xFFFFC000  }
0x271: {  	_ =	swait.ge [sflag:s21], $0x4000  }
0x272: {  	[sflag:s21] =	ssyncset.done $0x0  }
0x273: {  	[sflag:s21] =	ssyncadd.s32 $0xFFFFC000  }
0x274: {  	_ =	swait.ge [sflag:s21], $0x4000  }
0x275: {  	s5 =	simm.s32 $0x100;
	s10 =	simm.s32 $0x200;
	[sflag:s21] =	ssyncset.done $0x0  }
.LBB2_10:
0x276: {  	s12 =	sadd.s32 s5, s13  }
0x277: {  	[sflag:s21] =	ssyncadd.s32 $0xFFFFC000;
	s5 =	smov.u32 s10;
	s11 =	sadd.s32 $0x100, s10  }
0x278: {  	[tilespmem:s17], [sflag:$0x4] =	stream.linear.gather [hbm4b:s12+s4], $0x800, $0x38;
	[tilespmem:$0x1D000] =	vst v63  }
0x279: {  	p0 =	sne.s32 s10, $0x400;
	_ =	swait.ge [sflag:s16], $0x800  }
0x27a: {  	[sflag:s16] =	ssyncset.done $0x0  }
0x27b: {  	[sflag:s16] =	ssyncadd.s32 $0xFFFFF800  }
0x27c: {  	[spmem:s3] =	stream.indirect.scatter.add.f32 [tilespmem:s14], [sflag:$0x2], $0x80, s17, s18, $0xb8;
	[tilespmem:$0x1D000] =	vst v63  }
0x27d: {  	_ = 	snop  }
0x27e: {  	[spmem:s3] =	stream.indirect.scatter.add.f32 [tilespmem:s14], [sflag:$0x2], $0x80, s20, s18, $0xb8;
	[tilespmem:$0x1D000] =	vst v63  }
0x27f: {  	_ = 	snop  }
0x280: {  	[spmem:s3] =	stream.indirect.scatter.add.f32 [tilespmem:s14], [sflag:$0x2], $0x80, s22, s18, $0xb8;
	[tilespmem:$0x1D000] =	vst v63  }
0x281: {  	_ = 	snop  }
0x282: {  	[spmem:s3] =	stream.indirect.scatter.add.f32 [tilespmem:s14], [sflag:$0x2], $0x80, s24, s18, $0xb8;
	[tilespmem:$0x1D000] =	vst v63  }
0x283: {  	_ = 	snop  }
0x284: {  	[spmem:s3] =	stream.indirect.scatter.add.f32 [tilespmem:s14], [sflag:$0x2], $0x80, s25, s18, $0xb8;
	[tilespmem:$0x1D000] =	vst v63  }
0x285: {  	_ = 	snop  }
0x286: {  	[spmem:s3] =	stream.indirect.scatter.add.f32 [tilespmem:s14], [sflag:$0x2], $0x80, s26, s18, $0xb8;
	[tilespmem:$0x1D000] =	vst v63  }
0x287: {  	_ = 	snop  }
0x288: {  	[spmem:s3] =	stream.indirect.scatter.add.f32 [tilespmem:s14], [sflag:$0x2], $0x80, s28, s18, $0xb8;
	[tilespmem:$0x1D000] =	vst v63  }
0x289: {  	_ = 	snop  }
0x28a: {  	[spmem:s3] =	stream.indirect.scatter.add.f32 [tilespmem:s14], [sflag:$0x2], $0x80, s29, s18, $0xb8;
	[tilespmem:$0x1D000] =	vst v63  }
0x28b: {  	_ = 	snop  }
0x28c: {  	[spmem:s3] =	stream.indirect.scatter.add.f32 [tilespmem:s14], [sflag:$0x2], $0x80, s30, s18, $0xb8;
	[tilespmem:$0x1D000] =	vst v63  }
0x28d: {  	_ = 	snop  }
0x28e: {  	[spmem:s3] =	stream.indirect.scatter.add.f32 [tilespmem:s14], [sflag:$0x2], $0x80, s31, s18, $0xb8;
	[tilespmem:$0x1D000] =	vst v63  }
0x28f: {  	_ = 	snop  }
0x290: {  	[spmem:s3] =	stream.indirect.scatter.add.f32 [tilespmem:s14], [sflag:$0x2], $0x80, s2, s18, $0xb8;
	[tilespmem:$0x1D000] =	vst v63  }
0x291: {  	_ = 	snop  }
0x292: {  	[spmem:s3] =	stream.indirect.scatter.add.f32 [tilespmem:s14], [sflag:$0x2], $0x80, s1, s18, $0xb8;
	[tilespmem:$0x1D000] =	vst v63  }
0x293: {  	_ = 	snop  }
0x294: {  	[spmem:s3] =	stream.indirect.scatter.add.f32 [tilespmem:s14], [sflag:$0x2], $0x80, s6, s18, $0xb8;
	[tilespmem:$0x1D000] =	vst v63  }
0x295: {  	_ = 	snop  }
0x296: {  	[spmem:s3] =	stream.indirect.scatter.add.f32 [tilespmem:s14], [sflag:$0x2], $0x80, s7, s18, $0xb8;
	[tilespmem:$0x1D000] =	vst v63  }
0x297: {  	_ = 	snop  }
0x298: {  	[spmem:s3] =	stream.indirect.scatter.add.f32 [tilespmem:s14], [sflag:$0x2], $0x80, s8, s18, $0xb8;
	[tilespmem:$0x1D000] =	vst v63  }
0x299: {  	_ = 	snop  }
0x29a: {  	[spmem:s3] =	stream.indirect.scatter.add.f32 [tilespmem:s14], [sflag:$0x2], $0x80, s9, s18, $0xb8;
	[tilespmem:$0x1D000] =	vst v63  }
0x29b: {  	_ =	swait.ge [sflag:s21], $0x4000  }
0x29c: {  	[sflag:s21] =	ssyncset.done $0x0  }
0x29d: {  	[sflag:s21] =	ssyncadd.s32 $0xFFFFC000  }
0x29e: {  	_ =	swait.ge [sflag:s21], $0x4000  }
0x29f: {  	[sflag:s21] =	ssyncset.done $0x0  }
0x2a0: {  	[sflag:s21] =	ssyncadd.s32 $0xFFFFC000  }
0x2a1: {  	_ =	swait.ge [sflag:s21], $0x4000  }
0x2a2: {  	[sflag:s21] =	ssyncset.done $0x0  }
0x2a3: {  	[sflag:s21] =	ssyncadd.s32 $0xFFFFC000  }
0x2a4: {  	_ =	swait.ge [sflag:s21], $0x4000  }
0x2a5: {  	[sflag:s21] =	ssyncset.done $0x0  }
0x2a6: {  	[sflag:s21] =	ssyncadd.s32 $0xFFFFC000  }
0x2a7: {  	_ =	swait.ge [sflag:s21], $0x4000  }
0x2a8: {  	[sflag:s21] =	ssyncset.done $0x0  }
0x2a9: {  	[sflag:s21] =	ssyncadd.s32 $0xFFFFC000  }
0x2aa: {  	_ =	swait.ge [sflag:s21], $0x4000  }
0x2ab: {  	[sflag:s21] =	ssyncset.done $0x0  }
0x2ac: {  	[sflag:s21] =	ssyncadd.s32 $0xFFFFC000  }
0x2ad: {  	_ =	swait.ge [sflag:s21], $0x4000  }
0x2ae: {  	[sflag:s21] =	ssyncset.done $0x0  }
0x2af: {  	[sflag:s21] =	ssyncadd.s32 $0xFFFFC000  }
0x2b0: {  	_ =	swait.ge [sflag:s21], $0x4000  }
0x2b1: {  	[sflag:s21] =	ssyncset.done $0x0  }
0x2b2: {  	[sflag:s21] =	ssyncadd.s32 $0xFFFFC000  }
0x2b3: {  	_ =	swait.ge [sflag:s21], $0x4000  }
0x2b4: {  	[sflag:s21] =	ssyncset.done $0x0  }
0x2b5: {  	[sflag:s21] =	ssyncadd.s32 $0xFFFFC000  }
0x2b6: {  	_ =	swait.ge [sflag:s21], $0x4000  }
0x2b7: {  	[sflag:s21] =	ssyncset.done $0x0  }
0x2b8: {  	[sflag:s21] =	ssyncadd.s32 $0xFFFFC000  }
0x2b9: {  	_ =	swait.ge [sflag:s21], $0x4000  }
0x2ba: {  	[sflag:s21] =	ssyncset.done $0x0  }
0x2bb: {  	[sflag:s21] =	ssyncadd.s32 $0xFFFFC000  }
0x2bc: {  	_ =	swait.ge [sflag:s21], $0x4000  }
0x2bd: {  	[sflag:s21] =	ssyncset.done $0x0  }
0x2be: {  	[sflag:s21] =	ssyncadd.s32 $0xFFFFC000  }
0x2bf: {  	_ =	swait.ge [sflag:s21], $0x4000  }
0x2c0: {  	[sflag:s21] =	ssyncset.done $0x0  }
0x2c1: {  	[sflag:s21] =	ssyncadd.s32 $0xFFFFC000  }
0x2c2: {  	_ =	swait.ge [sflag:s21], $0x4000  }
0x2c3: {  	[sflag:s21] =	ssyncset.done $0x0  }
0x2c4: {  	[sflag:s21] =	ssyncadd.s32 $0xFFFFC000  }
.Ltmp4:
0x2c5: {  	_ =	swait.ge [sflag:s21], $0x4000;
	(pc) =	sbr.rel @p0 .LBB2_10-.Ltmp4, $4  }
0x2c6: {  	[sflag:s21] =	ssyncset.done $0x0  }
0x2c7: {  	[sflag:s21] =	ssyncadd.s32 $0xFFFFC000  }
0x2c8: {  	_ =	swait.ge [sflag:s21], $0x4000  }
0x2c9: {  	s10 =	smov.u32 s11;
	[sflag:s21] =	ssyncset.done $0x0  }
0x2ca: {  	s5 =	sadd.s32 s5, s13;
	[sflag:s21] =	ssyncadd.s32 $0xFFFFC000  }
0x2cb: {  	[tilespmem:s17], [sflag:$0x4] =	stream.linear.gather [hbm4b:s5+s4], $0x800, $0x38;
	[tilespmem:$0x1D000] =	vst v63  }
0x2cc: {  	_ =	swait.ge [sflag:s16], $0x800  }
0x2cd: {  	[sflag:s16] =	ssyncset.done $0x0  }
0x2ce: {  	[sflag:s16] =	ssyncadd.s32 $0xFFFFF800  }
0x2cf: {  	[spmem:s3] =	stream.indirect.scatter.add.f32 [tilespmem:s14], [sflag:$0x2], $0x80, s17, s18, $0xb8;
	[tilespmem:$0x1D000] =	vst v63  }
0x2d0: {  	_ = 	snop  }
0x2d1: {  	[spmem:s3] =	stream.indirect.scatter.add.f32 [tilespmem:s14], [sflag:$0x2], $0x80, s20, s18, $0xb8;
	[tilespmem:$0x1D000] =	vst v63  }
0x2d2: {  	_ = 	snop  }
0x2d3: {  	[spmem:s3] =	stream.indirect.scatter.add.f32 [tilespmem:s14], [sflag:$0x2], $0x80, s22, s18, $0xb8;
	[tilespmem:$0x1D000] =	vst v63  }
0x2d4: {  	_ = 	snop  }
0x2d5: {  	[spmem:s3] =	stream.indirect.scatter.add.f32 [tilespmem:s14], [sflag:$0x2], $0x80, s24, s18, $0xb8;
	[tilespmem:$0x1D000] =	vst v63  }
0x2d6: {  	_ = 	snop  }
0x2d7: {  	[spmem:s3] =	stream.indirect.scatter.add.f32 [tilespmem:s14], [sflag:$0x2], $0x80, s25, s18, $0xb8;
	[tilespmem:$0x1D000] =	vst v63  }
0x2d8: {  	_ = 	snop  }
0x2d9: {  	[spmem:s3] =	stream.indirect.scatter.add.f32 [tilespmem:s14], [sflag:$0x2], $0x80, s26, s18, $0xb8;
	[tilespmem:$0x1D000] =	vst v63  }
0x2da: {  	_ = 	snop  }
0x2db: {  	[spmem:s3] =	stream.indirect.scatter.add.f32 [tilespmem:s14], [sflag:$0x2], $0x80, s28, s18, $0xb8;
	[tilespmem:$0x1D000] =	vst v63  }
0x2dc: {  	_ = 	snop  }
0x2dd: {  	[spmem:s3] =	stream.indirect.scatter.add.f32 [tilespmem:s14], [sflag:$0x2], $0x80, s29, s18, $0xb8;
	[tilespmem:$0x1D000] =	vst v63  }
0x2de: {  	_ = 	snop  }
0x2df: {  	[spmem:s3] =	stream.indirect.scatter.add.f32 [tilespmem:s14], [sflag:$0x2], $0x80, s30, s18, $0xb8;
	[tilespmem:$0x1D000] =	vst v63  }
0x2e0: {  	_ = 	snop  }
0x2e1: {  	[spmem:s3] =	stream.indirect.scatter.add.f32 [tilespmem:s14], [sflag:$0x2], $0x80, s31, s18, $0xb8;
	[tilespmem:$0x1D000] =	vst v63  }
0x2e2: {  	_ = 	snop  }
0x2e3: {  	[spmem:s3] =	stream.indirect.scatter.add.f32 [tilespmem:s14], [sflag:$0x2], $0x80, s2, s18, $0xb8;
	[tilespmem:$0x1D000] =	vst v63  }
0x2e4: {  	_ = 	snop  }
0x2e5: {  	[spmem:s3] =	stream.indirect.scatter.add.f32 [tilespmem:s14], [sflag:$0x2], $0x80, s1, s18, $0xb8;
	[tilespmem:$0x1D000] =	vst v63  }
0x2e6: {  	_ = 	snop  }
0x2e7: {  	[spmem:s3] =	stream.indirect.scatter.add.f32 [tilespmem:s14], [sflag:$0x2], $0x80, s6, s18, $0xb8;
	[tilespmem:$0x1D000] =	vst v63  }
0x2e8: {  	_ = 	snop  }
0x2e9: {  	[spmem:s3] =	stream.indirect.scatter.add.f32 [tilespmem:s14], [sflag:$0x2], $0x80, s7, s18, $0xb8;
	[tilespmem:$0x1D000] =	vst v63  }
0x2ea: {  	_ = 	snop  }
0x2eb: {  	[spmem:s3] =	stream.indirect.scatter.add.f32 [tilespmem:s14], [sflag:$0x2], $0x80, s8, s18, $0xb8;
	[tilespmem:$0x1D000] =	vst v63  }
0x2ec: {  	_ = 	snop  }
0x2ed: {  	[spmem:s3] =	stream.indirect.scatter.add.f32 [tilespmem:s14], [sflag:$0x2], $0x80, s9, s18, $0xb8;
	[tilespmem:$0x1D000] =	vst v63  }
0x2ee: {  	_ =	swait.ge [sflag:s21], $0x4000  }
0x2ef: {  	[sflag:s21] =	ssyncset.done $0x0  }
0x2f0: {  	[sflag:s21] =	ssyncadd.s32 $0xFFFFC000  }
0x2f1: {  	_ =	swait.ge [sflag:s21], $0x4000  }
0x2f2: {  	[sflag:s21] =	ssyncset.done $0x0  }
0x2f3: {  	[sflag:s21] =	ssyncadd.s32 $0xFFFFC000  }
0x2f4: {  	_ =	swait.ge [sflag:s21], $0x4000  }
0x2f5: {  	[sflag:s21] =	ssyncset.done $0x0  }
0x2f6: {  	[sflag:s21] =	ssyncadd.s32 $0xFFFFC000  }
0x2f7: {  	_ =	swait.ge [sflag:s21], $0x4000  }
0x2f8: {  	[sflag:s21] =	ssyncset.done $0x0  }
0x2f9: {  	[sflag:s21] =	ssyncadd.s32 $0xFFFFC000  }
0x2fa: {  	_ =	swait.ge [sflag:s21], $0x4000  }
0x2fb: {  	[sflag:s21] =	ssyncset.done $0x0  }
0x2fc: {  	[sflag:s21] =	ssyncadd.s32 $0xFFFFC000  }
0x2fd: {  	_ =	swait.ge [sflag:s21], $0x4000  }
0x2fe: {  	[sflag:s21] =	ssyncset.done $0x0  }
0x2ff: {  	[sflag:s21] =	ssyncadd.s32 $0xFFFFC000  }
0x300: {  	_ =	swait.ge [sflag:s21], $0x4000  }
0x301: {  	[sflag:s21] =	ssyncset.done $0x0  }
0x302: {  	[sflag:s21] =	ssyncadd.s32 $0xFFFFC000  }
0x303: {  	_ =	swait.ge [sflag:s21], $0x4000  }
0x304: {  	[sflag:s21] =	ssyncset.done $0x0  }
0x305: {  	[sflag:s21] =	ssyncadd.s32 $0xFFFFC000  }
0x306: {  	_ =	swait.ge [sflag:s21], $0x4000  }
0x307: {  	[sflag:s21] =	ssyncset.done $0x0  }
0x308: {  	[sflag:s21] =	ssyncadd.s32 $0xFFFFC000  }
0x309: {  	_ =	swait.ge [sflag:s21], $0x4000  }
0x30a: {  	[sflag:s21] =	ssyncset.done $0x0  }
0x30b: {  	[sflag:s21] =	ssyncadd.s32 $0xFFFFC000  }
0x30c: {  	_ =	swait.ge [sflag:s21], $0x4000  }
0x30d: {  	[sflag:s21] =	ssyncset.done $0x0  }
0x30e: {  	[sflag:s21] =	ssyncadd.s32 $0xFFFFC000  }
0x30f: {  	_ =	swait.ge [sflag:s21], $0x4000  }
0x310: {  	[sflag:s21] =	ssyncset.done $0x0  }
0x311: {  	[sflag:s21] =	ssyncadd.s32 $0xFFFFC000  }
0x312: {  	_ =	swait.ge [sflag:s21], $0x4000  }
0x313: {  	[sflag:s21] =	ssyncset.done $0x0  }
0x314: {  	[sflag:s21] =	ssyncadd.s32 $0xFFFFC000  }
0x315: {  	_ =	swait.ge [sflag:s21], $0x4000  }
0x316: {  	[sflag:s21] =	ssyncset.done $0x0  }
0x317: {  	[sflag:s21] =	ssyncadd.s32 $0xFFFFC000  }
0x318: {  	_ =	swait.ge [sflag:s21], $0x4000  }
0x319: {  	[sflag:s21] =	ssyncset.done $0x0  }
0x31a: {  	[sflag:s21] =	ssyncadd.s32 $0xFFFFC000  }
0x31b: {  	_ =	swait.ge [sflag:s21], $0x4000  }
0x31c: {  	[sflag:s21] =	ssyncset.done $0x0  }
0x31d: {  	[sflag:s21] =	ssyncadd.s32 $0xFFFFC000  }
0x31e: {  	[bflag:$0x0] =	sbarrier.arrive $0xFFFF  }
0x31f: {  	s12 =	rddreg [dreg:$0x16]  }
0x320: {  	s10 =	rddreg [dreg:$0x1d]  }
0x321: {  	s11 =	rddreg [dreg:$0x1e]  }
0x322: {  	[hbm:s12], [sflag:s10] =	dma.local [spmem:s11], $0x2800  }
0x323: {  	_ =	swait.ge [sflag:s15], $0x2800  }
0x324: {  	s11 =	rddreg [dreg:$0x1c]  }
0x325: {  	s12 =	rddreg [dreg:$0x17];
	s10 =	sadd.s32 $0x1, s11  }
0x326: {  	p0 =	sne.s32 s10, s12  }
.Ltmp5:
0x327: {  	_ = 	snop;
	(pc) =	sbr.rel @p0 .LBB2_1-.Ltmp5, $3  }
0x328: {  	_ =	sdelay $0x1  }
0x329: {  	[sflag:s15] =	ssyncset.done $0x0  }
0x32a: {  	[sflag:s15] =	ssyncadd.s32 $0xFFFFD800  }
0x32b: {  	_ =	sfence.sel $0x180000  }
0x32c: {  	[bflag:$0x0] =	sbarrier.arrive $0xFFFF  }
0x32d: {  	_ =	strace $0x90000047  }
0x32e: {  	s0 =	stileid.u32;
	[bflag:$0x2] =	sbarrier.arrive $0xFFFF  }
0x32f: {  	p0 =	sne.s32 s0, $0x0;
	s0 =	rddreg [dreg:$0x4]  }
0x330: {  	s0 =	sadd.s32 @!p0 $0x100000, s0  }
0x331: {  	[sflag:s0] =	ssyncadd.tile.s32 @!p0 $0x1;
	_ =	shalt  }
.Lfunc_end2:
_tile_overlayer_lowered:
.L_overlay_start_2:
0x332: {  	(tag) =	ssettag $0x2  }
0x333: {  	s0 =	rddreg [dreg:$0x0];
	s2 =	stileid.u32  }
0x334: {  	s1 =	rddreg [dreg:$0x1];
	p0 =	sne.s32 s2, $0x0  }
0x335: {  	s3 =	rddreg [dreg:$0x2];
	[bflag:$0x3] =	sbarrier.arrive $0xFFFF;
	s2 =	simm.s32 @!p0 $0x1C04  }
0x336: {  	[timem:s3], [sflag:s2] =	dma.local @!p0 [hbm:s0], s1  }
0x337: {  	s0 =	simm.s32 @!p0 $0x4  }
0x338: {  	_ =	swait.ge @!p0 [sflag:s0], s1  }
0x339: {  	s1 =	ssub.s32 @!p0 $0x0, s1;
	[sflag:s0] =	ssyncset.done @!p0 $0x0  }
0x33a: {  	[sflag:s0] =	ssyncadd.s32 @!p0 s1  }
0x33b: {  	[bflag:$0x3] =	sbarrier.arrive $0xFFFF  }
0x33c: {  	_ =	shalt  }

</sc_bundles>
